<compile_context>
chip_gen: v7x
topology: tpu7x:2x2x1
jax: 0.10.2.dev20260603
libtpu: 0.0.44.dev20260713+nightly
codegen_flags: <defaults>
</compile_context>

<pallas_src>
import functools

import jax
import jax.numpy as jnp
from jax import lax
from jax.experimental import pallas as pl
from jax.experimental.pallas import tpu as pltpu
from jax.experimental.pallas import tpu_sc as plsc

B = 4096
D = 512
R = 6
S = 8

_info = plsc.get_sparse_core_info()
NC = _info.num_cores
NS = _info.num_subcores
L = _info.num_lanes
NW = NC * NS
BPW = B // NW
CH = 64
NCH = BPW // CH
NG = (R * D) // L

_mesh = plsc.VectorSubcoreMesh(core_axis_name="c", subcore_axis_name="s")


@functools.partial(
    pl.kernel,
    mesh=_mesh,
    compiler_params=pltpu.CompilerParams(needs_layout_passes=False),
    out_type=jax.ShapeDtypeStruct((B, 1, D), jnp.float32),
    scratch_types=[
        pltpu.VMEM((BPW + L,), jnp.int32),
        pltpu.VMEM((NG // NS * L * S,), jnp.float32),
        pltpu.VMEM((R * D,), jnp.float32),
        pltpu.VMEM_SHARED((R * D,), jnp.float32),
        pltpu.VMEM((2, CH, D), jnp.float32),
        pltpu.SemaphoreType.DMA,
        pltpu.SemaphoreType.DMA,
        pltpu.SemaphoreType.DMA,
        pltpu.SemaphoreType.DMA,
        pltpu.SemaphoreType.DMA,
        pltpu.SemaphoreType.DMA,
    ],
)
def _sc_walk(z_hbm, idx_hbm, w_hbm, out_hbm,
             idx_v, w_v, wsum_v, wsum_sh, z_v,
             sem_i, sem_w, sem_z0, sem_z1, sem_o0, sem_o1):
    sem_z = [sem_z0, sem_z1]
    sem_o = [sem_o0, sem_o1]
    sid = lax.axis_index("s")
    wid = sid * NC + lax.axis_index("c")
    base = wid * BPW
    GPT = NG // NS
    SLC = GPT * L * S

    cp_i = pltpu.async_copy(idx_hbm.at[pl.ds(base, BPW)], idx_v.at[pl.ds(0, BPW)],
                            sem_i)
    cp_w = pltpu.async_copy(w_hbm.at[pl.ds(sid * SLC, SLC)], w_v, sem_w)
    zload = [None, None]
    zload[0] = pltpu.async_copy(z_hbm.at[pl.ds(base, CH), 0], z_v.at[0], sem_z[0])

    iota = lax.iota(jnp.int32, L)
    cp_w.wait()

    for g in range(GPT):
        a0 = g * (L * S) + iota * S
        gs = [plsc.load_gather(w_v, [a0 + s]) for s in range(S)]
        while len(gs) > 1:
            gs = [gs[i] + gs[i + 1] for i in range(0, len(gs), 2)]
        wsum_v[pl.ds(g * L, L)] = gs[0]
    pltpu.sync_copy(wsum_v.at[pl.ds(0, GPT * L)],
                    wsum_sh.at[pl.ds(sid * GPT * L, GPT * L)])
    plsc.subcore_barrier()
    pltpu.sync_copy(wsum_sh, wsum_v)
    cp_i.wait()

    outw = [None, None]
    for ci in range(NCH):
        buf = ci % 2
        nbuf = (ci + 1) % 2
        if ci + 1 < NCH:
            if outw[nbuf] is not None:
                outw[nbuf].wait()
                outw[nbuf] = None
            zload[nbuf] = pltpu.async_copy(
                z_hbm.at[pl.ds(base + (ci + 1) * CH, CH), 0], z_v.at[nbuf],
                sem_z[nbuf])
        zload[buf].wait()

        @plsc.parallel_loop(0, CH)
        def row_body(r, ci=ci, buf=buf):
            tb = idx_v[pl.ds(ci * CH + r, L)][0] * D
            wvs = [wsum_v[pl.ds(tb + c * L, L)] for c in range(D // L)]
            for c in range(D // L):
                plsc.addupdate(z_v.at[buf, r, pl.ds(c * L, L)], wvs[c])
        outw[buf] = pltpu.async_copy(
            z_v.at[buf], out_hbm.at[pl.ds(base + ci * CH, CH), 0], sem_o[buf])
    for w in outw:
        if w is not None:
            w.wait()


def kernel(z, alpha, index_, w_blondhair):
    idx = index_.astype(jnp.int32)
    return _sc_walk(z, idx, w_blondhair.reshape(R * D * S))

# --- scband reference (transcript-rebuilt; emitter-appended) ---
"""Pipeline reference for scband-walk-embed-26362509263376 (READ-ONLY COPY).

The authoritative reference and input builder live on the scoring server;
editing this copy changes nothing except your own understanding.
"""

import jax, jax.numpy as jnp
import numpy as np

DIM_Z = 512
NSLIDERS = 8

def setup_inputs(seed: int = 0) -> dict:
    key = jax.random.key(seed)
    k1, k2, k3, k4 = jax.random.split(key, 4)
    z = jax.random.normal(k1, (4096, 1, DIM_Z), dtype=jnp.float32)
    alpha = jax.random.normal(k2, (4096, 1), dtype=jnp.float32)
    index_ = jax.random.randint(k3, (4096,), 0, 6, dtype=jnp.int64)
    # learned parameter: w_embed['blondhair'] ~ N(0, 0.02), shape [6, 1, dim_z, Nsliders]
    w_blondhair = 0.02 * jax.random.normal(k4, (6, 1, DIM_Z, NSLIDERS), dtype=jnp.float32)
    return {"z": z, "alpha": alpha, "index_": index_, "w_blondhair": w_blondhair}

def reference(z, alpha, index_, w_blondhair):
    # faithful translation of walk_embed.forward with name='blondhair'
    # gathered: w_embed[name][index_, :, :, i] -> shape [B, 1, dim_z]
    gathered = jnp.take(w_blondhair, index_, axis=0)  # [B, 1, dim_z, Nsliders]
    z_new = z
    for i in range(NSLIDERS):
        z_new = z_new + gathered[:, :, :, i]
    return z_new

if __name__ == "__main__":
    import jax
    _d = setup_inputs()
    print(jax.jit(kernel)(*tuple(_d.values())))

</pallas_src>

<mosaic_0001>
#map = affine_map<(d0, d1) -> (0, 0, 0)>
#map1 = affine_map<(d0, d1) -> (0)>
module attributes {stable_mosaic.version = 14 : i64} {
  func.func @_sc_walk(%arg0: i32, %arg1: i32, %arg2: memref<4096x1x512xf32, #tpu.memory_space<hbm>>, %arg3: memref<4096xi32, #tpu.memory_space<hbm>>, %arg4: memref<24576xf32, #tpu.memory_space<hbm>>, %arg5: memref<4096x1x512xf32, #tpu.memory_space<hbm>>, %arg6: memref<144xi32, #tpu.memory_space<vmem>>, %arg7: memref<1536xf32, #tpu.memory_space<vmem>>, %arg8: memref<3072xf32, #tpu.memory_space<vmem>>, %arg9: memref<3072xf32, #tpu.memory_space<vmem_shared>>, %arg10: memref<2x64x512xf32, #tpu.memory_space<vmem>>, %arg11: memref<!tpu.dma_semaphore, #tpu.memory_space<semaphore_mem>>, %arg12: memref<!tpu.dma_semaphore, #tpu.memory_space<semaphore_mem>>, %arg13: memref<!tpu.dma_semaphore, #tpu.memory_space<semaphore_mem>>, %arg14: memref<!tpu.dma_semaphore, #tpu.memory_space<semaphore_mem>>, %arg15: memref<!tpu.dma_semaphore, #tpu.memory_space<semaphore_mem>>, %arg16: memref<!tpu.dma_semaphore, #tpu.memory_space<semaphore_mem>>) attributes {dimension_semantics = [#tpu.dimension_semantics<core_parallel>, #tpu.dimension_semantics<subcore_parallel>], iteration_bounds = array<i64: 2, 16>, scalar_prefetch = 0 : i64, scratch_operands = 11 : i64, tpu.core_type = #tpu.core_type<sc_vector_subcore>, window_params = [{transform_indices = #map}, {transform_indices = #map1}, {transform_indices = #map1}, {transform_indices = #map}]} {
    %mul3A = arith.constant 2 : i32
    %mul3A_0 = arith.muli %arg1, %mul3A : i32
    %add3A = arith.addi %mul3A_0, %arg0 : i32
    %mul3A_1 = arith.constant 128 : i32
    %mul3A_2 = arith.muli %add3A, %mul3A_1 : i32
    %dma_start3A = arith.constant 0 : i32
    %dma_start3A_3 = tpu.memref_slice %arg6[%dma_start3A] : memref<144xi32, #tpu.memory_space<vmem>> -> memref<128xi32, #tpu.memory_space<vmem>>
    %dma_start3A_4 = tpu.memref_slice %arg3[%mul3A_2] : memref<4096xi32, #tpu.memory_space<hbm>> -> memref<128xi32, #tpu.memory_space<hbm>>
    %dma_start3A_5 = arith.constant 0 : i32
    %dma_start3A_6 = tpu.memref_slice %arg6[%dma_start3A_5] : memref<144xi32, #tpu.memory_space<vmem>> -> memref<128xi32, #tpu.memory_space<vmem>>
    %dma_start3A_7 = tpu.memref_slice %arg3[%mul3A_2] : memref<4096xi32, #tpu.memory_space<hbm>> -> memref<128xi32, #tpu.memory_space<hbm>>
    tpu.enqueue_dma source(%dma_start3A_7 : memref<128xi32, #tpu.memory_space<hbm>>) target(%dma_start3A_6 : memref<128xi32, #tpu.memory_space<vmem>>) target_semaphore(%arg11 : memref<!tpu.dma_semaphore, #tpu.memory_space<semaphore_mem>>)
    %mul3A_8 = arith.constant 1536 : i32
    %mul3A_9 = arith.muli %arg1, %mul3A_8 : i32
    %dma_start3A_10 = tpu.memref_slice %arg4[%mul3A_9] : memref<24576xf32, #tpu.memory_space<hbm>> -> memref<1536xf32, #tpu.memory_space<hbm>>
    %dma_start3A_11 = tpu.memref_slice %arg4[%mul3A_9] : memref<24576xf32, #tpu.memory_space<hbm>> -> memref<1536xf32, #tpu.memory_space<hbm>>
    tpu.enqueue_dma source(%dma_start3A_11 : memref<1536xf32, #tpu.memory_space<hbm>>) target(%arg7 : memref<1536xf32, #tpu.memory_space<vmem>>) target_semaphore(%arg12 : memref<!tpu.dma_semaphore, #tpu.memory_space<semaphore_mem>>)
    %dma_start3A_12 = arith.constant 0 : i32
    %dma_start3A_13 = arith.constant 0 : i32
    %dma_start3A_14 = arith.constant 0 : i32
    %dma_start3A_15 = arith.constant 0 : i32
    %dma_start3A_16 = tpu.memref_slice %arg10[%dma_start3A_13, %dma_start3A_14, %dma_start3A_15] : memref<2x64x512xf32, #tpu.memory_space<vmem>> -> memref<1x64x512xf32, #tpu.memory_space<vmem>>
    %dma_start3A_17 = tpu.memref_squeeze %dma_start3A_16 : memref<1x64x512xf32, #tpu.memory_space<vmem>> -> memref<64x512xf32, #tpu.memory_space<vmem>>
    %dma_start3A_18 = arith.constant 0 : i32
    %dma_start3A_19 = tpu.memref_slice %arg2[%mul3A_2, %dma_start3A_12, %dma_start3A_18] : memref<4096x1x512xf32, #tpu.memory_space<hbm>> -> memref<64x1x512xf32, #tpu.memory_space<hbm>>
    %dma_start3A_20 = tpu.memref_squeeze %dma_start3A_19 : memref<64x1x512xf32, #tpu.memory_space<hbm>> -> memref<64x512xf32, #tpu.memory_space<hbm>>
    %dma_start3A_21 = arith.constant 0 : i32
    %dma_start3A_22 = arith.constant 0 : i32
    %dma_start3A_23 = tpu.memref_slice %arg10[%dma_start3A_13, %dma_start3A_21, %dma_start3A_22] : memref<2x64x512xf32, #tpu.memory_space<vmem>> -> memref<1x64x512xf32, #tpu.memory_space<vmem>>
    %dma_start3A_24 = tpu.memref_squeeze %dma_start3A_23 : memref<1x64x512xf32, #tpu.memory_space<vmem>> -> memref<64x512xf32, #tpu.memory_space<vmem>>
    %dma_start3A_25 = arith.constant 0 : i32
    %dma_start3A_26 = tpu.memref_slice %arg2[%mul3A_2, %dma_start3A_12, %dma_start3A_25] : memref<4096x1x512xf32, #tpu.memory_space<hbm>> -> memref<64x1x512xf32, #tpu.memory_space<hbm>>
    %dma_start3A_27 = tpu.memref_squeeze %dma_start3A_26 : memref<64x1x512xf32, #tpu.memory_space<hbm>> -> memref<64x512xf32, #tpu.memory_space<hbm>>
    tpu.enqueue_dma source(%dma_start3A_27 : memref<64x512xf32, #tpu.memory_space<hbm>>) target(%dma_start3A_24 : memref<64x512xf32, #tpu.memory_space<vmem>>) target_semaphore(%arg13 : memref<!tpu.dma_semaphore, #tpu.memory_space<semaphore_mem>>)
    %iota3A = tpu.iota {dimensions = array<i32: 0>} : vector<16xi32>
    %dma_wait3A = tpu.memref_slice %arg4[%mul3A_9] : memref<24576xf32, #tpu.memory_space<hbm>> -> memref<1536xf32, #tpu.memory_space<hbm>>
    %dma_wait3A_28 = tpu.memref_slice %arg4[%mul3A_9] : memref<24576xf32, #tpu.memory_space<hbm>> -> memref<1536xf32, #tpu.memory_space<hbm>>
    tpu.wait_dma2 semaphore(%arg12 : memref<!tpu.dma_semaphore, #tpu.memory_space<semaphore_mem>>) src(%dma_wait3A_28 : memref<1536xf32, #tpu.memory_space<hbm>>) dst(%arg7 : memref<1536xf32, #tpu.memory_space<vmem>>)
    %mul3A_29 = arith.constant 8 : i32
    %mul3A_30 = vector.broadcast %mul3A_29 : i32 to vector<16xi32>
    %mul3A_31 = arith.muli %iota3A, %mul3A_30 : vector<16xi32>
    %add3A_32 = arith.constant 0 : i32
    %add3A_33 = vector.broadcast %add3A_32 : i32 to vector<16xi32>
    %add3A_34 = arith.addi %add3A_33, %mul3A_31 : vector<16xi32>
    %add3A_35 = arith.constant 0 : i32
    %add3A_36 = vector.broadcast %add3A_35 : i32 to vector<16xi32>
    %add3A_37 = arith.addi %add3A_34, %add3A_36 : vector<16xi32>
    %gather3A = tpu.vector_load_idx %arg7[%add3A_37] : memref<1536xf32, #tpu.memory_space<vmem>>[vector<16xi32>], vector<16xf32>,
    %add3A_38 = arith.constant 1 : i32
    %add3A_39 = vector.broadcast %add3A_38 : i32 to vector<16xi32>
    %add3A_40 = arith.addi %add3A_34, %add3A_39 : vector<16xi32>
    %gather3A_41 = tpu.vector_load_idx %arg7[%add3A_40] : memref<1536xf32, #tpu.memory_space<vmem>>[vector<16xi32>], vector<16xf32>,
    %add3A_42 = arith.constant 2 : i32
    %add3A_43 = vector.broadcast %add3A_42 : i32 to vector<16xi32>
    %add3A_44 = arith.addi %add3A_34, %add3A_43 : vector<16xi32>
    %gather3A_45 = tpu.vector_load_idx %arg7[%add3A_44] : memref<1536xf32, #tpu.memory_space<vmem>>[vector<16xi32>], vector<16xf32>,
    %add3A_46 = arith.constant 3 : i32
    %add3A_47 = vector.broadcast %add3A_46 : i32 to vector<16xi32>
    %add3A_48 = arith.addi %add3A_34, %add3A_47 : vector<16xi32>
    %gather3A_49 = tpu.vector_load_idx %arg7[%add3A_48] : memref<1536xf32, #tpu.memory_space<vmem>>[vector<16xi32>], vector<16xf32>,
    %add3A_50 = arith.constant 4 : i32
    %add3A_51 = vector.broadcast %add3A_50 : i32 to vector<16xi32>
    %add3A_52 = arith.addi %add3A_34, %add3A_51 : vector<16xi32>
    %gather3A_53 = tpu.vector_load_idx %arg7[%add3A_52] : memref<1536xf32, #tpu.memory_space<vmem>>[vector<16xi32>], vector<16xf32>,
    %add3A_54 = arith.constant 5 : i32
    %add3A_55 = vector.broadcast %add3A_54 : i32 to vector<16xi32>
    %add3A_56 = arith.addi %add3A_34, %add3A_55 : vector<16xi32>
    %gather3A_57 = tpu.vector_load_idx %arg7[%add3A_56] : memref<1536xf32, #tpu.memory_space<vmem>>[vector<16xi32>], vector<16xf32>,
    %add3A_58 = arith.constant 6 : i32
    %add3A_59 = vector.broadcast %add3A_58 : i32 to vector<16xi32>
    %add3A_60 = arith.addi %add3A_34, %add3A_59 : vector<16xi32>
    %gather3A_61 = tpu.vector_load_idx %arg7[%add3A_60] : memref<1536xf32, #tpu.memory_space<vmem>>[vector<16xi32>], vector<16xf32>,
    %add3A_62 = arith.constant 7 : i32
    %add3A_63 = vector.broadcast %add3A_62 : i32 to vector<16xi32>
    %add3A_64 = arith.addi %add3A_34, %add3A_63 : vector<16xi32>
    %gather3A_65 = tpu.vector_load_idx %arg7[%add3A_64] : memref<1536xf32, #tpu.memory_space<vmem>>[vector<16xi32>], vector<16xf32>,
    %add3A_66 = arith.addf %gather3A, %gather3A_41 : vector<16xf32>
    %add3A_67 = arith.addf %gather3A_45, %gather3A_49 : vector<16xf32>
    %add3A_68 = arith.addf %gather3A_53, %gather3A_57 : vector<16xf32>
    %add3A_69 = arith.addf %gather3A_61, %gather3A_65 : vector<16xf32>
    %add3A_70 = arith.addf %add3A_66, %add3A_67 : vector<16xf32>
    %add3A_71 = arith.addf %add3A_68, %add3A_69 : vector<16xf32>
    %add3A_72 = arith.addf %add3A_70, %add3A_71 : vector<16xf32>
    %swap3A = arith.constant 0 : index
    %swap3A_73 = tpu.vector_load %arg8[%swap3A] {strides = array<i32>} : memref<3072xf32, #tpu.memory_space<vmem>>, vector<16xf32>,
    tpu.vector_store %arg8[%swap3A], %add3A_72 {strides = array<i32>} : memref<3072xf32, #tpu.memory_space<vmem>>, vector<16xf32>,
    %mul3A_74 = arith.constant 8 : i32
    %mul3A_75 = vector.broadcast %mul3A_74 : i32 to vector<16xi32>
    %mul3A_76 = arith.muli %iota3A, %mul3A_75 : vector<16xi32>
    %add3A_77 = arith.constant 128 : i32
    %add3A_78 = vector.broadcast %add3A_77 : i32 to vector<16xi32>
    %add3A_79 = arith.addi %add3A_78, %mul3A_76 : vector<16xi32>
    %add3A_80 = arith.constant 0 : i32
    %add3A_81 = vector.broadcast %add3A_80 : i32 to vector<16xi32>
    %add3A_82 = arith.addi %add3A_79, %add3A_81 : vector<16xi32>
    %gather3A_83 = tpu.vector_load_idx %arg7[%add3A_82] : memref<1536xf32, #tpu.memory_space<vmem>>[vector<16xi32>], vector<16xf32>,
    %add3A_84 = arith.constant 1 : i32
    %add3A_85 = vector.broadcast %add3A_84 : i32 to vector<16xi32>
    %add3A_86 = arith.addi %add3A_79, %add3A_85 : vector<16xi32>
    %gather3A_87 = tpu.vector_load_idx %arg7[%add3A_86] : memref<1536xf32, #tpu.memory_space<vmem>>[vector<16xi32>], vector<16xf32>,
    %add3A_88 = arith.constant 2 : i32
    %add3A_89 = vector.broadcast %add3A_88 : i32 to vector<16xi32>
    %add3A_90 = arith.addi %add3A_79, %add3A_89 : vector<16xi32>
    %gather3A_91 = tpu.vector_load_idx %arg7[%add3A_90] : memref<1536xf32, #tpu.memory_space<vmem>>[vector<16xi32>], vector<16xf32>,
    %add3A_92 = arith.constant 3 : i32
    %add3A_93 = vector.broadcast %add3A_92 : i32 to vector<16xi32>
    %add3A_94 = arith.addi %add3A_79, %add3A_93 : vector<16xi32>
    %gather3A_95 = tpu.vector_load_idx %arg7[%add3A_94] : memref<1536xf32, #tpu.memory_space<vmem>>[vector<16xi32>], vector<16xf32>,
    %add3A_96 = arith.constant 4 : i32
    %add3A_97 = vector.broadcast %add3A_96 : i32 to vector<16xi32>
    %add3A_98 = arith.addi %add3A_79, %add3A_97 : vector<16xi32>
    %gather3A_99 = tpu.vector_load_idx %arg7[%add3A_98] : memref<1536xf32, #tpu.memory_space<vmem>>[vector<16xi32>], vector<16xf32>,
    %add3A_100 = arith.constant 5 : i32
    %add3A_101 = vector.broadcast %add3A_100 : i32 to vector<16xi32>
    %add3A_102 = arith.addi %add3A_79, %add3A_101 : vector<16xi32>
    %gather3A_103 = tpu.vector_load_idx %arg7[%add3A_102] : memref<1536xf32, #tpu.memory_space<vmem>>[vector<16xi32>], vector<16xf32>,
    %add3A_104 = arith.constant 6 : i32
    %add3A_105 = vector.broadcast %add3A_104 : i32 to vector<16xi32>
    %add3A_106 = arith.addi %add3A_79, %add3A_105 : vector<16xi32>
    %gather3A_107 = tpu.vector_load_idx %arg7[%add3A_106] : memref<1536xf32, #tpu.memory_space<vmem>>[vector<16xi32>], vector<16xf32>,
    %add3A_108 = arith.constant 7 : i32
    %add3A_109 = vector.broadcast %add3A_108 : i32 to vector<16xi32>
    %add3A_110 = arith.addi %add3A_79, %add3A_109 : vector<16xi32>
    %gather3A_111 = tpu.vector_load_idx %arg7[%add3A_110] : memref<1536xf32, #tpu.memory_space<vmem>>[vector<16xi32>], vector<16xf32>,
    %add3A_112 = arith.addf %gather3A_83, %gather3A_87 : vector<16xf32>
    %add3A_113 = arith.addf %gather3A_91, %gather3A_95 : vector<16xf32>
    %add3A_114 = arith.addf %gather3A_99, %gather3A_103 : vector<16xf32>
    %add3A_115 = arith.addf %gather3A_107, %gather3A_111 : vector<16xf32>
    %add3A_116 = arith.addf %add3A_112, %add3A_113 : vector<16xf32>
    %add3A_117 = arith.addf %add3A_114, %add3A_115 : vector<16xf32>
    %add3A_118 = arith.addf %add3A_116, %add3A_117 : vector<16xf32>
    %swap3A_119 = arith.constant 16 : index
    %swap3A_120 = tpu.vector_load %arg8[%swap3A_119] {strides = array<i32>} : memref<3072xf32, #tpu.memory_space<vmem>>, vector<16xf32>,
    tpu.vector_store %arg8[%swap3A_119], %add3A_118 {strides = array<i32>} : memref<3072xf32, #tpu.memory_space<vmem>>, vector<16xf32>,
    %mul3A_121 = arith.constant 8 : i32
    %mul3A_122 = vector.broadcast %mul3A_121 : i32 to vector<16xi32>
    %mul3A_123 = arith.muli %iota3A, %mul3A_122 : vector<16xi32>
    %add3A_124 = arith.constant 256 : i32
    %add3A_125 = vector.broadcast %add3A_124 : i32 to vector<16xi32>
    %add3A_126 = arith.addi %add3A_125, %mul3A_123 : vector<16xi32>
    %add3A_127 = arith.constant 0 : i32
    %add3A_128 = vector.broadcast %add3A_127 : i32 to vector<16xi32>
    %add3A_129 = arith.addi %add3A_126, %add3A_128 : vector<16xi32>
    %gather3A_130 = tpu.vector_load_idx %arg7[%add3A_129] : memref<1536xf32, #tpu.memory_space<vmem>>[vector<16xi32>], vector<16xf32>,
    %add3A_131 = arith.constant 1 : i32
    %add3A_132 = vector.broadcast %add3A_131 : i32 to vector<16xi32>
    %add3A_133 = arith.addi %add3A_126, %add3A_132 : vector<16xi32>
    %gather3A_134 = tpu.vector_load_idx %arg7[%add3A_133] : memref<1536xf32, #tpu.memory_space<vmem>>[vector<16xi32>], vector<16xf32>,
    %add3A_135 = arith.constant 2 : i32
    %add3A_136 = vector.broadcast %add3A_135 : i32 to vector<16xi32>
    %add3A_137 = arith.addi %add3A_126, %add3A_136 : vector<16xi32>
    %gather3A_138 = tpu.vector_load_idx %arg7[%add3A_137] : memref<1536xf32, #tpu.memory_space<vmem>>[vector<16xi32>], vector<16xf32>,
    %add3A_139 = arith.constant 3 : i32
    %add3A_140 = vector.broadcast %add3A_139 : i32 to vector<16xi32>
    %add3A_141 = arith.addi %add3A_126, %add3A_140 : vector<16xi32>
    %gather3A_142 = tpu.vector_load_idx %arg7[%add3A_141] : memref<1536xf32, #tpu.memory_space<vmem>>[vector<16xi32>], vector<16xf32>,
    %add3A_143 = arith.constant 4 : i32
    %add3A_144 = vector.broadcast %add3A_143 : i32 to vector<16xi32>
    %add3A_145 = arith.addi %add3A_126, %add3A_144 : vector<16xi32>
    %gather3A_146 = tpu.vector_load_idx %arg7[%add3A_145] : memref<1536xf32, #tpu.memory_space<vmem>>[vector<16xi32>], vector<16xf32>,
    %add3A_147 = arith.constant 5 : i32
    %add3A_148 = vector.broadcast %add3A_147 : i32 to vector<16xi32>
    %add3A_149 = arith.addi %add3A_126, %add3A_148 : vector<16xi32>
    %gather3A_150 = tpu.vector_load_idx %arg7[%add3A_149] : memref<1536xf32, #tpu.memory_space<vmem>>[vector<16xi32>], vector<16xf32>,
    %add3A_151 = arith.constant 6 : i32
    %add3A_152 = vector.broadcast %add3A_151 : i32 to vector<16xi32>
    %add3A_153 = arith.addi %add3A_126, %add3A_152 : vector<16xi32>
    %gather3A_154 = tpu.vector_load_idx %arg7[%add3A_153] : memref<1536xf32, #tpu.memory_space<vmem>>[vector<16xi32>], vector<16xf32>,
    %add3A_155 = arith.constant 7 : i32
    %add3A_156 = vector.broadcast %add3A_155 : i32 to vector<16xi32>
    %add3A_157 = arith.addi %add3A_126, %add3A_156 : vector<16xi32>
    %gather3A_158 = tpu.vector_load_idx %arg7[%add3A_157] : memref<1536xf32, #tpu.memory_space<vmem>>[vector<16xi32>], vector<16xf32>,
    %add3A_159 = arith.addf %gather3A_130, %gather3A_134 : vector<16xf32>
    %add3A_160 = arith.addf %gather3A_138, %gather3A_142 : vector<16xf32>
    %add3A_161 = arith.addf %gather3A_146, %gather3A_150 : vector<16xf32>
    %add3A_162 = arith.addf %gather3A_154, %gather3A_158 : vector<16xf32>
    %add3A_163 = arith.addf %add3A_159, %add3A_160 : vector<16xf32>
    %add3A_164 = arith.addf %add3A_161, %add3A_162 : vector<16xf32>
    %add3A_165 = arith.addf %add3A_163, %add3A_164 : vector<16xf32>
    %swap3A_166 = arith.constant 32 : index
    %swap3A_167 = tpu.vector_load %arg8[%swap3A_166] {strides = array<i32>} : memref<3072xf32, #tpu.memory_space<vmem>>, vector<16xf32>,
    tpu.vector_store %arg8[%swap3A_166], %add3A_165 {strides = array<i32>} : memref<3072xf32, #tpu.memory_space<vmem>>, vector<16xf32>,
    %mul3A_168 = arith.constant 8 : i32
    %mul3A_169 = vector.broadcast %mul3A_168 : i32 to vector<16xi32>
    %mul3A_170 = arith.muli %iota3A, %mul3A_169 : vector<16xi32>
    %add3A_171 = arith.constant 384 : i32
    %add3A_172 = vector.broadcast %add3A_171 : i32 to vector<16xi32>
    %add3A_173 = arith.addi %add3A_172, %mul3A_170 : vector<16xi32>
    %add3A_174 = arith.constant 0 : i32
    %add3A_175 = vector.broadcast %add3A_174 : i32 to vector<16xi32>
    %add3A_176 = arith.addi %add3A_173, %add3A_175 : vector<16xi32>
    %gather3A_177 = tpu.vector_load_idx %arg7[%add3A_176] : memref<1536xf32, #tpu.memory_space<vmem>>[vector<16xi32>], vector<16xf32>,
    %add3A_178 = arith.constant 1 : i32
    %add3A_179 = vector.broadcast %add3A_178 : i32 to vector<16xi32>
    %add3A_180 = arith.addi %add3A_173, %add3A_179 : vector<16xi32>
    %gather3A_181 = tpu.vector_load_idx %arg7[%add3A_180] : memref<1536xf32, #tpu.memory_space<vmem>>[vector<16xi32>], vector<16xf32>,
    %add3A_182 = arith.constant 2 : i32
    %add3A_183 = vector.broadcast %add3A_182 : i32 to vector<16xi32>
    %add3A_184 = arith.addi %add3A_173, %add3A_183 : vector<16xi32>
    %gather3A_185 = tpu.vector_load_idx %arg7[%add3A_184] : memref<1536xf32, #tpu.memory_space<vmem>>[vector<16xi32>], vector<16xf32>,
    %add3A_186 = arith.constant 3 : i32
    %add3A_187 = vector.broadcast %add3A_186 : i32 to vector<16xi32>
    %add3A_188 = arith.addi %add3A_173, %add3A_187 : vector<16xi32>
    %gather3A_189 = tpu.vector_load_idx %arg7[%add3A_188] : memref<1536xf32, #tpu.memory_space<vmem>>[vector<16xi32>], vector<16xf32>,
    %add3A_190 = arith.constant 4 : i32
    %add3A_191 = vector.broadcast %add3A_190 : i32 to vector<16xi32>
    %add3A_192 = arith.addi %add3A_173, %add3A_191 : vector<16xi32>
    %gather3A_193 = tpu.vector_load_idx %arg7[%add3A_192] : memref<1536xf32, #tpu.memory_space<vmem>>[vector<16xi32>], vector<16xf32>,
    %add3A_194 = arith.constant 5 : i32
    %add3A_195 = vector.broadcast %add3A_194 : i32 to vector<16xi32>
    %add3A_196 = arith.addi %add3A_173, %add3A_195 : vector<16xi32>
    %gather3A_197 = tpu.vector_load_idx %arg7[%add3A_196] : memref<1536xf32, #tpu.memory_space<vmem>>[vector<16xi32>], vector<16xf32>,
    %add3A_198 = arith.constant 6 : i32
    %add3A_199 = vector.broadcast %add3A_198 : i32 to vector<16xi32>
    %add3A_200 = arith.addi %add3A_173, %add3A_199 : vector<16xi32>
    %gather3A_201 = tpu.vector_load_idx %arg7[%add3A_200] : memref<1536xf32, #tpu.memory_space<vmem>>[vector<16xi32>], vector<16xf32>,
    %add3A_202 = arith.constant 7 : i32
    %add3A_203 = vector.broadcast %add3A_202 : i32 to vector<16xi32>
    %add3A_204 = arith.addi %add3A_173, %add3A_203 : vector<16xi32>
    %gather3A_205 = tpu.vector_load_idx %arg7[%add3A_204] : memref<1536xf32, #tpu.memory_space<vmem>>[vector<16xi32>], vector<16xf32>,
    %add3A_206 = arith.addf %gather3A_177, %gather3A_181 : vector<16xf32>
    %add3A_207 = arith.addf %gather3A_185, %gather3A_189 : vector<16xf32>
    %add3A_208 = arith.addf %gather3A_193, %gather3A_197 : vector<16xf32>
    %add3A_209 = arith.addf %gather3A_201, %gather3A_205 : vector<16xf32>
    %add3A_210 = arith.addf %add3A_206, %add3A_207 : vector<16xf32>
    %add3A_211 = arith.addf %add3A_208, %add3A_209 : vector<16xf32>
    %add3A_212 = arith.addf %add3A_210, %add3A_211 : vector<16xf32>
    %swap3A_213 = arith.constant 48 : index
    %swap3A_214 = tpu.vector_load %arg8[%swap3A_213] {strides = array<i32>} : memref<3072xf32, #tpu.memory_space<vmem>>, vector<16xf32>,
    tpu.vector_store %arg8[%swap3A_213], %add3A_212 {strides = array<i32>} : memref<3072xf32, #tpu.memory_space<vmem>>, vector<16xf32>,
    %mul3A_215 = arith.constant 8 : i32
    %mul3A_216 = vector.broadcast %mul3A_215 : i32 to vector<16xi32>
    %mul3A_217 = arith.muli %iota3A, %mul3A_216 : vector<16xi32>
    %add3A_218 = arith.constant 512 : i32
    %add3A_219 = vector.broadcast %add3A_218 : i32 to vector<16xi32>
    %add3A_220 = arith.addi %add3A_219, %mul3A_217 : vector<16xi32>
    %add3A_221 = arith.constant 0 : i32
    %add3A_222 = vector.broadcast %add3A_221 : i32 to vector<16xi32>
    %add3A_223 = arith.addi %add3A_220, %add3A_222 : vector<16xi32>
    %gather3A_224 = tpu.vector_load_idx %arg7[%add3A_223] : memref<1536xf32, #tpu.memory_space<vmem>>[vector<16xi32>], vector<16xf32>,
    %add3A_225 = arith.constant 1 : i32
    %add3A_226 = vector.broadcast %add3A_225 : i32 to vector<16xi32>
    %add3A_227 = arith.addi %add3A_220, %add3A_226 : vector<16xi32>
    %gather3A_228 = tpu.vector_load_idx %arg7[%add3A_227] : memref<1536xf32, #tpu.memory_space<vmem>>[vector<16xi32>], vector<16xf32>,
    %add3A_229 = arith.constant 2 : i32
    %add3A_230 = vector.broadcast %add3A_229 : i32 to vector<16xi32>
    %add3A_231 = arith.addi %add3A_220, %add3A_230 : vector<16xi32>
    %gather3A_232 = tpu.vector_load_idx %arg7[%add3A_231] : memref<1536xf32, #tpu.memory_space<vmem>>[vector<16xi32>], vector<16xf32>,
    %add3A_233 = arith.constant 3 : i32
    %add3A_234 = vector.broadcast %add3A_233 : i32 to vector<16xi32>
    %add3A_235 = arith.addi %add3A_220, %add3A_234 : vector<16xi32>
    %gather3A_236 = tpu.vector_load_idx %arg7[%add3A_235] : memref<1536xf32, #tpu.memory_space<vmem>>[vector<16xi32>], vector<16xf32>,
    %add3A_237 = arith.constant 4 : i32
    %add3A_238 = vector.broadcast %add3A_237 : i32 to vector<16xi32>
    %add3A_239 = arith.addi %add3A_220, %add3A_238 : vector<16xi32>
    %gather3A_240 = tpu.vector_load_idx %arg7[%add3A_239] : memref<1536xf32, #tpu.memory_space<vmem>>[vector<16xi32>], vector<16xf32>,
    %add3A_241 = arith.constant 5 : i32
    %add3A_242 = vector.broadcast %add3A_241 : i32 to vector<16xi32>
    %add3A_243 = arith.addi %add3A_220, %add3A_242 : vector<16xi32>
    %gather3A_244 = tpu.vector_load_idx %arg7[%add3A_243] : memref<1536xf32, #tpu.memory_space<vmem>>[vector<16xi32>], vector<16xf32>,
    %add3A_245 = arith.constant 6 : i32
    %add3A_246 = vector.broadcast %add3A_245 : i32 to vector<16xi32>
    %add3A_247 = arith.addi %add3A_220, %add3A_246 : vector<16xi32>
    %gather3A_248 = tpu.vector_load_idx %arg7[%add3A_247] : memref<1536xf32, #tpu.memory_space<vmem>>[vector<16xi32>], vector<16xf32>,
    %add3A_249 = arith.constant 7 : i32
    %add3A_250 = vector.broadcast %add3A_249 : i32 to vector<16xi32>
    %add3A_251 = arith.addi %add3A_220, %add3A_250 : vector<16xi32>
    %gather3A_252 = tpu.vector_load_idx %arg7[%add3A_251] : memref<1536xf32, #tpu.memory_space<vmem>>[vector<16xi32>], vector<16xf32>,
    %add3A_253 = arith.addf %gather3A_224, %gather3A_228 : vector<16xf32>
    %add3A_254 = arith.addf %gather3A_232, %gather3A_236 : vector<16xf32>
    %add3A_255 = arith.addf %gather3A_240, %gather3A_244 : vector<16xf32>
    %add3A_256 = arith.addf %gather3A_248, %gather3A_252 : vector<16xf32>
    %add3A_257 = arith.addf %add3A_253, %add3A_254 : vector<16xf32>
    %add3A_258 = arith.addf %add3A_255, %add3A_256 : vector<16xf32>
    %add3A_259 = arith.addf %add3A_257, %add3A_258 : vector<16xf32>
    %swap3A_260 = arith.constant 64 : index
    %swap3A_261 = tpu.vector_load %arg8[%swap3A_260] {strides = array<i32>} : memref<3072xf32, #tpu.memory_space<vmem>>, vector<16xf32>,
    tpu.vector_store %arg8[%swap3A_260], %add3A_259 {strides = array<i32>} : memref<3072xf32, #tpu.memory_space<vmem>>, vector<16xf32>,
    %mul3A_262 = arith.constant 8 : i32
    %mul3A_263 = vector.broadcast %mul3A_262 : i32 to vector<16xi32>
    %mul3A_264 = arith.muli %iota3A, %mul3A_263 : vector<16xi32>
    %add3A_265 = arith.constant 640 : i32
    %add3A_266 = vector.broadcast %add3A_265 : i32 to vector<16xi32>
    %add3A_267 = arith.addi %add3A_266, %mul3A_264 : vector<16xi32>
    %add3A_268 = arith.constant 0 : i32
    %add3A_269 = vector.broadcast %add3A_268 : i32 to vector<16xi32>
    %add3A_270 = arith.addi %add3A_267, %add3A_269 : vector<16xi32>
    %gather3A_271 = tpu.vector_load_idx %arg7[%add3A_270] : memref<1536xf32, #tpu.memory_space<vmem>>[vector<16xi32>], vector<16xf32>,
    %add3A_272 = arith.constant 1 : i32
    %add3A_273 = vector.broadcast %add3A_272 : i32 to vector<16xi32>
    %add3A_274 = arith.addi %add3A_267, %add3A_273 : vector<16xi32>
    %gather3A_275 = tpu.vector_load_idx %arg7[%add3A_274] : memref<1536xf32, #tpu.memory_space<vmem>>[vector<16xi32>], vector<16xf32>,
    %add3A_276 = arith.constant 2 : i32
    %add3A_277 = vector.broadcast %add3A_276 : i32 to vector<16xi32>
    %add3A_278 = arith.addi %add3A_267, %add3A_277 : vector<16xi32>
    %gather3A_279 = tpu.vector_load_idx %arg7[%add3A_278] : memref<1536xf32, #tpu.memory_space<vmem>>[vector<16xi32>], vector<16xf32>,
    %add3A_280 = arith.constant 3 : i32
    %add3A_281 = vector.broadcast %add3A_280 : i32 to vector<16xi32>
    %add3A_282 = arith.addi %add3A_267, %add3A_281 : vector<16xi32>
    %gather3A_283 = tpu.vector_load_idx %arg7[%add3A_282] : memref<1536xf32, #tpu.memory_space<vmem>>[vector<16xi32>], vector<16xf32>,
    %add3A_284 = arith.constant 4 : i32
    %add3A_285 = vector.broadcast %add3A_284 : i32 to vector<16xi32>
    %add3A_286 = arith.addi %add3A_267, %add3A_285 : vector<16xi32>
    %gather3A_287 = tpu.vector_load_idx %arg7[%add3A_286] : memref<1536xf32, #tpu.memory_space<vmem>>[vector<16xi32>], vector<16xf32>,
    %add3A_288 = arith.constant 5 : i32
    %add3A_289 = vector.broadcast %add3A_288 : i32 to vector<16xi32>
    %add3A_290 = arith.addi %add3A_267, %add3A_289 : vector<16xi32>
    %gather3A_291 = tpu.vector_load_idx %arg7[%add3A_290] : memref<1536xf32, #tpu.memory_space<vmem>>[vector<16xi32>], vector<16xf32>,
    %add3A_292 = arith.constant 6 : i32
    %add3A_293 = vector.broadcast %add3A_292 : i32 to vector<16xi32>
    %add3A_294 = arith.addi %add3A_267, %add3A_293 : vector<16xi32>
    %gather3A_295 = tpu.vector_load_idx %arg7[%add3A_294] : memref<1536xf32, #tpu.memory_space<vmem>>[vector<16xi32>], vector<16xf32>,
    %add3A_296 = arith.constant 7 : i32
    %add3A_297 = vector.broadcast %add3A_296 : i32 to vector<16xi32>
    %add3A_298 = arith.addi %add3A_267, %add3A_297 : vector<16xi32>
    %gather3A_299 = tpu.vector_load_idx %arg7[%add3A_298] : memref<1536xf32, #tpu.memory_space<vmem>>[vector<16xi32>], vector<16xf32>,
    %add3A_300 = arith.addf %gather3A_271, %gather3A_275 : vector<16xf32>
    %add3A_301 = arith.addf %gather3A_279, %gather3A_283 : vector<16xf32>
    %add3A_302 = arith.addf %gather3A_287, %gather3A_291 : vector<16xf32>
    %add3A_303 = arith.addf %gather3A_295, %gather3A_299 : vector<16xf32>
    %add3A_304 = arith.addf %add3A_300, %add3A_301 : vector<16xf32>
    %add3A_305 = arith.addf %add3A_302, %add3A_303 : vector<16xf32>
    %add3A_306 = arith.addf %add3A_304, %add3A_305 : vector<16xf32>
    %swap3A_307 = arith.constant 80 : index
    %swap3A_308 = tpu.vector_load %arg8[%swap3A_307] {strides = array<i32>} : memref<3072xf32, #tpu.memory_space<vmem>>, vector<16xf32>,
    tpu.vector_store %arg8[%swap3A_307], %add3A_306 {strides = array<i32>} : memref<3072xf32, #tpu.memory_space<vmem>>, vector<16xf32>,
    %mul3A_309 = arith.constant 8 : i32
    %mul3A_310 = vector.broadcast %mul3A_309 : i32 to vector<16xi32>
    %mul3A_311 = arith.muli %iota3A, %mul3A_310 : vector<16xi32>
    %add3A_312 = arith.constant 768 : i32
    %add3A_313 = vector.broadcast %add3A_312 : i32 to vector<16xi32>
    %add3A_314 = arith.addi %add3A_313, %mul3A_311 : vector<16xi32>
    %add3A_315 = arith.constant 0 : i32
    %add3A_316 = vector.broadcast %add3A_315 : i32 to vector<16xi32>
    %add3A_317 = arith.addi %add3A_314, %add3A_316 : vector<16xi32>
    %gather3A_318 = tpu.vector_load_idx %arg7[%add3A_317] : memref<1536xf32, #tpu.memory_space<vmem>>[vector<16xi32>], vector<16xf32>,
    %add3A_319 = arith.constant 1 : i32
    %add3A_320 = vector.broadcast %add3A_319 : i32 to vector<16xi32>
    %add3A_321 = arith.addi %add3A_314, %add3A_320 : vector<16xi32>
    %gather3A_322 = tpu.vector_load_idx %arg7[%add3A_321] : memref<1536xf32, #tpu.memory_space<vmem>>[vector<16xi32>], vector<16xf32>,
    %add3A_323 = arith.constant 2 : i32
    %add3A_324 = vector.broadcast %add3A_323 : i32 to vector<16xi32>
    %add3A_325 = arith.addi %add3A_314, %add3A_324 : vector<16xi32>
    %gather3A_326 = tpu.vector_load_idx %arg7[%add3A_325] : memref<1536xf32, #tpu.memory_space<vmem>>[vector<16xi32>], vector<16xf32>,
    %add3A_327 = arith.constant 3 : i32
    %add3A_328 = vector.broadcast %add3A_327 : i32 to vector<16xi32>
    %add3A_329 = arith.addi %add3A_314, %add3A_328 : vector<16xi32>
    %gather3A_330 = tpu.vector_load_idx %arg7[%add3A_329] : memref<1536xf32, #tpu.memory_space<vmem>>[vector<16xi32>], vector<16xf32>,
    %add3A_331 = arith.constant 4 : i32
    %add3A_332 = vector.broadcast %add3A_331 : i32 to vector<16xi32>
    %add3A_333 = arith.addi %add3A_314, %add3A_332 : vector<16xi32>
    %gather3A_334 = tpu.vector_load_idx %arg7[%add3A_333] : memref<1536xf32, #tpu.memory_space<vmem>>[vector<16xi32>], vector<16xf32>,
    %add3A_335 = arith.constant 5 : i32
    %add3A_336 = vector.broadcast %add3A_335 : i32 to vector<16xi32>
    %add3A_337 = arith.addi %add3A_314, %add3A_336 : vector<16xi32>
    %gather3A_338 = tpu.vector_load_idx %arg7[%add3A_337] : memref<1536xf32, #tpu.memory_space<vmem>>[vector<16xi32>], vector<16xf32>,
    %add3A_339 = arith.constant 6 : i32
    %add3A_340 = vector.broadcast %add3A_339 : i32 to vector<16xi32>
    %add3A_341 = arith.addi %add3A_314, %add3A_340 : vector<16xi32>
    %gather3A_342 = tpu.vector_load_idx %arg7[%add3A_341] : memref<1536xf32, #tpu.memory_space<vmem>>[vector<16xi32>], vector<16xf32>,
    %add3A_343 = arith.constant 7 : i32
    %add3A_344 = vector.broadcast %add3A_343 : i32 to vector<16xi32>
    %add3A_345 = arith.addi %add3A_314, %add3A_344 : vector<16xi32>
    %gather3A_346 = tpu.vector_load_idx %arg7[%add3A_345] : memref<1536xf32, #tpu.memory_space<vmem>>[vector<16xi32>], vector<16xf32>,
    %add3A_347 = arith.addf %gather3A_318, %gather3A_322 : vector<16xf32>
    %add3A_348 = arith.addf %gather3A_326, %gather3A_330 : vector<16xf32>
    %add3A_349 = arith.addf %gather3A_334, %gather3A_338 : vector<16xf32>
    %add3A_350 = arith.addf %gather3A_342, %gather3A_346 : vector<16xf32>
    %add3A_351 = arith.addf %add3A_347, %add3A_348 : vector<16xf32>
    %add3A_352 = arith.addf %add3A_349, %add3A_350 : vector<16xf32>
    %add3A_353 = arith.addf %add3A_351, %add3A_352 : vector<16xf32>
    %swap3A_354 = arith.constant 96 : index
    %swap3A_355 = tpu.vector_load %arg8[%swap3A_354] {strides = array<i32>} : memref<3072xf32, #tpu.memory_space<vmem>>, vector<16xf32>,
    tpu.vector_store %arg8[%swap3A_354], %add3A_353 {strides = array<i32>} : memref<3072xf32, #tpu.memory_space<vmem>>, vector<16xf32>,
    %mul3A_356 = arith.constant 8 : i32
    %mul3A_357 = vector.broadcast %mul3A_356 : i32 to vector<16xi32>
    %mul3A_358 = arith.muli %iota3A, %mul3A_357 : vector<16xi32>
    %add3A_359 = arith.constant 896 : i32
    %add3A_360 = vector.broadcast %add3A_359 : i32 to vector<16xi32>
    %add3A_361 = arith.addi %add3A_360, %mul3A_358 : vector<16xi32>
    %add3A_362 = arith.constant 0 : i32
    %add3A_363 = vector.broadcast %add3A_362 : i32 to vector<16xi32>
    %add3A_364 = arith.addi %add3A_361, %add3A_363 : vector<16xi32>
    %gather3A_365 = tpu.vector_load_idx %arg7[%add3A_364] : memref<1536xf32, #tpu.memory_space<vmem>>[vector<16xi32>], vector<16xf32>,
    %add3A_366 = arith.constant 1 : i32
    %add3A_367 = vector.broadcast %add3A_366 : i32 to vector<16xi32>
    %add3A_368 = arith.addi %add3A_361, %add3A_367 : vector<16xi32>
    %gather3A_369 = tpu.vector_load_idx %arg7[%add3A_368] : memref<1536xf32, #tpu.memory_space<vmem>>[vector<16xi32>], vector<16xf32>,
    %add3A_370 = arith.constant 2 : i32
    %add3A_371 = vector.broadcast %add3A_370 : i32 to vector<16xi32>
    %add3A_372 = arith.addi %add3A_361, %add3A_371 : vector<16xi32>
    %gather3A_373 = tpu.vector_load_idx %arg7[%add3A_372] : memref<1536xf32, #tpu.memory_space<vmem>>[vector<16xi32>], vector<16xf32>,
    %add3A_374 = arith.constant 3 : i32
    %add3A_375 = vector.broadcast %add3A_374 : i32 to vector<16xi32>
    %add3A_376 = arith.addi %add3A_361, %add3A_375 : vector<16xi32>
    %gather3A_377 = tpu.vector_load_idx %arg7[%add3A_376] : memref<1536xf32, #tpu.memory_space<vmem>>[vector<16xi32>], vector<16xf32>,
    %add3A_378 = arith.constant 4 : i32
    %add3A_379 = vector.broadcast %add3A_378 : i32 to vector<16xi32>
    %add3A_380 = arith.addi %add3A_361, %add3A_379 : vector<16xi32>
    %gather3A_381 = tpu.vector_load_idx %arg7[%add3A_380] : memref<1536xf32, #tpu.memory_space<vmem>>[vector<16xi32>], vector<16xf32>,
    %add3A_382 = arith.constant 5 : i32
    %add3A_383 = vector.broadcast %add3A_382 : i32 to vector<16xi32>
    %add3A_384 = arith.addi %add3A_361, %add3A_383 : vector<16xi32>
    %gather3A_385 = tpu.vector_load_idx %arg7[%add3A_384] : memref<1536xf32, #tpu.memory_space<vmem>>[vector<16xi32>], vector<16xf32>,
    %add3A_386 = arith.constant 6 : i32
    %add3A_387 = vector.broadcast %add3A_386 : i32 to vector<16xi32>
    %add3A_388 = arith.addi %add3A_361, %add3A_387 : vector<16xi32>
    %gather3A_389 = tpu.vector_load_idx %arg7[%add3A_388] : memref<1536xf32, #tpu.memory_space<vmem>>[vector<16xi32>], vector<16xf32>,
    %add3A_390 = arith.constant 7 : i32
    %add3A_391 = vector.broadcast %add3A_390 : i32 to vector<16xi32>
    %add3A_392 = arith.addi %add3A_361, %add3A_391 : vector<16xi32>
    %gather3A_393 = tpu.vector_load_idx %arg7[%add3A_392] : memref<1536xf32, #tpu.memory_space<vmem>>[vector<16xi32>], vector<16xf32>,
    %add3A_394 = arith.addf %gather3A_365, %gather3A_369 : vector<16xf32>
    %add3A_395 = arith.addf %gather3A_373, %gather3A_377 : vector<16xf32>
    %add3A_396 = arith.addf %gather3A_381, %gather3A_385 : vector<16xf32>
    %add3A_397 = arith.addf %gather3A_389, %gather3A_393 : vector<16xf32>
    %add3A_398 = arith.addf %add3A_394, %add3A_395 : vector<16xf32>
    %add3A_399 = arith.addf %add3A_396, %add3A_397 : vector<16xf32>
    %add3A_400 = arith.addf %add3A_398, %add3A_399 : vector<16xf32>
    %swap3A_401 = arith.constant 112 : index
    %swap3A_402 = tpu.vector_load %arg8[%swap3A_401] {strides = array<i32>} : memref<3072xf32, #tpu.memory_space<vmem>>, vector<16xf32>,
    tpu.vector_store %arg8[%swap3A_401], %add3A_400 {strides = array<i32>} : memref<3072xf32, #tpu.memory_space<vmem>>, vector<16xf32>,
    %mul3A_403 = arith.constant 8 : i32
    %mul3A_404 = vector.broadcast %mul3A_403 : i32 to vector<16xi32>
    %mul3A_405 = arith.muli %iota3A, %mul3A_404 : vector<16xi32>
    %add3A_406 = arith.constant 1024 : i32
    %add3A_407 = vector.broadcast %add3A_406 : i32 to vector<16xi32>
    %add3A_408 = arith.addi %add3A_407, %mul3A_405 : vector<16xi32>
    %add3A_409 = arith.constant 0 : i32
    %add3A_410 = vector.broadcast %add3A_409 : i32 to vector<16xi32>
    %add3A_411 = arith.addi %add3A_408, %add3A_410 : vector<16xi32>
    %gather3A_412 = tpu.vector_load_idx %arg7[%add3A_411] : memref<1536xf32, #tpu.memory_space<vmem>>[vector<16xi32>], vector<16xf32>,
    %add3A_413 = arith.constant 1 : i32
    %add3A_414 = vector.broadcast %add3A_413 : i32 to vector<16xi32>
    %add3A_415 = arith.addi %add3A_408, %add3A_414 : vector<16xi32>
    %gather3A_416 = tpu.vector_load_idx %arg7[%add3A_415] : memref<1536xf32, #tpu.memory_space<vmem>>[vector<16xi32>], vector<16xf32>,
    %add3A_417 = arith.constant 2 : i32
    %add3A_418 = vector.broadcast %add3A_417 : i32 to vector<16xi32>
    %add3A_419 = arith.addi %add3A_408, %add3A_418 : vector<16xi32>
    %gather3A_420 = tpu.vector_load_idx %arg7[%add3A_419] : memref<1536xf32, #tpu.memory_space<vmem>>[vector<16xi32>], vector<16xf32>,
    %add3A_421 = arith.constant 3 : i32
    %add3A_422 = vector.broadcast %add3A_421 : i32 to vector<16xi32>
    %add3A_423 = arith.addi %add3A_408, %add3A_422 : vector<16xi32>
    %gather3A_424 = tpu.vector_load_idx %arg7[%add3A_423] : memref<1536xf32, #tpu.memory_space<vmem>>[vector<16xi32>], vector<16xf32>,
    %add3A_425 = arith.constant 4 : i32
    %add3A_426 = vector.broadcast %add3A_425 : i32 to vector<16xi32>
    %add3A_427 = arith.addi %add3A_408, %add3A_426 : vector<16xi32>
    %gather3A_428 = tpu.vector_load_idx %arg7[%add3A_427] : memref<1536xf32, #tpu.memory_space<vmem>>[vector<16xi32>], vector<16xf32>,
    %add3A_429 = arith.constant 5 : i32
    %add3A_430 = vector.broadcast %add3A_429 : i32 to vector<16xi32>
    %add3A_431 = arith.addi %add3A_408, %add3A_430 : vector<16xi32>
    %gather3A_432 = tpu.vector_load_idx %arg7[%add3A_431] : memref<1536xf32, #tpu.memory_space<vmem>>[vector<16xi32>], vector<16xf32>,
    %add3A_433 = arith.constant 6 : i32
    %add3A_434 = vector.broadcast %add3A_433 : i32 to vector<16xi32>
    %add3A_435 = arith.addi %add3A_408, %add3A_434 : vector<16xi32>
    %gather3A_436 = tpu.vector_load_idx %arg7[%add3A_435] : memref<1536xf32, #tpu.memory_space<vmem>>[vector<16xi32>], vector<16xf32>,
    %add3A_437 = arith.constant 7 : i32
    %add3A_438 = vector.broadcast %add3A_437 : i32 to vector<16xi32>
    %add3A_439 = arith.addi %add3A_408, %add3A_438 : vector<16xi32>
    %gather3A_440 = tpu.vector_load_idx %arg7[%add3A_439] : memref<1536xf32, #tpu.memory_space<vmem>>[vector<16xi32>], vector<16xf32>,
    %add3A_441 = arith.addf %gather3A_412, %gather3A_416 : vector<16xf32>
    %add3A_442 = arith.addf %gather3A_420, %gather3A_424 : vector<16xf32>
    %add3A_443 = arith.addf %gather3A_428, %gather3A_432 : vector<16xf32>
    %add3A_444 = arith.addf %gather3A_436, %gather3A_440 : vector<16xf32>
    %add3A_445 = arith.addf %add3A_441, %add3A_442 : vector<16xf32>
    %add3A_446 = arith.addf %add3A_443, %add3A_444 : vector<16xf32>
    %add3A_447 = arith.addf %add3A_445, %add3A_446 : vector<16xf32>
    %swap3A_448 = arith.constant 128 : index
    %swap3A_449 = tpu.vector_load %arg8[%swap3A_448] {strides = array<i32>} : memref<3072xf32, #tpu.memory_space<vmem>>, vector<16xf32>,
    tpu.vector_store %arg8[%swap3A_448], %add3A_447 {strides = array<i32>} : memref<3072xf32, #tpu.memory_space<vmem>>, vector<16xf32>,
    %mul3A_450 = arith.constant 8 : i32
    %mul3A_451 = vector.broadcast %mul3A_450 : i32 to vector<16xi32>
    %mul3A_452 = arith.muli %iota3A, %mul3A_451 : vector<16xi32>
    %add3A_453 = arith.constant 1152 : i32
    %add3A_454 = vector.broadcast %add3A_453 : i32 to vector<16xi32>
    %add3A_455 = arith.addi %add3A_454, %mul3A_452 : vector<16xi32>
    %add3A_456 = arith.constant 0 : i32
    %add3A_457 = vector.broadcast %add3A_456 : i32 to vector<16xi32>
    %add3A_458 = arith.addi %add3A_455, %add3A_457 : vector<16xi32>
    %gather3A_459 = tpu.vector_load_idx %arg7[%add3A_458] : memref<1536xf32, #tpu.memory_space<vmem>>[vector<16xi32>], vector<16xf32>,
    %add3A_460 = arith.constant 1 : i32
    %add3A_461 = vector.broadcast %add3A_460 : i32 to vector<16xi32>
    %add3A_462 = arith.addi %add3A_455, %add3A_461 : vector<16xi32>
    %gather3A_463 = tpu.vector_load_idx %arg7[%add3A_462] : memref<1536xf32, #tpu.memory_space<vmem>>[vector<16xi32>], vector<16xf32>,
    %add3A_464 = arith.constant 2 : i32
    %add3A_465 = vector.broadcast %add3A_464 : i32 to vector<16xi32>
    %add3A_466 = arith.addi %add3A_455, %add3A_465 : vector<16xi32>
    %gather3A_467 = tpu.vector_load_idx %arg7[%add3A_466] : memref<1536xf32, #tpu.memory_space<vmem>>[vector<16xi32>], vector<16xf32>,
    %add3A_468 = arith.constant 3 : i32
    %add3A_469 = vector.broadcast %add3A_468 : i32 to vector<16xi32>
    %add3A_470 = arith.addi %add3A_455, %add3A_469 : vector<16xi32>
    %gather3A_471 = tpu.vector_load_idx %arg7[%add3A_470] : memref<1536xf32, #tpu.memory_space<vmem>>[vector<16xi32>], vector<16xf32>,
    %add3A_472 = arith.constant 4 : i32
    %add3A_473 = vector.broadcast %add3A_472 : i32 to vector<16xi32>
    %add3A_474 = arith.addi %add3A_455, %add3A_473 : vector<16xi32>
    %gather3A_475 = tpu.vector_load_idx %arg7[%add3A_474] : memref<1536xf32, #tpu.memory_space<vmem>>[vector<16xi32>], vector<16xf32>,
    %add3A_476 = arith.constant 5 : i32
    %add3A_477 = vector.broadcast %add3A_476 : i32 to vector<16xi32>
    %add3A_478 = arith.addi %add3A_455, %add3A_477 : vector<16xi32>
    %gather3A_479 = tpu.vector_load_idx %arg7[%add3A_478] : memref<1536xf32, #tpu.memory_space<vmem>>[vector<16xi32>], vector<16xf32>,
    %add3A_480 = arith.constant 6 : i32
    %add3A_481 = vector.broadcast %add3A_480 : i32 to vector<16xi32>
    %add3A_482 = arith.addi %add3A_455, %add3A_481 : vector<16xi32>
    %gather3A_483 = tpu.vector_load_idx %arg7[%add3A_482] : memref<1536xf32, #tpu.memory_space<vmem>>[vector<16xi32>], vector<16xf32>,
    %add3A_484 = arith.constant 7 : i32
    %add3A_485 = vector.broadcast %add3A_484 : i32 to vector<16xi32>
    %add3A_486 = arith.addi %add3A_455, %add3A_485 : vector<16xi32>
    %gather3A_487 = tpu.vector_load_idx %arg7[%add3A_486] : memref<1536xf32, #tpu.memory_space<vmem>>[vector<16xi32>], vector<16xf32>,
    %add3A_488 = arith.addf %gather3A_459, %gather3A_463 : vector<16xf32>
    %add3A_489 = arith.addf %gather3A_467, %gather3A_471 : vector<16xf32>
    %add3A_490 = arith.addf %gather3A_475, %gather3A_479 : vector<16xf32>
    %add3A_491 = arith.addf %gather3A_483, %gather3A_487 : vector<16xf32>
    %add3A_492 = arith.addf %add3A_488, %add3A_489 : vector<16xf32>
    %add3A_493 = arith.addf %add3A_490, %add3A_491 : vector<16xf32>
    %add3A_494 = arith.addf %add3A_492, %add3A_493 : vector<16xf32>
    %swap3A_495 = arith.constant 144 : index
    %swap3A_496 = tpu.vector_load %arg8[%swap3A_495] {strides = array<i32>} : memref<3072xf32, #tpu.memory_space<vmem>>, vector<16xf32>,
    tpu.vector_store %arg8[%swap3A_495], %add3A_494 {strides = array<i32>} : memref<3072xf32, #tpu.memory_space<vmem>>, vector<16xf32>,
    %mul3A_497 = arith.constant 8 : i32
    %mul3A_498 = vector.broadcast %mul3A_497 : i32 to vector<16xi32>
    %mul3A_499 = arith.muli %iota3A, %mul3A_498 : vector<16xi32>
    %add3A_500 = arith.constant 1280 : i32
    %add3A_501 = vector.broadcast %add3A_500 : i32 to vector<16xi32>
    %add3A_502 = arith.addi %add3A_501, %mul3A_499 : vector<16xi32>
    %add3A_503 = arith.constant 0 : i32
    %add3A_504 = vector.broadcast %add3A_503 : i32 to vector<16xi32>
    %add3A_505 = arith.addi %add3A_502, %add3A_504 : vector<16xi32>
    %gather3A_506 = tpu.vector_load_idx %arg7[%add3A_505] : memref<1536xf32, #tpu.memory_space<vmem>>[vector<16xi32>], vector<16xf32>,
    %add3A_507 = arith.constant 1 : i32
    %add3A_508 = vector.broadcast %add3A_507 : i32 to vector<16xi32>
    %add3A_509 = arith.addi %add3A_502, %add3A_508 : vector<16xi32>
    %gather3A_510 = tpu.vector_load_idx %arg7[%add3A_509] : memref<1536xf32, #tpu.memory_space<vmem>>[vector<16xi32>], vector<16xf32>,
    %add3A_511 = arith.constant 2 : i32
    %add3A_512 = vector.broadcast %add3A_511 : i32 to vector<16xi32>
    %add3A_513 = arith.addi %add3A_502, %add3A_512 : vector<16xi32>
    %gather3A_514 = tpu.vector_load_idx %arg7[%add3A_513] : memref<1536xf32, #tpu.memory_space<vmem>>[vector<16xi32>], vector<16xf32>,
    %add3A_515 = arith.constant 3 : i32
    %add3A_516 = vector.broadcast %add3A_515 : i32 to vector<16xi32>
    %add3A_517 = arith.addi %add3A_502, %add3A_516 : vector<16xi32>
    %gather3A_518 = tpu.vector_load_idx %arg7[%add3A_517] : memref<1536xf32, #tpu.memory_space<vmem>>[vector<16xi32>], vector<16xf32>,
    %add3A_519 = arith.constant 4 : i32
    %add3A_520 = vector.broadcast %add3A_519 : i32 to vector<16xi32>
    %add3A_521 = arith.addi %add3A_502, %add3A_520 : vector<16xi32>
    %gather3A_522 = tpu.vector_load_idx %arg7[%add3A_521] : memref<1536xf32, #tpu.memory_space<vmem>>[vector<16xi32>], vector<16xf32>,
    %add3A_523 = arith.constant 5 : i32
    %add3A_524 = vector.broadcast %add3A_523 : i32 to vector<16xi32>
    %add3A_525 = arith.addi %add3A_502, %add3A_524 : vector<16xi32>
    %gather3A_526 = tpu.vector_load_idx %arg7[%add3A_525] : memref<1536xf32, #tpu.memory_space<vmem>>[vector<16xi32>], vector<16xf32>,
    %add3A_527 = arith.constant 6 : i32
    %add3A_528 = vector.broadcast %add3A_527 : i32 to vector<16xi32>
    %add3A_529 = arith.addi %add3A_502, %add3A_528 : vector<16xi32>
    %gather3A_530 = tpu.vector_load_idx %arg7[%add3A_529] : memref<1536xf32, #tpu.memory_space<vmem>>[vector<16xi32>], vector<16xf32>,
    %add3A_531 = arith.constant 7 : i32
    %add3A_532 = vector.broadcast %add3A_531 : i32 to vector<16xi32>
    %add3A_533 = arith.addi %add3A_502, %add3A_532 : vector<16xi32>
    %gather3A_534 = tpu.vector_load_idx %arg7[%add3A_533] : memref<1536xf32, #tpu.memory_space<vmem>>[vector<16xi32>], vector<16xf32>,
    %add3A_535 = arith.addf %gather3A_506, %gather3A_510 : vector<16xf32>
    %add3A_536 = arith.addf %gather3A_514, %gather3A_518 : vector<16xf32>
    %add3A_537 = arith.addf %gather3A_522, %gather3A_526 : vector<16xf32>
    %add3A_538 = arith.addf %gather3A_530, %gather3A_534 : vector<16xf32>
    %add3A_539 = arith.addf %add3A_535, %add3A_536 : vector<16xf32>
    %add3A_540 = arith.addf %add3A_537, %add3A_538 : vector<16xf32>
    %add3A_541 = arith.addf %add3A_539, %add3A_540 : vector<16xf32>
    %swap3A_542 = arith.constant 160 : index
    %swap3A_543 = tpu.vector_load %arg8[%swap3A_542] {strides = array<i32>} : memref<3072xf32, #tpu.memory_space<vmem>>, vector<16xf32>,
    tpu.vector_store %arg8[%swap3A_542], %add3A_541 {strides = array<i32>} : memref<3072xf32, #tpu.memory_space<vmem>>, vector<16xf32>,
    %mul3A_544 = arith.constant 8 : i32
    %mul3A_545 = vector.broadcast %mul3A_544 : i32 to vector<16xi32>
    %mul3A_546 = arith.muli %iota3A, %mul3A_545 : vector<16xi32>
    %add3A_547 = arith.constant 1408 : i32
    %add3A_548 = vector.broadcast %add3A_547 : i32 to vector<16xi32>
    %add3A_549 = arith.addi %add3A_548, %mul3A_546 : vector<16xi32>
    %add3A_550 = arith.constant 0 : i32
    %add3A_551 = vector.broadcast %add3A_550 : i32 to vector<16xi32>
    %add3A_552 = arith.addi %add3A_549, %add3A_551 : vector<16xi32>
    %gather3A_553 = tpu.vector_load_idx %arg7[%add3A_552] : memref<1536xf32, #tpu.memory_space<vmem>>[vector<16xi32>], vector<16xf32>,
    %add3A_554 = arith.constant 1 : i32
    %add3A_555 = vector.broadcast %add3A_554 : i32 to vector<16xi32>
    %add3A_556 = arith.addi %add3A_549, %add3A_555 : vector<16xi32>
    %gather3A_557 = tpu.vector_load_idx %arg7[%add3A_556] : memref<1536xf32, #tpu.memory_space<vmem>>[vector<16xi32>], vector<16xf32>,
    %add3A_558 = arith.constant 2 : i32
    %add3A_559 = vector.broadcast %add3A_558 : i32 to vector<16xi32>
    %add3A_560 = arith.addi %add3A_549, %add3A_559 : vector<16xi32>
    %gather3A_561 = tpu.vector_load_idx %arg7[%add3A_560] : memref<1536xf32, #tpu.memory_space<vmem>>[vector<16xi32>], vector<16xf32>,
    %add3A_562 = arith.constant 3 : i32
    %add3A_563 = vector.broadcast %add3A_562 : i32 to vector<16xi32>
    %add3A_564 = arith.addi %add3A_549, %add3A_563 : vector<16xi32>
    %gather3A_565 = tpu.vector_load_idx %arg7[%add3A_564] : memref<1536xf32, #tpu.memory_space<vmem>>[vector<16xi32>], vector<16xf32>,
    %add3A_566 = arith.constant 4 : i32
    %add3A_567 = vector.broadcast %add3A_566 : i32 to vector<16xi32>
    %add3A_568 = arith.addi %add3A_549, %add3A_567 : vector<16xi32>
    %gather3A_569 = tpu.vector_load_idx %arg7[%add3A_568] : memref<1536xf32, #tpu.memory_space<vmem>>[vector<16xi32>], vector<16xf32>,
    %add3A_570 = arith.constant 5 : i32
    %add3A_571 = vector.broadcast %add3A_570 : i32 to vector<16xi32>
    %add3A_572 = arith.addi %add3A_549, %add3A_571 : vector<16xi32>
    %gather3A_573 = tpu.vector_load_idx %arg7[%add3A_572] : memref<1536xf32, #tpu.memory_space<vmem>>[vector<16xi32>], vector<16xf32>,
    %add3A_574 = arith.constant 6 : i32
    %add3A_575 = vector.broadcast %add3A_574 : i32 to vector<16xi32>
    %add3A_576 = arith.addi %add3A_549, %add3A_575 : vector<16xi32>
    %gather3A_577 = tpu.vector_load_idx %arg7[%add3A_576] : memref<1536xf32, #tpu.memory_space<vmem>>[vector<16xi32>], vector<16xf32>,
    %add3A_578 = arith.constant 7 : i32
    %add3A_579 = vector.broadcast %add3A_578 : i32 to vector<16xi32>
    %add3A_580 = arith.addi %add3A_549, %add3A_579 : vector<16xi32>
    %gather3A_581 = tpu.vector_load_idx %arg7[%add3A_580] : memref<1536xf32, #tpu.memory_space<vmem>>[vector<16xi32>], vector<16xf32>,
    %add3A_582 = arith.addf %gather3A_553, %gather3A_557 : vector<16xf32>
    %add3A_583 = arith.addf %gather3A_561, %gather3A_565 : vector<16xf32>
    %add3A_584 = arith.addf %gather3A_569, %gather3A_573 : vector<16xf32>
    %add3A_585 = arith.addf %gather3A_577, %gather3A_581 : vector<16xf32>
    %add3A_586 = arith.addf %add3A_582, %add3A_583 : vector<16xf32>
    %add3A_587 = arith.addf %add3A_584, %add3A_585 : vector<16xf32>
    %add3A_588 = arith.addf %add3A_586, %add3A_587 : vector<16xf32>
    %swap3A_589 = arith.constant 176 : index
    %swap3A_590 = tpu.vector_load %arg8[%swap3A_589] {strides = array<i32>} : memref<3072xf32, #tpu.memory_space<vmem>>, vector<16xf32>,
    tpu.vector_store %arg8[%swap3A_589], %add3A_588 {strides = array<i32>} : memref<3072xf32, #tpu.memory_space<vmem>>, vector<16xf32>,
    %mul3A_591 = arith.constant 12 : i32
    %mul3A_592 = arith.muli %arg1, %mul3A_591 : i32
    %mul3A_593 = arith.constant 16 : i32
    %mul3A_594 = arith.muli %mul3A_592, %mul3A_593 : i32
    "tpu.region"() ({
      %run_scoped3A = tpu.sem_alloc : memref<!tpu.dma_semaphore, #tpu.memory_space<semaphore_mem>>
      %dma_start3A_724 = arith.constant 0 : i32
      %dma_start3A_725 = tpu.memref_slice %arg8[%dma_start3A_724] : memref<3072xf32, #tpu.memory_space<vmem>> -> memref<192xf32, #tpu.memory_space<vmem>>
      %dma_start3A_726 = tpu.memref_slice %arg9[%mul3A_594] : memref<3072xf32, #tpu.memory_space<vmem_shared>> -> memref<192xf32, #tpu.memory_space<vmem_shared>>
      %dma_start3A_727 = tpu.memref_slice %arg9[%mul3A_594] : memref<3072xf32, #tpu.memory_space<vmem_shared>> -> memref<192xf32, #tpu.memory_space<vmem_shared>>
      %dma_start3A_728 = arith.constant 0 : i32
      %dma_start3A_729 = tpu.memref_slice %arg8[%dma_start3A_728] : memref<3072xf32, #tpu.memory_space<vmem>> -> memref<192xf32, #tpu.memory_space<vmem>>
      tpu.enqueue_dma source(%dma_start3A_729 : memref<192xf32, #tpu.memory_space<vmem>>) target(%dma_start3A_727 : memref<192xf32, #tpu.memory_space<vmem_shared>>) target_semaphore(%run_scoped3A : memref<!tpu.dma_semaphore, #tpu.memory_space<semaphore_mem>>)
      %dma_wait3A_730 = arith.constant 0 : i32
      %dma_wait3A_731 = tpu.memref_slice %arg8[%dma_wait3A_730] : memref<3072xf32, #tpu.memory_space<vmem>> -> memref<192xf32, #tpu.memory_space<vmem>>
      %dma_wait3A_732 = tpu.memref_slice %arg9[%mul3A_594] : memref<3072xf32, #tpu.memory_space<vmem_shared>> -> memref<192xf32, #tpu.memory_space<vmem_shared>>
      %dma_wait3A_733 = tpu.memref_slice %arg9[%mul3A_594] : memref<3072xf32, #tpu.memory_space<vmem_shared>> -> memref<192xf32, #tpu.memory_space<vmem_shared>>
      %dma_wait3A_734 = arith.constant 0 : i32
      %dma_wait3A_735 = tpu.memref_slice %arg8[%dma_wait3A_734] : memref<3072xf32, #tpu.memory_space<vmem>> -> memref<192xf32, #tpu.memory_space<vmem>>
      tpu.wait_dma2 semaphore(%run_scoped3A : memref<!tpu.dma_semaphore, #tpu.memory_space<semaphore_mem>>) src(%dma_wait3A_735 : memref<192xf32, #tpu.memory_space<vmem>>) dst(%dma_wait3A_733 : memref<192xf32, #tpu.memory_space<vmem_shared>>)
      tpu.yield
    }) : () -> ()
    %barrier3A = arith.constant 0 : index
    tpu.barrier barrier_id(%barrier3A)
    "tpu.region"() ({
      %run_scoped3A = tpu.sem_alloc : memref<!tpu.dma_semaphore, #tpu.memory_space<semaphore_mem>>
      tpu.enqueue_dma source(%arg9 : memref<3072xf32, #tpu.memory_space<vmem_shared>>) target(%arg8 : memref<3072xf32, #tpu.memory_space<vmem>>) target_semaphore(%run_scoped3A : memref<!tpu.dma_semaphore, #tpu.memory_space<semaphore_mem>>)
      tpu.wait_dma2 semaphore(%run_scoped3A : memref<!tpu.dma_semaphore, #tpu.memory_space<semaphore_mem>>) src(%arg9 : memref<3072xf32, #tpu.memory_space<vmem_shared>>) dst(%arg8 : memref<3072xf32, #tpu.memory_space<vmem>>)
      tpu.yield
    }) : () -> ()
    %dma_wait3A_595 = arith.constant 0 : i32
    %dma_wait3A_596 = tpu.memref_slice %arg6[%dma_wait3A_595] : memref<144xi32, #tpu.memory_space<vmem>> -> memref<128xi32, #tpu.memory_space<vmem>>
    %dma_wait3A_597 = tpu.memref_slice %arg3[%mul3A_2] : memref<4096xi32, #tpu.memory_space<hbm>> -> memref<128xi32, #tpu.memory_space<hbm>>
    %dma_wait3A_598 = arith.constant 0 : i32
    %dma_wait3A_599 = tpu.memref_slice %arg6[%dma_wait3A_598] : memref<144xi32, #tpu.memory_space<vmem>> -> memref<128xi32, #tpu.memory_space<vmem>>
    %dma_wait3A_600 = tpu.memref_slice %arg3[%mul3A_2] : memref<4096xi32, #tpu.memory_space<hbm>> -> memref<128xi32, #tpu.memory_space<hbm>>
    tpu.wait_dma2 semaphore(%arg11 : memref<!tpu.dma_semaphore, #tpu.memory_space<semaphore_mem>>) src(%dma_wait3A_600 : memref<128xi32, #tpu.memory_space<hbm>>) dst(%dma_wait3A_599 : memref<128xi32, #tpu.memory_space<vmem>>)
    %add3A_601 = arith.constant 64 : i32
    %add3A_602 = arith.addi %mul3A_2, %add3A_601 : i32
    %dma_start3A_603 = arith.constant 0 : i32
    %dma_start3A_604 = arith.constant 1 : i32
    %dma_start3A_605 = arith.constant 0 : i32
    %dma_start3A_606 = arith.constant 0 : i32
    %dma_start3A_607 = tpu.memref_slice %arg10[%dma_start3A_604, %dma_start3A_605, %dma_start3A_606] : memref<2x64x512xf32, #tpu.memory_space<vmem>> -> memref<1x64x512xf32, #tpu.memory_space<vmem>>
    %dma_start3A_608 = tpu.memref_squeeze %dma_start3A_607 : memref<1x64x512xf32, #tpu.memory_space<vmem>> -> memref<64x512xf32, #tpu.memory_space<vmem>>
    %dma_start3A_609 = arith.constant 0 : i32
    %dma_start3A_610 = tpu.memref_slice %arg2[%add3A_602, %dma_start3A_603, %dma_start3A_609] : memref<4096x1x512xf32, #tpu.memory_space<hbm>> -> memref<64x1x512xf32, #tpu.memory_space<hbm>>
    %dma_start3A_611 = tpu.memref_squeeze %dma_start3A_610 : memref<64x1x512xf32, #tpu.memory_space<hbm>> -> memref<64x512xf32, #tpu.memory_space<hbm>>
    %dma_start3A_612 = arith.constant 0 : i32
    %dma_start3A_613 = arith.constant 0 : i32
    %dma_start3A_614 = tpu.memref_slice %arg10[%dma_start3A_604, %dma_start3A_612, %dma_start3A_613] : memref<2x64x512xf32, #tpu.memory_space<vmem>> -> memref<1x64x512xf32, #tpu.memory_space<vmem>>
    %dma_start3A_615 = tpu.memref_squeeze %dma_start3A_614 : memref<1x64x512xf32, #tpu.memory_space<vmem>> -> memref<64x512xf32, #tpu.memory_space<vmem>>
    %dma_start3A_616 = arith.constant 0 : i32
    %dma_start3A_617 = tpu.memref_slice %arg2[%add3A_602, %dma_start3A_603, %dma_start3A_616] : memref<4096x1x512xf32, #tpu.memory_space<hbm>> -> memref<64x1x512xf32, #tpu.memory_space<hbm>>
    %dma_start3A_618 = tpu.memref_squeeze %dma_start3A_617 : memref<64x1x512xf32, #tpu.memory_space<hbm>> -> memref<64x512xf32, #tpu.memory_space<hbm>>
    tpu.enqueue_dma source(%dma_start3A_618 : memref<64x512xf32, #tpu.memory_space<hbm>>) target(%dma_start3A_615 : memref<64x512xf32, #tpu.memory_space<vmem>>) target_semaphore(%arg14 : memref<!tpu.dma_semaphore, #tpu.memory_space<semaphore_mem>>)
    %dma_wait3A_619 = arith.constant 0 : i32
    %dma_wait3A_620 = arith.constant 0 : i32
    %dma_wait3A_621 = arith.constant 0 : i32
    %dma_wait3A_622 = arith.constant 0 : i32
    %dma_wait3A_623 = tpu.memref_slice %arg10[%dma_wait3A_620, %dma_wait3A_621, %dma_wait3A_622] : memref<2x64x512xf32, #tpu.memory_space<vmem>> -> memref<1x64x512xf32, #tpu.memory_space<vmem>>
    %dma_wait3A_624 = tpu.memref_squeeze %dma_wait3A_623 : memref<1x64x512xf32, #tpu.memory_space<vmem>> -> memref<64x512xf32, #tpu.memory_space<vmem>>
    %dma_wait3A_625 = arith.constant 0 : i32
    %dma_wait3A_626 = tpu.memref_slice %arg2[%mul3A_2, %dma_wait3A_619, %dma_wait3A_625] : memref<4096x1x512xf32, #tpu.memory_space<hbm>> -> memref<64x1x512xf32, #tpu.memory_space<hbm>>
    %dma_wait3A_627 = tpu.memref_squeeze %dma_wait3A_626 : memref<64x1x512xf32, #tpu.memory_space<hbm>> -> memref<64x512xf32, #tpu.memory_space<hbm>>
    %dma_wait3A_628 = arith.constant 0 : i32
    %dma_wait3A_629 = arith.constant 0 : i32
    %dma_wait3A_630 = tpu.memref_slice %arg10[%dma_wait3A_620, %dma_wait3A_628, %dma_wait3A_629] : memref<2x64x512xf32, #tpu.memory_space<vmem>> -> memref<1x64x512xf32, #tpu.memory_space<vmem>>
    %dma_wait3A_631 = tpu.memref_squeeze %dma_wait3A_630 : memref<1x64x512xf32, #tpu.memory_space<vmem>> -> memref<64x512xf32, #tpu.memory_space<vmem>>
    %dma_wait3A_632 = arith.constant 0 : i32
    %dma_wait3A_633 = tpu.memref_slice %arg2[%mul3A_2, %dma_wait3A_619, %dma_wait3A_632] : memref<4096x1x512xf32, #tpu.memory_space<hbm>> -> memref<64x1x512xf32, #tpu.memory_space<hbm>>
    %dma_wait3A_634 = tpu.memref_squeeze %dma_wait3A_633 : memref<64x1x512xf32, #tpu.memory_space<hbm>> -> memref<64x512xf32, #tpu.memory_space<hbm>>
    tpu.wait_dma2 semaphore(%arg13 : memref<!tpu.dma_semaphore, #tpu.memory_space<semaphore_mem>>) src(%dma_wait3A_634 : memref<64x512xf32, #tpu.memory_space<hbm>>) dst(%dma_wait3A_631 : memref<64x512xf32, #tpu.memory_space<vmem>>)
    %parallel_loop3A = arith.constant 0 : i32
    %parallel_loop3A_635 = arith.constant 64 : i32
    %parallel_loop3A_636 = arith.constant 1 : i32
    scf.for %parallel_loop3A_724 = %parallel_loop3A to %parallel_loop3A_635 step %parallel_loop3A_636  : i32 {
      %parallel_loop3A_725 = arith.constant 0 : i32
      %parallel_loop3A_726 = arith.addi %parallel_loop3A_725, %parallel_loop3A_724 : i32
      %parallel_loop3A_727 = arith.index_cast %parallel_loop3A_726 : i32 to index
      %parallel_loop3A_728 = tpu.vector_load %arg6[%parallel_loop3A_727] {strides = array<i32>} : memref<144xi32, #tpu.memory_space<vmem>>, vector<16xi32>,
      %parallel_loop3A_729 = vector.extract_strided_slice %parallel_loop3A_728 {offsets = [0], sizes = [1], strides = [1]} : vector<16xi32> to vector<1xi32>
      %parallel_loop3A_730 = vector.extract %parallel_loop3A_729[0] : i32 from vector<1xi32>
      %parallel_loop3A_731 = arith.constant 512 : i32
      %parallel_loop3A_732 = arith.muli %parallel_loop3A_730, %parallel_loop3A_731 : i32
      %parallel_loop3A_733 = arith.constant 0 : i32
      %parallel_loop3A_734 = arith.addi %parallel_loop3A_732, %parallel_loop3A_733 : i32
      %parallel_loop3A_735 = arith.index_cast %parallel_loop3A_734 : i32 to index
      %parallel_loop3A_736 = tpu.vector_load %arg8[%parallel_loop3A_735] {strides = array<i32>} : memref<3072xf32, #tpu.memory_space<vmem>>, vector<16xf32>,
      %parallel_loop3A_737 = arith.constant 16 : i32
      %parallel_loop3A_738 = arith.addi %parallel_loop3A_732, %parallel_loop3A_737 : i32
      %parallel_loop3A_739 = arith.index_cast %parallel_loop3A_738 : i32 to index
      %parallel_loop3A_740 = tpu.vector_load %arg8[%parallel_loop3A_739] {strides = array<i32>} : memref<3072xf32, #tpu.memory_space<vmem>>, vector<16xf32>,
      %parallel_loop3A_741 = arith.constant 32 : i32
      %parallel_loop3A_742 = arith.addi %parallel_loop3A_732, %parallel_loop3A_741 : i32
      %parallel_loop3A_743 = arith.index_cast %parallel_loop3A_742 : i32 to index
      %parallel_loop3A_744 = tpu.vector_load %arg8[%parallel_loop3A_743] {strides = array<i32>} : memref<3072xf32, #tpu.memory_space<vmem>>, vector<16xf32>,
      %parallel_loop3A_745 = arith.constant 48 : i32
      %parallel_loop3A_746 = arith.addi %parallel_loop3A_732, %parallel_loop3A_745 : i32
      %parallel_loop3A_747 = arith.index_cast %parallel_loop3A_746 : i32 to index
      %parallel_loop3A_748 = tpu.vector_load %arg8[%parallel_loop3A_747] {strides = array<i32>} : memref<3072xf32, #tpu.memory_space<vmem>>, vector<16xf32>,
      %parallel_loop3A_749 = arith.constant 64 : i32
      %parallel_loop3A_750 = arith.addi %parallel_loop3A_732, %parallel_loop3A_749 : i32
      %parallel_loop3A_751 = arith.index_cast %parallel_loop3A_750 : i32 to index
      %parallel_loop3A_752 = tpu.vector_load %arg8[%parallel_loop3A_751] {strides = array<i32>} : memref<3072xf32, #tpu.memory_space<vmem>>, vector<16xf32>,
      %parallel_loop3A_753 = arith.constant 80 : i32
      %parallel_loop3A_754 = arith.addi %parallel_loop3A_732, %parallel_loop3A_753 : i32
      %parallel_loop3A_755 = arith.index_cast %parallel_loop3A_754 : i32 to index
      %parallel_loop3A_756 = tpu.vector_load %arg8[%parallel_loop3A_755] {strides = array<i32>} : memref<3072xf32, #tpu.memory_space<vmem>>, vector<16xf32>,
      %parallel_loop3A_757 = arith.constant 96 : i32
      %parallel_loop3A_758 = arith.addi %parallel_loop3A_732, %parallel_loop3A_757 : i32
      %parallel_loop3A_759 = arith.index_cast %parallel_loop3A_758 : i32 to index
      %parallel_loop3A_760 = tpu.vector_load %arg8[%parallel_loop3A_759] {strides = array<i32>} : memref<3072xf32, #tpu.memory_space<vmem>>, vector<16xf32>,
      %parallel_loop3A_761 = arith.constant 112 : i32
      %parallel_loop3A_762 = arith.addi %parallel_loop3A_732, %parallel_loop3A_761 : i32
      %parallel_loop3A_763 = arith.index_cast %parallel_loop3A_762 : i32 to index
      %parallel_loop3A_764 = tpu.vector_load %arg8[%parallel_loop3A_763] {strides = array<i32>} : memref<3072xf32, #tpu.memory_space<vmem>>, vector<16xf32>,
      %parallel_loop3A_765 = arith.constant 128 : i32
      %parallel_loop3A_766 = arith.addi %parallel_loop3A_732, %parallel_loop3A_765 : i32
      %parallel_loop3A_767 = arith.index_cast %parallel_loop3A_766 : i32 to index
      %parallel_loop3A_768 = tpu.vector_load %arg8[%parallel_loop3A_767] {strides = array<i32>} : memref<3072xf32, #tpu.memory_space<vmem>>, vector<16xf32>,
      %parallel_loop3A_769 = arith.constant 144 : i32
      %parallel_loop3A_770 = arith.addi %parallel_loop3A_732, %parallel_loop3A_769 : i32
      %parallel_loop3A_771 = arith.index_cast %parallel_loop3A_770 : i32 to index
      %parallel_loop3A_772 = tpu.vector_load %arg8[%parallel_loop3A_771] {strides = array<i32>} : memref<3072xf32, #tpu.memory_space<vmem>>, vector<16xf32>,
      %parallel_loop3A_773 = arith.constant 160 : i32
      %parallel_loop3A_774 = arith.addi %parallel_loop3A_732, %parallel_loop3A_773 : i32
      %parallel_loop3A_775 = arith.index_cast %parallel_loop3A_774 : i32 to index
      %parallel_loop3A_776 = tpu.vector_load %arg8[%parallel_loop3A_775] {strides = array<i32>} : memref<3072xf32, #tpu.memory_space<vmem>>, vector<16xf32>,
      %parallel_loop3A_777 = arith.constant 176 : i32
      %parallel_loop3A_778 = arith.addi %parallel_loop3A_732, %parallel_loop3A_777 : i32
      %parallel_loop3A_779 = arith.index_cast %parallel_loop3A_778 : i32 to index
      %parallel_loop3A_780 = tpu.vector_load %arg8[%parallel_loop3A_779] {strides = array<i32>} : memref<3072xf32, #tpu.memory_space<vmem>>, vector<16xf32>,
      %parallel_loop3A_781 = arith.constant 192 : i32
      %parallel_loop3A_782 = arith.addi %parallel_loop3A_732, %parallel_loop3A_781 : i32
      %parallel_loop3A_783 = arith.index_cast %parallel_loop3A_782 : i32 to index
      %parallel_loop3A_784 = tpu.vector_load %arg8[%parallel_loop3A_783] {strides = array<i32>} : memref<3072xf32, #tpu.memory_space<vmem>>, vector<16xf32>,
      %parallel_loop3A_785 = arith.constant 208 : i32
      %parallel_loop3A_786 = arith.addi %parallel_loop3A_732, %parallel_loop3A_785 : i32
      %parallel_loop3A_787 = arith.index_cast %parallel_loop3A_786 : i32 to index
      %parallel_loop3A_788 = tpu.vector_load %arg8[%parallel_loop3A_787] {strides = array<i32>} : memref<3072xf32, #tpu.memory_space<vmem>>, vector<16xf32>,
      %parallel_loop3A_789 = arith.constant 224 : i32
      %parallel_loop3A_790 = arith.addi %parallel_loop3A_732, %parallel_loop3A_789 : i32
      %parallel_loop3A_791 = arith.index_cast %parallel_loop3A_790 : i32 to index
      %parallel_loop3A_792 = tpu.vector_load %arg8[%parallel_loop3A_791] {strides = array<i32>} : memref<3072xf32, #tpu.memory_space<vmem>>, vector<16xf32>,
      %parallel_loop3A_793 = arith.constant 240 : i32
      %parallel_loop3A_794 = arith.addi %parallel_loop3A_732, %parallel_loop3A_793 : i32
      %parallel_loop3A_795 = arith.index_cast %parallel_loop3A_794 : i32 to index
      %parallel_loop3A_796 = tpu.vector_load %arg8[%parallel_loop3A_795] {strides = array<i32>} : memref<3072xf32, #tpu.memory_space<vmem>>, vector<16xf32>,
      %parallel_loop3A_797 = arith.constant 256 : i32
      %parallel_loop3A_798 = arith.addi %parallel_loop3A_732, %parallel_loop3A_797 : i32
      %parallel_loop3A_799 = arith.index_cast %parallel_loop3A_798 : i32 to index
      %parallel_loop3A_800 = tpu.vector_load %arg8[%parallel_loop3A_799] {strides = array<i32>} : memref<3072xf32, #tpu.memory_space<vmem>>, vector<16xf32>,
      %parallel_loop3A_801 = arith.constant 272 : i32
      %parallel_loop3A_802 = arith.addi %parallel_loop3A_732, %parallel_loop3A_801 : i32
      %parallel_loop3A_803 = arith.index_cast %parallel_loop3A_802 : i32 to index
      %parallel_loop3A_804 = tpu.vector_load %arg8[%parallel_loop3A_803] {strides = array<i32>} : memref<3072xf32, #tpu.memory_space<vmem>>, vector<16xf32>,
      %parallel_loop3A_805 = arith.constant 288 : i32
      %parallel_loop3A_806 = arith.addi %parallel_loop3A_732, %parallel_loop3A_805 : i32
      %parallel_loop3A_807 = arith.index_cast %parallel_loop3A_806 : i32 to index
      %parallel_loop3A_808 = tpu.vector_load %arg8[%parallel_loop3A_807] {strides = array<i32>} : memref<3072xf32, #tpu.memory_space<vmem>>, vector<16xf32>,
      %parallel_loop3A_809 = arith.constant 304 : i32
      %parallel_loop3A_810 = arith.addi %parallel_loop3A_732, %parallel_loop3A_809 : i32
      %parallel_loop3A_811 = arith.index_cast %parallel_loop3A_810 : i32 to index
      %parallel_loop3A_812 = tpu.vector_load %arg8[%parallel_loop3A_811] {strides = array<i32>} : memref<3072xf32, #tpu.memory_space<vmem>>, vector<16xf32>,
      %parallel_loop3A_813 = arith.constant 320 : i32
      %parallel_loop3A_814 = arith.addi %parallel_loop3A_732, %parallel_loop3A_813 : i32
      %parallel_loop3A_815 = arith.index_cast %parallel_loop3A_814 : i32 to index
      %parallel_loop3A_816 = tpu.vector_load %arg8[%parallel_loop3A_815] {strides = array<i32>} : memref<3072xf32, #tpu.memory_space<vmem>>, vector<16xf32>,
      %parallel_loop3A_817 = arith.constant 336 : i32
      %parallel_loop3A_818 = arith.addi %parallel_loop3A_732, %parallel_loop3A_817 : i32
      %parallel_loop3A_819 = arith.index_cast %parallel_loop3A_818 : i32 to index
      %parallel_loop3A_820 = tpu.vector_load %arg8[%parallel_loop3A_819] {strides = array<i32>} : memref<3072xf32, #tpu.memory_space<vmem>>, vector<16xf32>,
      %parallel_loop3A_821 = arith.constant 352 : i32
      %parallel_loop3A_822 = arith.addi %parallel_loop3A_732, %parallel_loop3A_821 : i32
      %parallel_loop3A_823 = arith.index_cast %parallel_loop3A_822 : i32 to index
      %parallel_loop3A_824 = tpu.vector_load %arg8[%parallel_loop3A_823] {strides = array<i32>} : memref<3072xf32, #tpu.memory_space<vmem>>, vector<16xf32>,
      %parallel_loop3A_825 = arith.constant 368 : i32
      %parallel_loop3A_826 = arith.addi %parallel_loop3A_732, %parallel_loop3A_825 : i32
      %parallel_loop3A_827 = arith.index_cast %parallel_loop3A_826 : i32 to index
      %parallel_loop3A_828 = tpu.vector_load %arg8[%parallel_loop3A_827] {strides = array<i32>} : memref<3072xf32, #tpu.memory_space<vmem>>, vector<16xf32>,
      %parallel_loop3A_829 = arith.constant 384 : i32
      %parallel_loop3A_830 = arith.addi %parallel_loop3A_732, %parallel_loop3A_829 : i32
      %parallel_loop3A_831 = arith.index_cast %parallel_loop3A_830 : i32 to index
      %parallel_loop3A_832 = tpu.vector_load %arg8[%parallel_loop3A_831] {strides = array<i32>} : memref<3072xf32, #tpu.memory_space<vmem>>, vector<16xf32>,
      %parallel_loop3A_833 = arith.constant 400 : i32
      %parallel_loop3A_834 = arith.addi %parallel_loop3A_732, %parallel_loop3A_833 : i32
      %parallel_loop3A_835 = arith.index_cast %parallel_loop3A_834 : i32 to index
      %parallel_loop3A_836 = tpu.vector_load %arg8[%parallel_loop3A_835] {strides = array<i32>} : memref<3072xf32, #tpu.memory_space<vmem>>, vector<16xf32>,
      %parallel_loop3A_837 = arith.constant 416 : i32
      %parallel_loop3A_838 = arith.addi %parallel_loop3A_732, %parallel_loop3A_837 : i32
      %parallel_loop3A_839 = arith.index_cast %parallel_loop3A_838 : i32 to index
      %parallel_loop3A_840 = tpu.vector_load %arg8[%parallel_loop3A_839] {strides = array<i32>} : memref<3072xf32, #tpu.memory_space<vmem>>, vector<16xf32>,
      %parallel_loop3A_841 = arith.constant 432 : i32
      %parallel_loop3A_842 = arith.addi %parallel_loop3A_732, %parallel_loop3A_841 : i32
      %parallel_loop3A_843 = arith.index_cast %parallel_loop3A_842 : i32 to index
      %parallel_loop3A_844 = tpu.vector_load %arg8[%parallel_loop3A_843] {strides = array<i32>} : memref<3072xf32, #tpu.memory_space<vmem>>, vector<16xf32>,
      %parallel_loop3A_845 = arith.constant 448 : i32
      %parallel_loop3A_846 = arith.addi %parallel_loop3A_732, %parallel_loop3A_845 : i32
      %parallel_loop3A_847 = arith.index_cast %parallel_loop3A_846 : i32 to index
      %parallel_loop3A_848 = tpu.vector_load %arg8[%parallel_loop3A_847] {strides = array<i32>} : memref<3072xf32, #tpu.memory_space<vmem>>, vector<16xf32>,
      %parallel_loop3A_849 = arith.constant 464 : i32
      %parallel_loop3A_850 = arith.addi %parallel_loop3A_732, %parallel_loop3A_849 : i32
      %parallel_loop3A_851 = arith.index_cast %parallel_loop3A_850 : i32 to index
      %parallel_loop3A_852 = tpu.vector_load %arg8[%parallel_loop3A_851] {strides = array<i32>} : memref<3072xf32, #tpu.memory_space<vmem>>, vector<16xf32>,
      %parallel_loop3A_853 = arith.constant 480 : i32
      %parallel_loop3A_854 = arith.addi %parallel_loop3A_732, %parallel_loop3A_853 : i32
      %parallel_loop3A_855 = arith.index_cast %parallel_loop3A_854 : i32 to index
      %parallel_loop3A_856 = tpu.vector_load %arg8[%parallel_loop3A_855] {strides = array<i32>} : memref<3072xf32, #tpu.memory_space<vmem>>, vector<16xf32>,
      %parallel_loop3A_857 = arith.constant 496 : i32
      %parallel_loop3A_858 = arith.addi %parallel_loop3A_732, %parallel_loop3A_857 : i32
      %parallel_loop3A_859 = arith.index_cast %parallel_loop3A_858 : i32 to index
      %parallel_loop3A_860 = tpu.vector_load %arg8[%parallel_loop3A_859] {strides = array<i32>} : memref<3072xf32, #tpu.memory_space<vmem>>, vector<16xf32>,
      %parallel_loop3A_861 = arith.constant 0 : i32
      %parallel_loop3A_862 = arith.index_cast %parallel_loop3A_861 : i32 to index
      %parallel_loop3A_863 = arith.index_cast %parallel_loop3A_724 : i32 to index
      %parallel_loop3A_864 = arith.constant 0 : index
      %parallel_loop3A_865 = tpu.vector_load %arg10[%parallel_loop3A_862, %parallel_loop3A_863, %parallel_loop3A_864] {strides = array<i32>} : memref<2x64x512xf32, #tpu.memory_space<vmem>>, vector<16xf32>,
      tpu.vector_store %arg10[%parallel_loop3A_862, %parallel_loop3A_863, %parallel_loop3A_864], %parallel_loop3A_736 {add = true, strides = array<i32>} : memref<2x64x512xf32, #tpu.memory_space<vmem>>, vector<16xf32>,
      %parallel_loop3A_866 = arith.constant 0 : i32
      %parallel_loop3A_867 = arith.index_cast %parallel_loop3A_866 : i32 to index
      %parallel_loop3A_868 = arith.index_cast %parallel_loop3A_724 : i32 to index
      %parallel_loop3A_869 = arith.constant 16 : index
      %parallel_loop3A_870 = tpu.vector_load %arg10[%parallel_loop3A_867, %parallel_loop3A_868, %parallel_loop3A_869] {strides = array<i32>} : memref<2x64x512xf32, #tpu.memory_space<vmem>>, vector<16xf32>,
      tpu.vector_store %arg10[%parallel_loop3A_867, %parallel_loop3A_868, %parallel_loop3A_869], %parallel_loop3A_740 {add = true, strides = array<i32>} : memref<2x64x512xf32, #tpu.memory_space<vmem>>, vector<16xf32>,
      %parallel_loop3A_871 = arith.constant 0 : i32
      %parallel_loop3A_872 = arith.index_cast %parallel_loop3A_871 : i32 to index
      %parallel_loop3A_873 = arith.index_cast %parallel_loop3A_724 : i32 to index
      %parallel_loop3A_874 = arith.constant 32 : index
      %parallel_loop3A_875 = tpu.vector_load %arg10[%parallel_loop3A_872, %parallel_loop3A_873, %parallel_loop3A_874] {strides = array<i32>} : memref<2x64x512xf32, #tpu.memory_space<vmem>>, vector<16xf32>,
      tpu.vector_store %arg10[%parallel_loop3A_872, %parallel_loop3A_873, %parallel_loop3A_874], %parallel_loop3A_744 {add = true, strides = array<i32>} : memref<2x64x512xf32, #tpu.memory_space<vmem>>, vector<16xf32>,
      %parallel_loop3A_876 = arith.constant 0 : i32
      %parallel_loop3A_877 = arith.index_cast %parallel_loop3A_876 : i32 to index
      %parallel_loop3A_878 = arith.index_cast %parallel_loop3A_724 : i32 to index
      %parallel_loop3A_879 = arith.constant 48 : index
      %parallel_loop3A_880 = tpu.vector_load %arg10[%parallel_loop3A_877, %parallel_loop3A_878, %parallel_loop3A_879] {strides = array<i32>} : memref<2x64x512xf32, #tpu.memory_space<vmem>>, vector<16xf32>,
      tpu.vector_store %arg10[%parallel_loop3A_877, %parallel_loop3A_878, %parallel_loop3A_879], %parallel_loop3A_748 {add = true, strides = array<i32>} : memref<2x64x512xf32, #tpu.memory_space<vmem>>, vector<16xf32>,
      %parallel_loop3A_881 = arith.constant 0 : i32
      %parallel_loop3A_882 = arith.index_cast %parallel_loop3A_881 : i32 to index
      %parallel_loop3A_883 = arith.index_cast %parallel_loop3A_724 : i32 to index
      %parallel_loop3A_884 = arith.constant 64 : index
      %parallel_loop3A_885 = tpu.vector_load %arg10[%parallel_loop3A_882, %parallel_loop3A_883, %parallel_loop3A_884] {strides = array<i32>} : memref<2x64x512xf32, #tpu.memory_space<vmem>>, vector<16xf32>,
      tpu.vector_store %arg10[%parallel_loop3A_882, %parallel_loop3A_883, %parallel_loop3A_884], %parallel_loop3A_752 {add = true, strides = array<i32>} : memref<2x64x512xf32, #tpu.memory_space<vmem>>, vector<16xf32>,
      %parallel_loop3A_886 = arith.constant 0 : i32
      %parallel_loop3A_887 = arith.index_cast %parallel_loop3A_886 : i32 to index
      %parallel_loop3A_888 = arith.index_cast %parallel_loop3A_724 : i32 to index
      %parallel_loop3A_889 = arith.constant 80 : index
      %parallel_loop3A_890 = tpu.vector_load %arg10[%parallel_loop3A_887, %parallel_loop3A_888, %parallel_loop3A_889] {strides = array<i32>} : memref<2x64x512xf32, #tpu.memory_space<vmem>>, vector<16xf32>,
      tpu.vector_store %arg10[%parallel_loop3A_887, %parallel_loop3A_888, %parallel_loop3A_889], %parallel_loop3A_756 {add = true, strides = array<i32>} : memref<2x64x512xf32, #tpu.memory_space<vmem>>, vector<16xf32>,
      %parallel_loop3A_891 = arith.constant 0 : i32
      %parallel_loop3A_892 = arith.index_cast %parallel_loop3A_891 : i32 to index
      %parallel_loop3A_893 = arith.index_cast %parallel_loop3A_724 : i32 to index
      %parallel_loop3A_894 = arith.constant 96 : index
      %parallel_loop3A_895 = tpu.vector_load %arg10[%parallel_loop3A_892, %parallel_loop3A_893, %parallel_loop3A_894] {strides = array<i32>} : memref<2x64x512xf32, #tpu.memory_space<vmem>>, vector<16xf32>,
      tpu.vector_store %arg10[%parallel_loop3A_892, %parallel_loop3A_893, %parallel_loop3A_894], %parallel_loop3A_760 {add = true, strides = array<i32>} : memref<2x64x512xf32, #tpu.memory_space<vmem>>, vector<16xf32>,
      %parallel_loop3A_896 = arith.constant 0 : i32
      %parallel_loop3A_897 = arith.index_cast %parallel_loop3A_896 : i32 to index
      %parallel_loop3A_898 = arith.index_cast %parallel_loop3A_724 : i32 to index
      %parallel_loop3A_899 = arith.constant 112 : index
      %parallel_loop3A_900 = tpu.vector_load %arg10[%parallel_loop3A_897, %parallel_loop3A_898, %parallel_loop3A_899] {strides = array<i32>} : memref<2x64x512xf32, #tpu.memory_space<vmem>>, vector<16xf32>,
      tpu.vector_store %arg10[%parallel_loop3A_897, %parallel_loop3A_898, %parallel_loop3A_899], %parallel_loop3A_764 {add = true, strides = array<i32>} : memref<2x64x512xf32, #tpu.memory_space<vmem>>, vector<16xf32>,
      %parallel_loop3A_901 = arith.constant 0 : i32
      %parallel_loop3A_902 = arith.index_cast %parallel_loop3A_901 : i32 to index
      %parallel_loop3A_903 = arith.index_cast %parallel_loop3A_724 : i32 to index
      %parallel_loop3A_904 = arith.constant 128 : index
      %parallel_loop3A_905 = tpu.vector_load %arg10[%parallel_loop3A_902, %parallel_loop3A_903, %parallel_loop3A_904] {strides = array<i32>} : memref<2x64x512xf32, #tpu.memory_space<vmem>>, vector<16xf32>,
      tpu.vector_store %arg10[%parallel_loop3A_902, %parallel_loop3A_903, %parallel_loop3A_904], %parallel_loop3A_768 {add = true, strides = array<i32>} : memref<2x64x512xf32, #tpu.memory_space<vmem>>, vector<16xf32>,
      %parallel_loop3A_906 = arith.constant 0 : i32
      %parallel_loop3A_907 = arith.index_cast %parallel_loop3A_906 : i32 to index
      %parallel_loop3A_908 = arith.index_cast %parallel_loop3A_724 : i32 to index
      %parallel_loop3A_909 = arith.constant 144 : index
      %parallel_loop3A_910 = tpu.vector_load %arg10[%parallel_loop3A_907, %parallel_loop3A_908, %parallel_loop3A_909] {strides = array<i32>} : memref<2x64x512xf32, #tpu.memory_space<vmem>>, vector<16xf32>,
      tpu.vector_store %arg10[%parallel_loop3A_907, %parallel_loop3A_908, %parallel_loop3A_909], %parallel_loop3A_772 {add = true, strides = array<i32>} : memref<2x64x512xf32, #tpu.memory_space<vmem>>, vector<16xf32>,
      %parallel_loop3A_911 = arith.constant 0 : i32
      %parallel_loop3A_912 = arith.index_cast %parallel_loop3A_911 : i32 to index
      %parallel_loop3A_913 = arith.index_cast %parallel_loop3A_724 : i32 to index
      %parallel_loop3A_914 = arith.constant 160 : index
      %parallel_loop3A_915 = tpu.vector_load %arg10[%parallel_loop3A_912, %parallel_loop3A_913, %parallel_loop3A_914] {strides = array<i32>} : memref<2x64x512xf32, #tpu.memory_space<vmem>>, vector<16xf32>,
      tpu.vector_store %arg10[%parallel_loop3A_912, %parallel_loop3A_913, %parallel_loop3A_914], %parallel_loop3A_776 {add = true, strides = array<i32>} : memref<2x64x512xf32, #tpu.memory_space<vmem>>, vector<16xf32>,
      %parallel_loop3A_916 = arith.constant 0 : i32
      %parallel_loop3A_917 = arith.index_cast %parallel_loop3A_916 : i32 to index
      %parallel_loop3A_918 = arith.index_cast %parallel_loop3A_724 : i32 to index
      %parallel_loop3A_919 = arith.constant 176 : index
      %parallel_loop3A_920 = tpu.vector_load %arg10[%parallel_loop3A_917, %parallel_loop3A_918, %parallel_loop3A_919] {strides = array<i32>} : memref<2x64x512xf32, #tpu.memory_space<vmem>>, vector<16xf32>,
      tpu.vector_store %arg10[%parallel_loop3A_917, %parallel_loop3A_918, %parallel_loop3A_919], %parallel_loop3A_780 {add = true, strides = array<i32>} : memref<2x64x512xf32, #tpu.memory_space<vmem>>, vector<16xf32>,
      %parallel_loop3A_921 = arith.constant 0 : i32
      %parallel_loop3A_922 = arith.index_cast %parallel_loop3A_921 : i32 to index
      %parallel_loop3A_923 = arith.index_cast %parallel_loop3A_724 : i32 to index
      %parallel_loop3A_924 = arith.constant 192 : index
      %parallel_loop3A_925 = tpu.vector_load %arg10[%parallel_loop3A_922, %parallel_loop3A_923, %parallel_loop3A_924] {strides = array<i32>} : memref<2x64x512xf32, #tpu.memory_space<vmem>>, vector<16xf32>,
      tpu.vector_store %arg10[%parallel_loop3A_922, %parallel_loop3A_923, %parallel_loop3A_924], %parallel_loop3A_784 {add = true, strides = array<i32>} : memref<2x64x512xf32, #tpu.memory_space<vmem>>, vector<16xf32>,
      %parallel_loop3A_926 = arith.constant 0 : i32
      %parallel_loop3A_927 = arith.index_cast %parallel_loop3A_926 : i32 to index
      %parallel_loop3A_928 = arith.index_cast %parallel_loop3A_724 : i32 to index
      %parallel_loop3A_929 = arith.constant 208 : index
      %parallel_loop3A_930 = tpu.vector_load %arg10[%parallel_loop3A_927, %parallel_loop3A_928, %parallel_loop3A_929] {strides = array<i32>} : memref<2x64x512xf32, #tpu.memory_space<vmem>>, vector<16xf32>,
      tpu.vector_store %arg10[%parallel_loop3A_927, %parallel_loop3A_928, %parallel_loop3A_929], %parallel_loop3A_788 {add = true, strides = array<i32>} : memref<2x64x512xf32, #tpu.memory_space<vmem>>, vector<16xf32>,
      %parallel_loop3A_931 = arith.constant 0 : i32
      %parallel_loop3A_932 = arith.index_cast %parallel_loop3A_931 : i32 to index
      %parallel_loop3A_933 = arith.index_cast %parallel_loop3A_724 : i32 to index
      %parallel_loop3A_934 = arith.constant 224 : index
      %parallel_loop3A_935 = tpu.vector_load %arg10[%parallel_loop3A_932, %parallel_loop3A_933, %parallel_loop3A_934] {strides = array<i32>} : memref<2x64x512xf32, #tpu.memory_space<vmem>>, vector<16xf32>,
      tpu.vector_store %arg10[%parallel_loop3A_932, %parallel_loop3A_933, %parallel_loop3A_934], %parallel_loop3A_792 {add = true, strides = array<i32>} : memref<2x64x512xf32, #tpu.memory_space<vmem>>, vector<16xf32>,
      %parallel_loop3A_936 = arith.constant 0 : i32
      %parallel_loop3A_937 = arith.index_cast %parallel_loop3A_936 : i32 to index
      %parallel_loop3A_938 = arith.index_cast %parallel_loop3A_724 : i32 to index
      %parallel_loop3A_939 = arith.constant 240 : index
      %parallel_loop3A_940 = tpu.vector_load %arg10[%parallel_loop3A_937, %parallel_loop3A_938, %parallel_loop3A_939] {strides = array<i32>} : memref<2x64x512xf32, #tpu.memory_space<vmem>>, vector<16xf32>,
      tpu.vector_store %arg10[%parallel_loop3A_937, %parallel_loop3A_938, %parallel_loop3A_939], %parallel_loop3A_796 {add = true, strides = array<i32>} : memref<2x64x512xf32, #tpu.memory_space<vmem>>, vector<16xf32>,
      %parallel_loop3A_941 = arith.constant 0 : i32
      %parallel_loop3A_942 = arith.index_cast %parallel_loop3A_941 : i32 to index
      %parallel_loop3A_943 = arith.index_cast %parallel_loop3A_724 : i32 to index
      %parallel_loop3A_944 = arith.constant 256 : index
      %parallel_loop3A_945 = tpu.vector_load %arg10[%parallel_loop3A_942, %parallel_loop3A_943, %parallel_loop3A_944] {strides = array<i32>} : memref<2x64x512xf32, #tpu.memory_space<vmem>>, vector<16xf32>,
      tpu.vector_store %arg10[%parallel_loop3A_942, %parallel_loop3A_943, %parallel_loop3A_944], %parallel_loop3A_800 {add = true, strides = array<i32>} : memref<2x64x512xf32, #tpu.memory_space<vmem>>, vector<16xf32>,
      %parallel_loop3A_946 = arith.constant 0 : i32
      %parallel_loop3A_947 = arith.index_cast %parallel_loop3A_946 : i32 to index
      %parallel_loop3A_948 = arith.index_cast %parallel_loop3A_724 : i32 to index
      %parallel_loop3A_949 = arith.constant 272 : index
      %parallel_loop3A_950 = tpu.vector_load %arg10[%parallel_loop3A_947, %parallel_loop3A_948, %parallel_loop3A_949] {strides = array<i32>} : memref<2x64x512xf32, #tpu.memory_space<vmem>>, vector<16xf32>,
      tpu.vector_store %arg10[%parallel_loop3A_947, %parallel_loop3A_948, %parallel_loop3A_949], %parallel_loop3A_804 {add = true, strides = array<i32>} : memref<2x64x512xf32, #tpu.memory_space<vmem>>, vector<16xf32>,
      %parallel_loop3A_951 = arith.constant 0 : i32
      %parallel_loop3A_952 = arith.index_cast %parallel_loop3A_951 : i32 to index
      %parallel_loop3A_953 = arith.index_cast %parallel_loop3A_724 : i32 to index
      %parallel_loop3A_954 = arith.constant 288 : index
      %parallel_loop3A_955 = tpu.vector_load %arg10[%parallel_loop3A_952, %parallel_loop3A_953, %parallel_loop3A_954] {strides = array<i32>} : memref<2x64x512xf32, #tpu.memory_space<vmem>>, vector<16xf32>,
      tpu.vector_store %arg10[%parallel_loop3A_952, %parallel_loop3A_953, %parallel_loop3A_954], %parallel_loop3A_808 {add = true, strides = array<i32>} : memref<2x64x512xf32, #tpu.memory_space<vmem>>, vector<16xf32>,
      %parallel_loop3A_956 = arith.constant 0 : i32
      %parallel_loop3A_957 = arith.index_cast %parallel_loop3A_956 : i32 to index
      %parallel_loop3A_958 = arith.index_cast %parallel_loop3A_724 : i32 to index
      %parallel_loop3A_959 = arith.constant 304 : index
      %parallel_loop3A_960 = tpu.vector_load %arg10[%parallel_loop3A_957, %parallel_loop3A_958, %parallel_loop3A_959] {strides = array<i32>} : memref<2x64x512xf32, #tpu.memory_space<vmem>>, vector<16xf32>,
      tpu.vector_store %arg10[%parallel_loop3A_957, %parallel_loop3A_958, %parallel_loop3A_959], %parallel_loop3A_812 {add = true, strides = array<i32>} : memref<2x64x512xf32, #tpu.memory_space<vmem>>, vector<16xf32>,
      %parallel_loop3A_961 = arith.constant 0 : i32
      %parallel_loop3A_962 = arith.index_cast %parallel_loop3A_961 : i32 to index
      %parallel_loop3A_963 = arith.index_cast %parallel_loop3A_724 : i32 to index
      %parallel_loop3A_964 = arith.constant 320 : index
      %parallel_loop3A_965 = tpu.vector_load %arg10[%parallel_loop3A_962, %parallel_loop3A_963, %parallel_loop3A_964] {strides = array<i32>} : memref<2x64x512xf32, #tpu.memory_space<vmem>>, vector<16xf32>,
      tpu.vector_store %arg10[%parallel_loop3A_962, %parallel_loop3A_963, %parallel_loop3A_964], %parallel_loop3A_816 {add = true, strides = array<i32>} : memref<2x64x512xf32, #tpu.memory_space<vmem>>, vector<16xf32>,
      %parallel_loop3A_966 = arith.constant 0 : i32
      %parallel_loop3A_967 = arith.index_cast %parallel_loop3A_966 : i32 to index
      %parallel_loop3A_968 = arith.index_cast %parallel_loop3A_724 : i32 to index
      %parallel_loop3A_969 = arith.constant 336 : index
      %parallel_loop3A_970 = tpu.vector_load %arg10[%parallel_loop3A_967, %parallel_loop3A_968, %parallel_loop3A_969] {strides = array<i32>} : memref<2x64x512xf32, #tpu.memory_space<vmem>>, vector<16xf32>,
      tpu.vector_store %arg10[%parallel_loop3A_967, %parallel_loop3A_968, %parallel_loop3A_969], %parallel_loop3A_820 {add = true, strides = array<i32>} : memref<2x64x512xf32, #tpu.memory_space<vmem>>, vector<16xf32>,
      %parallel_loop3A_971 = arith.constant 0 : i32
      %parallel_loop3A_972 = arith.index_cast %parallel_loop3A_971 : i32 to index
      %parallel_loop3A_973 = arith.index_cast %parallel_loop3A_724 : i32 to index
      %parallel_loop3A_974 = arith.constant 352 : index
      %parallel_loop3A_975 = tpu.vector_load %arg10[%parallel_loop3A_972, %parallel_loop3A_973, %parallel_loop3A_974] {strides = array<i32>} : memref<2x64x512xf32, #tpu.memory_space<vmem>>, vector<16xf32>,
      tpu.vector_store %arg10[%parallel_loop3A_972, %parallel_loop3A_973, %parallel_loop3A_974], %parallel_loop3A_824 {add = true, strides = array<i32>} : memref<2x64x512xf32, #tpu.memory_space<vmem>>, vector<16xf32>,
      %parallel_loop3A_976 = arith.constant 0 : i32
      %parallel_loop3A_977 = arith.index_cast %parallel_loop3A_976 : i32 to index
      %parallel_loop3A_978 = arith.index_cast %parallel_loop3A_724 : i32 to index
      %parallel_loop3A_979 = arith.constant 368 : index
      %parallel_loop3A_980 = tpu.vector_load %arg10[%parallel_loop3A_977, %parallel_loop3A_978, %parallel_loop3A_979] {strides = array<i32>} : memref<2x64x512xf32, #tpu.memory_space<vmem>>, vector<16xf32>,
      tpu.vector_store %arg10[%parallel_loop3A_977, %parallel_loop3A_978, %parallel_loop3A_979], %parallel_loop3A_828 {add = true, strides = array<i32>} : memref<2x64x512xf32, #tpu.memory_space<vmem>>, vector<16xf32>,
      %parallel_loop3A_981 = arith.constant 0 : i32
      %parallel_loop3A_982 = arith.index_cast %parallel_loop3A_981 : i32 to index
      %parallel_loop3A_983 = arith.index_cast %parallel_loop3A_724 : i32 to index
      %parallel_loop3A_984 = arith.constant 384 : index
      %parallel_loop3A_985 = tpu.vector_load %arg10[%parallel_loop3A_982, %parallel_loop3A_983, %parallel_loop3A_984] {strides = array<i32>} : memref<2x64x512xf32, #tpu.memory_space<vmem>>, vector<16xf32>,
      tpu.vector_store %arg10[%parallel_loop3A_982, %parallel_loop3A_983, %parallel_loop3A_984], %parallel_loop3A_832 {add = true, strides = array<i32>} : memref<2x64x512xf32, #tpu.memory_space<vmem>>, vector<16xf32>,
      %parallel_loop3A_986 = arith.constant 0 : i32
      %parallel_loop3A_987 = arith.index_cast %parallel_loop3A_986 : i32 to index
      %parallel_loop3A_988 = arith.index_cast %parallel_loop3A_724 : i32 to index
      %parallel_loop3A_989 = arith.constant 400 : index
      %parallel_loop3A_990 = tpu.vector_load %arg10[%parallel_loop3A_987, %parallel_loop3A_988, %parallel_loop3A_989] {strides = array<i32>} : memref<2x64x512xf32, #tpu.memory_space<vmem>>, vector<16xf32>,
      tpu.vector_store %arg10[%parallel_loop3A_987, %parallel_loop3A_988, %parallel_loop3A_989], %parallel_loop3A_836 {add = true, strides = array<i32>} : memref<2x64x512xf32, #tpu.memory_space<vmem>>, vector<16xf32>,
      %parallel_loop3A_991 = arith.constant 0 : i32
      %parallel_loop3A_992 = arith.index_cast %parallel_loop3A_991 : i32 to index
      %parallel_loop3A_993 = arith.index_cast %parallel_loop3A_724 : i32 to index
      %parallel_loop3A_994 = arith.constant 416 : index
      %parallel_loop3A_995 = tpu.vector_load %arg10[%parallel_loop3A_992, %parallel_loop3A_993, %parallel_loop3A_994] {strides = array<i32>} : memref<2x64x512xf32, #tpu.memory_space<vmem>>, vector<16xf32>,
      tpu.vector_store %arg10[%parallel_loop3A_992, %parallel_loop3A_993, %parallel_loop3A_994], %parallel_loop3A_840 {add = true, strides = array<i32>} : memref<2x64x512xf32, #tpu.memory_space<vmem>>, vector<16xf32>,
      %parallel_loop3A_996 = arith.constant 0 : i32
      %parallel_loop3A_997 = arith.index_cast %parallel_loop3A_996 : i32 to index
      %parallel_loop3A_998 = arith.index_cast %parallel_loop3A_724 : i32 to index
      %parallel_loop3A_999 = arith.constant 432 : index
      %parallel_loop3A_1000 = tpu.vector_load %arg10[%parallel_loop3A_997, %parallel_loop3A_998, %parallel_loop3A_999] {strides = array<i32>} : memref<2x64x512xf32, #tpu.memory_space<vmem>>, vector<16xf32>,
      tpu.vector_store %arg10[%parallel_loop3A_997, %parallel_loop3A_998, %parallel_loop3A_999], %parallel_loop3A_844 {add = true, strides = array<i32>} : memref<2x64x512xf32, #tpu.memory_space<vmem>>, vector<16xf32>,
      %parallel_loop3A_1001 = arith.constant 0 : i32
      %parallel_loop3A_1002 = arith.index_cast %parallel_loop3A_1001 : i32 to index
      %parallel_loop3A_1003 = arith.index_cast %parallel_loop3A_724 : i32 to index
      %parallel_loop3A_1004 = arith.constant 448 : index
      %parallel_loop3A_1005 = tpu.vector_load %arg10[%parallel_loop3A_1002, %parallel_loop3A_1003, %parallel_loop3A_1004] {strides = array<i32>} : memref<2x64x512xf32, #tpu.memory_space<vmem>>, vector<16xf32>,
      tpu.vector_store %arg10[%parallel_loop3A_1002, %parallel_loop3A_1003, %parallel_loop3A_1004], %parallel_loop3A_848 {add = true, strides = array<i32>} : memref<2x64x512xf32, #tpu.memory_space<vmem>>, vector<16xf32>,
      %parallel_loop3A_1006 = arith.constant 0 : i32
      %parallel_loop3A_1007 = arith.index_cast %parallel_loop3A_1006 : i32 to index
      %parallel_loop3A_1008 = arith.index_cast %parallel_loop3A_724 : i32 to index
      %parallel_loop3A_1009 = arith.constant 464 : index
      %parallel_loop3A_1010 = tpu.vector_load %arg10[%parallel_loop3A_1007, %parallel_loop3A_1008, %parallel_loop3A_1009] {strides = array<i32>} : memref<2x64x512xf32, #tpu.memory_space<vmem>>, vector<16xf32>,
      tpu.vector_store %arg10[%parallel_loop3A_1007, %parallel_loop3A_1008, %parallel_loop3A_1009], %parallel_loop3A_852 {add = true, strides = array<i32>} : memref<2x64x512xf32, #tpu.memory_space<vmem>>, vector<16xf32>,
      %parallel_loop3A_1011 = arith.constant 0 : i32
      %parallel_loop3A_1012 = arith.index_cast %parallel_loop3A_1011 : i32 to index
      %parallel_loop3A_1013 = arith.index_cast %parallel_loop3A_724 : i32 to index
      %parallel_loop3A_1014 = arith.constant 480 : index
      %parallel_loop3A_1015 = tpu.vector_load %arg10[%parallel_loop3A_1012, %parallel_loop3A_1013, %parallel_loop3A_1014] {strides = array<i32>} : memref<2x64x512xf32, #tpu.memory_space<vmem>>, vector<16xf32>,
      tpu.vector_store %arg10[%parallel_loop3A_1012, %parallel_loop3A_1013, %parallel_loop3A_1014], %parallel_loop3A_856 {add = true, strides = array<i32>} : memref<2x64x512xf32, #tpu.memory_space<vmem>>, vector<16xf32>,
      %parallel_loop3A_1016 = arith.constant 0 : i32
      %parallel_loop3A_1017 = arith.index_cast %parallel_loop3A_1016 : i32 to index
      %parallel_loop3A_1018 = arith.index_cast %parallel_loop3A_724 : i32 to index
      %parallel_loop3A_1019 = arith.constant 496 : index
      %parallel_loop3A_1020 = tpu.vector_load %arg10[%parallel_loop3A_1017, %parallel_loop3A_1018, %parallel_loop3A_1019] {strides = array<i32>} : memref<2x64x512xf32, #tpu.memory_space<vmem>>, vector<16xf32>,
      tpu.vector_store %arg10[%parallel_loop3A_1017, %parallel_loop3A_1018, %parallel_loop3A_1019], %parallel_loop3A_860 {add = true, strides = array<i32>} : memref<2x64x512xf32, #tpu.memory_space<vmem>>, vector<16xf32>,
    } {sc.loop_unroll_factor = 1 : i64, sc.parallel_access}
    %add3A_637 = arith.constant 0 : i32
    %add3A_638 = arith.addi %mul3A_2, %add3A_637 : i32
    %dma_start3A_639 = arith.constant 0 : i32
    %dma_start3A_640 = arith.constant 0 : i32
    %dma_start3A_641 = arith.constant 0 : i32
    %dma_start3A_642 = arith.constant 0 : i32
    %dma_start3A_643 = tpu.memref_slice %arg10[%dma_start3A_639, %dma_start3A_641, %dma_start3A_642] : memref<2x64x512xf32, #tpu.memory_space<vmem>> -> memref<1x64x512xf32, #tpu.memory_space<vmem>>
    %dma_start3A_644 = tpu.memref_squeeze %dma_start3A_643 : memref<1x64x512xf32, #tpu.memory_space<vmem>> -> memref<64x512xf32, #tpu.memory_space<vmem>>
    %dma_start3A_645 = arith.constant 0 : i32
    %dma_start3A_646 = tpu.memref_slice %arg5[%add3A_638, %dma_start3A_640, %dma_start3A_645] : memref<4096x1x512xf32, #tpu.memory_space<hbm>> -> memref<64x1x512xf32, #tpu.memory_space<hbm>>
    %dma_start3A_647 = tpu.memref_squeeze %dma_start3A_646 : memref<64x1x512xf32, #tpu.memory_space<hbm>> -> memref<64x512xf32, #tpu.memory_space<hbm>>
    %dma_start3A_648 = arith.constant 0 : i32
    %dma_start3A_649 = tpu.memref_slice %arg5[%add3A_638, %dma_start3A_640, %dma_start3A_648] : memref<4096x1x512xf32, #tpu.memory_space<hbm>> -> memref<64x1x512xf32, #tpu.memory_space<hbm>>
    %dma_start3A_650 = tpu.memref_squeeze %dma_start3A_649 : memref<64x1x512xf32, #tpu.memory_space<hbm>> -> memref<64x512xf32, #tpu.memory_space<hbm>>
    %dma_start3A_651 = arith.constant 0 : i32
    %dma_start3A_652 = arith.constant 0 : i32
    %dma_start3A_653 = tpu.memref_slice %arg10[%dma_start3A_639, %dma_start3A_651, %dma_start3A_652] : memref<2x64x512xf32, #tpu.memory_space<vmem>> -> memref<1x64x512xf32, #tpu.memory_space<vmem>>
    %dma_start3A_654 = tpu.memref_squeeze %dma_start3A_653 : memref<1x64x512xf32, #tpu.memory_space<vmem>> -> memref<64x512xf32, #tpu.memory_space<vmem>>
    tpu.enqueue_dma source(%dma_start3A_654 : memref<64x512xf32, #tpu.memory_space<vmem>>) target(%dma_start3A_650 : memref<64x512xf32, #tpu.memory_space<hbm>>) target_semaphore(%arg15 : memref<!tpu.dma_semaphore, #tpu.memory_space<semaphore_mem>>)
    %dma_wait3A_655 = arith.constant 0 : i32
    %dma_wait3A_656 = arith.constant 1 : i32
    %dma_wait3A_657 = arith.constant 0 : i32
    %dma_wait3A_658 = arith.constant 0 : i32
    %dma_wait3A_659 = tpu.memref_slice %arg10[%dma_wait3A_656, %dma_wait3A_657, %dma_wait3A_658] : memref<2x64x512xf32, #tpu.memory_space<vmem>> -> memref<1x64x512xf32, #tpu.memory_space<vmem>>
    %dma_wait3A_660 = tpu.memref_squeeze %dma_wait3A_659 : memref<1x64x512xf32, #tpu.memory_space<vmem>> -> memref<64x512xf32, #tpu.memory_space<vmem>>
    %dma_wait3A_661 = arith.constant 0 : i32
    %dma_wait3A_662 = tpu.memref_slice %arg2[%add3A_602, %dma_wait3A_655, %dma_wait3A_661] : memref<4096x1x512xf32, #tpu.memory_space<hbm>> -> memref<64x1x512xf32, #tpu.memory_space<hbm>>
    %dma_wait3A_663 = tpu.memref_squeeze %dma_wait3A_662 : memref<64x1x512xf32, #tpu.memory_space<hbm>> -> memref<64x512xf32, #tpu.memory_space<hbm>>
    %dma_wait3A_664 = arith.constant 0 : i32
    %dma_wait3A_665 = arith.constant 0 : i32
    %dma_wait3A_666 = tpu.memref_slice %arg10[%dma_wait3A_656, %dma_wait3A_664, %dma_wait3A_665] : memref<2x64x512xf32, #tpu.memory_space<vmem>> -> memref<1x64x512xf32, #tpu.memory_space<vmem>>
    %dma_wait3A_667 = tpu.memref_squeeze %dma_wait3A_666 : memref<1x64x512xf32, #tpu.memory_space<vmem>> -> memref<64x512xf32, #tpu.memory_space<vmem>>
    %dma_wait3A_668 = arith.constant 0 : i32
    %dma_wait3A_669 = tpu.memref_slice %arg2[%add3A_602, %dma_wait3A_655, %dma_wait3A_668] : memref<4096x1x512xf32, #tpu.memory_space<hbm>> -> memref<64x1x512xf32, #tpu.memory_space<hbm>>
    %dma_wait3A_670 = tpu.memref_squeeze %dma_wait3A_669 : memref<64x1x512xf32, #tpu.memory_space<hbm>> -> memref<64x512xf32, #tpu.memory_space<hbm>>
    tpu.wait_dma2 semaphore(%arg14 : memref<!tpu.dma_semaphore, #tpu.memory_space<semaphore_mem>>) src(%dma_wait3A_670 : memref<64x512xf32, #tpu.memory_space<hbm>>) dst(%dma_wait3A_667 : memref<64x512xf32, #tpu.memory_space<vmem>>)
    %parallel_loop3A_671 = arith.constant 0 : i32
    %parallel_loop3A_672 = arith.constant 64 : i32
    %parallel_loop3A_673 = arith.constant 1 : i32
    scf.for %parallel_loop3A_724 = %parallel_loop3A_671 to %parallel_loop3A_672 step %parallel_loop3A_673  : i32 {
      %parallel_loop3A_725 = arith.constant 64 : i32
      %parallel_loop3A_726 = arith.addi %parallel_loop3A_725, %parallel_loop3A_724 : i32
      %parallel_loop3A_727 = arith.index_cast %parallel_loop3A_726 : i32 to index
      %parallel_loop3A_728 = tpu.vector_load %arg6[%parallel_loop3A_727] {strides = array<i32>} : memref<144xi32, #tpu.memory_space<vmem>>, vector<16xi32>,
      %parallel_loop3A_729 = vector.extract_strided_slice %parallel_loop3A_728 {offsets = [0], sizes = [1], strides = [1]} : vector<16xi32> to vector<1xi32>
      %parallel_loop3A_730 = vector.extract %parallel_loop3A_729[0] : i32 from vector<1xi32>
      %parallel_loop3A_731 = arith.constant 512 : i32
      %parallel_loop3A_732 = arith.muli %parallel_loop3A_730, %parallel_loop3A_731 : i32
      %parallel_loop3A_733 = arith.constant 0 : i32
      %parallel_loop3A_734 = arith.addi %parallel_loop3A_732, %parallel_loop3A_733 : i32
      %parallel_loop3A_735 = arith.index_cast %parallel_loop3A_734 : i32 to index
      %parallel_loop3A_736 = tpu.vector_load %arg8[%parallel_loop3A_735] {strides = array<i32>} : memref<3072xf32, #tpu.memory_space<vmem>>, vector<16xf32>,
      %parallel_loop3A_737 = arith.constant 16 : i32
      %parallel_loop3A_738 = arith.addi %parallel_loop3A_732, %parallel_loop3A_737 : i32
      %parallel_loop3A_739 = arith.index_cast %parallel_loop3A_738 : i32 to index
      %parallel_loop3A_740 = tpu.vector_load %arg8[%parallel_loop3A_739] {strides = array<i32>} : memref<3072xf32, #tpu.memory_space<vmem>>, vector<16xf32>,
      %parallel_loop3A_741 = arith.constant 32 : i32
      %parallel_loop3A_742 = arith.addi %parallel_loop3A_732, %parallel_loop3A_741 : i32
      %parallel_loop3A_743 = arith.index_cast %parallel_loop3A_742 : i32 to index
      %parallel_loop3A_744 = tpu.vector_load %arg8[%parallel_loop3A_743] {strides = array<i32>} : memref<3072xf32, #tpu.memory_space<vmem>>, vector<16xf32>,
      %parallel_loop3A_745 = arith.constant 48 : i32
      %parallel_loop3A_746 = arith.addi %parallel_loop3A_732, %parallel_loop3A_745 : i32
      %parallel_loop3A_747 = arith.index_cast %parallel_loop3A_746 : i32 to index
      %parallel_loop3A_748 = tpu.vector_load %arg8[%parallel_loop3A_747] {strides = array<i32>} : memref<3072xf32, #tpu.memory_space<vmem>>, vector<16xf32>,
      %parallel_loop3A_749 = arith.constant 64 : i32
      %parallel_loop3A_750 = arith.addi %parallel_loop3A_732, %parallel_loop3A_749 : i32
      %parallel_loop3A_751 = arith.index_cast %parallel_loop3A_750 : i32 to index
      %parallel_loop3A_752 = tpu.vector_load %arg8[%parallel_loop3A_751] {strides = array<i32>} : memref<3072xf32, #tpu.memory_space<vmem>>, vector<16xf32>,
      %parallel_loop3A_753 = arith.constant 80 : i32
      %parallel_loop3A_754 = arith.addi %parallel_loop3A_732, %parallel_loop3A_753 : i32
      %parallel_loop3A_755 = arith.index_cast %parallel_loop3A_754 : i32 to index
      %parallel_loop3A_756 = tpu.vector_load %arg8[%parallel_loop3A_755] {strides = array<i32>} : memref<3072xf32, #tpu.memory_space<vmem>>, vector<16xf32>,
      %parallel_loop3A_757 = arith.constant 96 : i32
      %parallel_loop3A_758 = arith.addi %parallel_loop3A_732, %parallel_loop3A_757 : i32
      %parallel_loop3A_759 = arith.index_cast %parallel_loop3A_758 : i32 to index
      %parallel_loop3A_760 = tpu.vector_load %arg8[%parallel_loop3A_759] {strides = array<i32>} : memref<3072xf32, #tpu.memory_space<vmem>>, vector<16xf32>,
      %parallel_loop3A_761 = arith.constant 112 : i32
      %parallel_loop3A_762 = arith.addi %parallel_loop3A_732, %parallel_loop3A_761 : i32
      %parallel_loop3A_763 = arith.index_cast %parallel_loop3A_762 : i32 to index
      %parallel_loop3A_764 = tpu.vector_load %arg8[%parallel_loop3A_763] {strides = array<i32>} : memref<3072xf32, #tpu.memory_space<vmem>>, vector<16xf32>,
      %parallel_loop3A_765 = arith.constant 128 : i32
      %parallel_loop3A_766 = arith.addi %parallel_loop3A_732, %parallel_loop3A_765 : i32
      %parallel_loop3A_767 = arith.index_cast %parallel_loop3A_766 : i32 to index
      %parallel_loop3A_768 = tpu.vector_load %arg8[%parallel_loop3A_767] {strides = array<i32>} : memref<3072xf32, #tpu.memory_space<vmem>>, vector<16xf32>,
      %parallel_loop3A_769 = arith.constant 144 : i32
      %parallel_loop3A_770 = arith.addi %parallel_loop3A_732, %parallel_loop3A_769 : i32
      %parallel_loop3A_771 = arith.index_cast %parallel_loop3A_770 : i32 to index
      %parallel_loop3A_772 = tpu.vector_load %arg8[%parallel_loop3A_771] {strides = array<i32>} : memref<3072xf32, #tpu.memory_space<vmem>>, vector<16xf32>,
      %parallel_loop3A_773 = arith.constant 160 : i32
      %parallel_loop3A_774 = arith.addi %parallel_loop3A_732, %parallel_loop3A_773 : i32
      %parallel_loop3A_775 = arith.index_cast %parallel_loop3A_774 : i32 to index
      %parallel_loop3A_776 = tpu.vector_load %arg8[%parallel_loop3A_775] {strides = array<i32>} : memref<3072xf32, #tpu.memory_space<vmem>>, vector<16xf32>,
      %parallel_loop3A_777 = arith.constant 176 : i32
      %parallel_loop3A_778 = arith.addi %parallel_loop3A_732, %parallel_loop3A_777 : i32
      %parallel_loop3A_779 = arith.index_cast %parallel_loop3A_778 : i32 to index
      %parallel_loop3A_780 = tpu.vector_load %arg8[%parallel_loop3A_779] {strides = array<i32>} : memref<3072xf32, #tpu.memory_space<vmem>>, vector<16xf32>,
      %parallel_loop3A_781 = arith.constant 192 : i32
      %parallel_loop3A_782 = arith.addi %parallel_loop3A_732, %parallel_loop3A_781 : i32
      %parallel_loop3A_783 = arith.index_cast %parallel_loop3A_782 : i32 to index
      %parallel_loop3A_784 = tpu.vector_load %arg8[%parallel_loop3A_783] {strides = array<i32>} : memref<3072xf32, #tpu.memory_space<vmem>>, vector<16xf32>,
      %parallel_loop3A_785 = arith.constant 208 : i32
      %parallel_loop3A_786 = arith.addi %parallel_loop3A_732, %parallel_loop3A_785 : i32
      %parallel_loop3A_787 = arith.index_cast %parallel_loop3A_786 : i32 to index
      %parallel_loop3A_788 = tpu.vector_load %arg8[%parallel_loop3A_787] {strides = array<i32>} : memref<3072xf32, #tpu.memory_space<vmem>>, vector<16xf32>,
      %parallel_loop3A_789 = arith.constant 224 : i32
      %parallel_loop3A_790 = arith.addi %parallel_loop3A_732, %parallel_loop3A_789 : i32
      %parallel_loop3A_791 = arith.index_cast %parallel_loop3A_790 : i32 to index
      %parallel_loop3A_792 = tpu.vector_load %arg8[%parallel_loop3A_791] {strides = array<i32>} : memref<3072xf32, #tpu.memory_space<vmem>>, vector<16xf32>,
      %parallel_loop3A_793 = arith.constant 240 : i32
      %parallel_loop3A_794 = arith.addi %parallel_loop3A_732, %parallel_loop3A_793 : i32
      %parallel_loop3A_795 = arith.index_cast %parallel_loop3A_794 : i32 to index
      %parallel_loop3A_796 = tpu.vector_load %arg8[%parallel_loop3A_795] {strides = array<i32>} : memref<3072xf32, #tpu.memory_space<vmem>>, vector<16xf32>,
      %parallel_loop3A_797 = arith.constant 256 : i32
      %parallel_loop3A_798 = arith.addi %parallel_loop3A_732, %parallel_loop3A_797 : i32
      %parallel_loop3A_799 = arith.index_cast %parallel_loop3A_798 : i32 to index
      %parallel_loop3A_800 = tpu.vector_load %arg8[%parallel_loop3A_799] {strides = array<i32>} : memref<3072xf32, #tpu.memory_space<vmem>>, vector<16xf32>,
      %parallel_loop3A_801 = arith.constant 272 : i32
      %parallel_loop3A_802 = arith.addi %parallel_loop3A_732, %parallel_loop3A_801 : i32
      %parallel_loop3A_803 = arith.index_cast %parallel_loop3A_802 : i32 to index
      %parallel_loop3A_804 = tpu.vector_load %arg8[%parallel_loop3A_803] {strides = array<i32>} : memref<3072xf32, #tpu.memory_space<vmem>>, vector<16xf32>,
      %parallel_loop3A_805 = arith.constant 288 : i32
      %parallel_loop3A_806 = arith.addi %parallel_loop3A_732, %parallel_loop3A_805 : i32
      %parallel_loop3A_807 = arith.index_cast %parallel_loop3A_806 : i32 to index
      %parallel_loop3A_808 = tpu.vector_load %arg8[%parallel_loop3A_807] {strides = array<i32>} : memref<3072xf32, #tpu.memory_space<vmem>>, vector<16xf32>,
      %parallel_loop3A_809 = arith.constant 304 : i32
      %parallel_loop3A_810 = arith.addi %parallel_loop3A_732, %parallel_loop3A_809 : i32
      %parallel_loop3A_811 = arith.index_cast %parallel_loop3A_810 : i32 to index
      %parallel_loop3A_812 = tpu.vector_load %arg8[%parallel_loop3A_811] {strides = array<i32>} : memref<3072xf32, #tpu.memory_space<vmem>>, vector<16xf32>,
      %parallel_loop3A_813 = arith.constant 320 : i32
      %parallel_loop3A_814 = arith.addi %parallel_loop3A_732, %parallel_loop3A_813 : i32
      %parallel_loop3A_815 = arith.index_cast %parallel_loop3A_814 : i32 to index
      %parallel_loop3A_816 = tpu.vector_load %arg8[%parallel_loop3A_815] {strides = array<i32>} : memref<3072xf32, #tpu.memory_space<vmem>>, vector<16xf32>,
      %parallel_loop3A_817 = arith.constant 336 : i32
      %parallel_loop3A_818 = arith.addi %parallel_loop3A_732, %parallel_loop3A_817 : i32
      %parallel_loop3A_819 = arith.index_cast %parallel_loop3A_818 : i32 to index
      %parallel_loop3A_820 = tpu.vector_load %arg8[%parallel_loop3A_819] {strides = array<i32>} : memref<3072xf32, #tpu.memory_space<vmem>>, vector<16xf32>,
      %parallel_loop3A_821 = arith.constant 352 : i32
      %parallel_loop3A_822 = arith.addi %parallel_loop3A_732, %parallel_loop3A_821 : i32
      %parallel_loop3A_823 = arith.index_cast %parallel_loop3A_822 : i32 to index
      %parallel_loop3A_824 = tpu.vector_load %arg8[%parallel_loop3A_823] {strides = array<i32>} : memref<3072xf32, #tpu.memory_space<vmem>>, vector<16xf32>,
      %parallel_loop3A_825 = arith.constant 368 : i32
      %parallel_loop3A_826 = arith.addi %parallel_loop3A_732, %parallel_loop3A_825 : i32
      %parallel_loop3A_827 = arith.index_cast %parallel_loop3A_826 : i32 to index
      %parallel_loop3A_828 = tpu.vector_load %arg8[%parallel_loop3A_827] {strides = array<i32>} : memref<3072xf32, #tpu.memory_space<vmem>>, vector<16xf32>,
      %parallel_loop3A_829 = arith.constant 384 : i32
      %parallel_loop3A_830 = arith.addi %parallel_loop3A_732, %parallel_loop3A_829 : i32
      %parallel_loop3A_831 = arith.index_cast %parallel_loop3A_830 : i32 to index
      %parallel_loop3A_832 = tpu.vector_load %arg8[%parallel_loop3A_831] {strides = array<i32>} : memref<3072xf32, #tpu.memory_space<vmem>>, vector<16xf32>,
      %parallel_loop3A_833 = arith.constant 400 : i32
      %parallel_loop3A_834 = arith.addi %parallel_loop3A_732, %parallel_loop3A_833 : i32
      %parallel_loop3A_835 = arith.index_cast %parallel_loop3A_834 : i32 to index
      %parallel_loop3A_836 = tpu.vector_load %arg8[%parallel_loop3A_835] {strides = array<i32>} : memref<3072xf32, #tpu.memory_space<vmem>>, vector<16xf32>,
      %parallel_loop3A_837 = arith.constant 416 : i32
      %parallel_loop3A_838 = arith.addi %parallel_loop3A_732, %parallel_loop3A_837 : i32
      %parallel_loop3A_839 = arith.index_cast %parallel_loop3A_838 : i32 to index
      %parallel_loop3A_840 = tpu.vector_load %arg8[%parallel_loop3A_839] {strides = array<i32>} : memref<3072xf32, #tpu.memory_space<vmem>>, vector<16xf32>,
      %parallel_loop3A_841 = arith.constant 432 : i32
      %parallel_loop3A_842 = arith.addi %parallel_loop3A_732, %parallel_loop3A_841 : i32
      %parallel_loop3A_843 = arith.index_cast %parallel_loop3A_842 : i32 to index
      %parallel_loop3A_844 = tpu.vector_load %arg8[%parallel_loop3A_843] {strides = array<i32>} : memref<3072xf32, #tpu.memory_space<vmem>>, vector<16xf32>,
      %parallel_loop3A_845 = arith.constant 448 : i32
      %parallel_loop3A_846 = arith.addi %parallel_loop3A_732, %parallel_loop3A_845 : i32
      %parallel_loop3A_847 = arith.index_cast %parallel_loop3A_846 : i32 to index
      %parallel_loop3A_848 = tpu.vector_load %arg8[%parallel_loop3A_847] {strides = array<i32>} : memref<3072xf32, #tpu.memory_space<vmem>>, vector<16xf32>,
      %parallel_loop3A_849 = arith.constant 464 : i32
      %parallel_loop3A_850 = arith.addi %parallel_loop3A_732, %parallel_loop3A_849 : i32
      %parallel_loop3A_851 = arith.index_cast %parallel_loop3A_850 : i32 to index
      %parallel_loop3A_852 = tpu.vector_load %arg8[%parallel_loop3A_851] {strides = array<i32>} : memref<3072xf32, #tpu.memory_space<vmem>>, vector<16xf32>,
      %parallel_loop3A_853 = arith.constant 480 : i32
      %parallel_loop3A_854 = arith.addi %parallel_loop3A_732, %parallel_loop3A_853 : i32
      %parallel_loop3A_855 = arith.index_cast %parallel_loop3A_854 : i32 to index
      %parallel_loop3A_856 = tpu.vector_load %arg8[%parallel_loop3A_855] {strides = array<i32>} : memref<3072xf32, #tpu.memory_space<vmem>>, vector<16xf32>,
      %parallel_loop3A_857 = arith.constant 496 : i32
      %parallel_loop3A_858 = arith.addi %parallel_loop3A_732, %parallel_loop3A_857 : i32
      %parallel_loop3A_859 = arith.index_cast %parallel_loop3A_858 : i32 to index
      %parallel_loop3A_860 = tpu.vector_load %arg8[%parallel_loop3A_859] {strides = array<i32>} : memref<3072xf32, #tpu.memory_space<vmem>>, vector<16xf32>,
      %parallel_loop3A_861 = arith.constant 1 : i32
      %parallel_loop3A_862 = arith.index_cast %parallel_loop3A_861 : i32 to index
      %parallel_loop3A_863 = arith.index_cast %parallel_loop3A_724 : i32 to index
      %parallel_loop3A_864 = arith.constant 0 : index
      %parallel_loop3A_865 = tpu.vector_load %arg10[%parallel_loop3A_862, %parallel_loop3A_863, %parallel_loop3A_864] {strides = array<i32>} : memref<2x64x512xf32, #tpu.memory_space<vmem>>, vector<16xf32>,
      tpu.vector_store %arg10[%parallel_loop3A_862, %parallel_loop3A_863, %parallel_loop3A_864], %parallel_loop3A_736 {add = true, strides = array<i32>} : memref<2x64x512xf32, #tpu.memory_space<vmem>>, vector<16xf32>,
      %parallel_loop3A_866 = arith.constant 1 : i32
      %parallel_loop3A_867 = arith.index_cast %parallel_loop3A_866 : i32 to index
      %parallel_loop3A_868 = arith.index_cast %parallel_loop3A_724 : i32 to index
      %parallel_loop3A_869 = arith.constant 16 : index
      %parallel_loop3A_870 = tpu.vector_load %arg10[%parallel_loop3A_867, %parallel_loop3A_868, %parallel_loop3A_869] {strides = array<i32>} : memref<2x64x512xf32, #tpu.memory_space<vmem>>, vector<16xf32>,
      tpu.vector_store %arg10[%parallel_loop3A_867, %parallel_loop3A_868, %parallel_loop3A_869], %parallel_loop3A_740 {add = true, strides = array<i32>} : memref<2x64x512xf32, #tpu.memory_space<vmem>>, vector<16xf32>,
      %parallel_loop3A_871 = arith.constant 1 : i32
      %parallel_loop3A_872 = arith.index_cast %parallel_loop3A_871 : i32 to index
      %parallel_loop3A_873 = arith.index_cast %parallel_loop3A_724 : i32 to index
      %parallel_loop3A_874 = arith.constant 32 : index
      %parallel_loop3A_875 = tpu.vector_load %arg10[%parallel_loop3A_872, %parallel_loop3A_873, %parallel_loop3A_874] {strides = array<i32>} : memref<2x64x512xf32, #tpu.memory_space<vmem>>, vector<16xf32>,
      tpu.vector_store %arg10[%parallel_loop3A_872, %parallel_loop3A_873, %parallel_loop3A_874], %parallel_loop3A_744 {add = true, strides = array<i32>} : memref<2x64x512xf32, #tpu.memory_space<vmem>>, vector<16xf32>,
      %parallel_loop3A_876 = arith.constant 1 : i32
      %parallel_loop3A_877 = arith.index_cast %parallel_loop3A_876 : i32 to index
      %parallel_loop3A_878 = arith.index_cast %parallel_loop3A_724 : i32 to index
      %parallel_loop3A_879 = arith.constant 48 : index
      %parallel_loop3A_880 = tpu.vector_load %arg10[%parallel_loop3A_877, %parallel_loop3A_878, %parallel_loop3A_879] {strides = array<i32>} : memref<2x64x512xf32, #tpu.memory_space<vmem>>, vector<16xf32>,
      tpu.vector_store %arg10[%parallel_loop3A_877, %parallel_loop3A_878, %parallel_loop3A_879], %parallel_loop3A_748 {add = true, strides = array<i32>} : memref<2x64x512xf32, #tpu.memory_space<vmem>>, vector<16xf32>,
      %parallel_loop3A_881 = arith.constant 1 : i32
      %parallel_loop3A_882 = arith.index_cast %parallel_loop3A_881 : i32 to index
      %parallel_loop3A_883 = arith.index_cast %parallel_loop3A_724 : i32 to index
      %parallel_loop3A_884 = arith.constant 64 : index
      %parallel_loop3A_885 = tpu.vector_load %arg10[%parallel_loop3A_882, %parallel_loop3A_883, %parallel_loop3A_884] {strides = array<i32>} : memref<2x64x512xf32, #tpu.memory_space<vmem>>, vector<16xf32>,
      tpu.vector_store %arg10[%parallel_loop3A_882, %parallel_loop3A_883, %parallel_loop3A_884], %parallel_loop3A_752 {add = true, strides = array<i32>} : memref<2x64x512xf32, #tpu.memory_space<vmem>>, vector<16xf32>,
      %parallel_loop3A_886 = arith.constant 1 : i32
      %parallel_loop3A_887 = arith.index_cast %parallel_loop3A_886 : i32 to index
      %parallel_loop3A_888 = arith.index_cast %parallel_loop3A_724 : i32 to index
      %parallel_loop3A_889 = arith.constant 80 : index
      %parallel_loop3A_890 = tpu.vector_load %arg10[%parallel_loop3A_887, %parallel_loop3A_888, %parallel_loop3A_889] {strides = array<i32>} : memref<2x64x512xf32, #tpu.memory_space<vmem>>, vector<16xf32>,
      tpu.vector_store %arg10[%parallel_loop3A_887, %parallel_loop3A_888, %parallel_loop3A_889], %parallel_loop3A_756 {add = true, strides = array<i32>} : memref<2x64x512xf32, #tpu.memory_space<vmem>>, vector<16xf32>,
      %parallel_loop3A_891 = arith.constant 1 : i32
      %parallel_loop3A_892 = arith.index_cast %parallel_loop3A_891 : i32 to index
      %parallel_loop3A_893 = arith.index_cast %parallel_loop3A_724 : i32 to index
      %parallel_loop3A_894 = arith.constant 96 : index
      %parallel_loop3A_895 = tpu.vector_load %arg10[%parallel_loop3A_892, %parallel_loop3A_893, %parallel_loop3A_894] {strides = array<i32>} : memref<2x64x512xf32, #tpu.memory_space<vmem>>, vector<16xf32>,
      tpu.vector_store %arg10[%parallel_loop3A_892, %parallel_loop3A_893, %parallel_loop3A_894], %parallel_loop3A_760 {add = true, strides = array<i32>} : memref<2x64x512xf32, #tpu.memory_space<vmem>>, vector<16xf32>,
      %parallel_loop3A_896 = arith.constant 1 : i32
      %parallel_loop3A_897 = arith.index_cast %parallel_loop3A_896 : i32 to index
      %parallel_loop3A_898 = arith.index_cast %parallel_loop3A_724 : i32 to index
      %parallel_loop3A_899 = arith.constant 112 : index
      %parallel_loop3A_900 = tpu.vector_load %arg10[%parallel_loop3A_897, %parallel_loop3A_898, %parallel_loop3A_899] {strides = array<i32>} : memref<2x64x512xf32, #tpu.memory_space<vmem>>, vector<16xf32>,
      tpu.vector_store %arg10[%parallel_loop3A_897, %parallel_loop3A_898, %parallel_loop3A_899], %parallel_loop3A_764 {add = true, strides = array<i32>} : memref<2x64x512xf32, #tpu.memory_space<vmem>>, vector<16xf32>,
      %parallel_loop3A_901 = arith.constant 1 : i32
      %parallel_loop3A_902 = arith.index_cast %parallel_loop3A_901 : i32 to index
      %parallel_loop3A_903 = arith.index_cast %parallel_loop3A_724 : i32 to index
      %parallel_loop3A_904 = arith.constant 128 : index
      %parallel_loop3A_905 = tpu.vector_load %arg10[%parallel_loop3A_902, %parallel_loop3A_903, %parallel_loop3A_904] {strides = array<i32>} : memref<2x64x512xf32, #tpu.memory_space<vmem>>, vector<16xf32>,
      tpu.vector_store %arg10[%parallel_loop3A_902, %parallel_loop3A_903, %parallel_loop3A_904], %parallel_loop3A_768 {add = true, strides = array<i32>} : memref<2x64x512xf32, #tpu.memory_space<vmem>>, vector<16xf32>,
      %parallel_loop3A_906 = arith.constant 1 : i32
      %parallel_loop3A_907 = arith.index_cast %parallel_loop3A_906 : i32 to index
      %parallel_loop3A_908 = arith.index_cast %parallel_loop3A_724 : i32 to index
      %parallel_loop3A_909 = arith.constant 144 : index
      %parallel_loop3A_910 = tpu.vector_load %arg10[%parallel_loop3A_907, %parallel_loop3A_908, %parallel_loop3A_909] {strides = array<i32>} : memref<2x64x512xf32, #tpu.memory_space<vmem>>, vector<16xf32>,
      tpu.vector_store %arg10[%parallel_loop3A_907, %parallel_loop3A_908, %parallel_loop3A_909], %parallel_loop3A_772 {add = true, strides = array<i32>} : memref<2x64x512xf32, #tpu.memory_space<vmem>>, vector<16xf32>,
      %parallel_loop3A_911 = arith.constant 1 : i32
      %parallel_loop3A_912 = arith.index_cast %parallel_loop3A_911 : i32 to index
      %parallel_loop3A_913 = arith.index_cast %parallel_loop3A_724 : i32 to index
      %parallel_loop3A_914 = arith.constant 160 : index
      %parallel_loop3A_915 = tpu.vector_load %arg10[%parallel_loop3A_912, %parallel_loop3A_913, %parallel_loop3A_914] {strides = array<i32>} : memref<2x64x512xf32, #tpu.memory_space<vmem>>, vector<16xf32>,
      tpu.vector_store %arg10[%parallel_loop3A_912, %parallel_loop3A_913, %parallel_loop3A_914], %parallel_loop3A_776 {add = true, strides = array<i32>} : memref<2x64x512xf32, #tpu.memory_space<vmem>>, vector<16xf32>,
      %parallel_loop3A_916 = arith.constant 1 : i32
      %parallel_loop3A_917 = arith.index_cast %parallel_loop3A_916 : i32 to index
      %parallel_loop3A_918 = arith.index_cast %parallel_loop3A_724 : i32 to index
      %parallel_loop3A_919 = arith.constant 176 : index
      %parallel_loop3A_920 = tpu.vector_load %arg10[%parallel_loop3A_917, %parallel_loop3A_918, %parallel_loop3A_919] {strides = array<i32>} : memref<2x64x512xf32, #tpu.memory_space<vmem>>, vector<16xf32>,
      tpu.vector_store %arg10[%parallel_loop3A_917, %parallel_loop3A_918, %parallel_loop3A_919], %parallel_loop3A_780 {add = true, strides = array<i32>} : memref<2x64x512xf32, #tpu.memory_space<vmem>>, vector<16xf32>,
      %parallel_loop3A_921 = arith.constant 1 : i32
      %parallel_loop3A_922 = arith.index_cast %parallel_loop3A_921 : i32 to index
      %parallel_loop3A_923 = arith.index_cast %parallel_loop3A_724 : i32 to index
      %parallel_loop3A_924 = arith.constant 192 : index
      %parallel_loop3A_925 = tpu.vector_load %arg10[%parallel_loop3A_922, %parallel_loop3A_923, %parallel_loop3A_924] {strides = array<i32>} : memref<2x64x512xf32, #tpu.memory_space<vmem>>, vector<16xf32>,
      tpu.vector_store %arg10[%parallel_loop3A_922, %parallel_loop3A_923, %parallel_loop3A_924], %parallel_loop3A_784 {add = true, strides = array<i32>} : memref<2x64x512xf32, #tpu.memory_space<vmem>>, vector<16xf32>,
      %parallel_loop3A_926 = arith.constant 1 : i32
      %parallel_loop3A_927 = arith.index_cast %parallel_loop3A_926 : i32 to index
      %parallel_loop3A_928 = arith.index_cast %parallel_loop3A_724 : i32 to index
      %parallel_loop3A_929 = arith.constant 208 : index
      %parallel_loop3A_930 = tpu.vector_load %arg10[%parallel_loop3A_927, %parallel_loop3A_928, %parallel_loop3A_929] {strides = array<i32>} : memref<2x64x512xf32, #tpu.memory_space<vmem>>, vector<16xf32>,
      tpu.vector_store %arg10[%parallel_loop3A_927, %parallel_loop3A_928, %parallel_loop3A_929], %parallel_loop3A_788 {add = true, strides = array<i32>} : memref<2x64x512xf32, #tpu.memory_space<vmem>>, vector<16xf32>,
      %parallel_loop3A_931 = arith.constant 1 : i32
      %parallel_loop3A_932 = arith.index_cast %parallel_loop3A_931 : i32 to index
      %parallel_loop3A_933 = arith.index_cast %parallel_loop3A_724 : i32 to index
      %parallel_loop3A_934 = arith.constant 224 : index
      %parallel_loop3A_935 = tpu.vector_load %arg10[%parallel_loop3A_932, %parallel_loop3A_933, %parallel_loop3A_934] {strides = array<i32>} : memref<2x64x512xf32, #tpu.memory_space<vmem>>, vector<16xf32>,
      tpu.vector_store %arg10[%parallel_loop3A_932, %parallel_loop3A_933, %parallel_loop3A_934], %parallel_loop3A_792 {add = true, strides = array<i32>} : memref<2x64x512xf32, #tpu.memory_space<vmem>>, vector<16xf32>,
      %parallel_loop3A_936 = arith.constant 1 : i32
      %parallel_loop3A_937 = arith.index_cast %parallel_loop3A_936 : i32 to index
      %parallel_loop3A_938 = arith.index_cast %parallel_loop3A_724 : i32 to index
      %parallel_loop3A_939 = arith.constant 240 : index
      %parallel_loop3A_940 = tpu.vector_load %arg10[%parallel_loop3A_937, %parallel_loop3A_938, %parallel_loop3A_939] {strides = array<i32>} : memref<2x64x512xf32, #tpu.memory_space<vmem>>, vector<16xf32>,
      tpu.vector_store %arg10[%parallel_loop3A_937, %parallel_loop3A_938, %parallel_loop3A_939], %parallel_loop3A_796 {add = true, strides = array<i32>} : memref<2x64x512xf32, #tpu.memory_space<vmem>>, vector<16xf32>,
      %parallel_loop3A_941 = arith.constant 1 : i32
      %parallel_loop3A_942 = arith.index_cast %parallel_loop3A_941 : i32 to index
      %parallel_loop3A_943 = arith.index_cast %parallel_loop3A_724 : i32 to index
      %parallel_loop3A_944 = arith.constant 256 : index
      %parallel_loop3A_945 = tpu.vector_load %arg10[%parallel_loop3A_942, %parallel_loop3A_943, %parallel_loop3A_944] {strides = array<i32>} : memref<2x64x512xf32, #tpu.memory_space<vmem>>, vector<16xf32>,
      tpu.vector_store %arg10[%parallel_loop3A_942, %parallel_loop3A_943, %parallel_loop3A_944], %parallel_loop3A_800 {add = true, strides = array<i32>} : memref<2x64x512xf32, #tpu.memory_space<vmem>>, vector<16xf32>,
      %parallel_loop3A_946 = arith.constant 1 : i32
      %parallel_loop3A_947 = arith.index_cast %parallel_loop3A_946 : i32 to index
      %parallel_loop3A_948 = arith.index_cast %parallel_loop3A_724 : i32 to index
      %parallel_loop3A_949 = arith.constant 272 : index
      %parallel_loop3A_950 = tpu.vector_load %arg10[%parallel_loop3A_947, %parallel_loop3A_948, %parallel_loop3A_949] {strides = array<i32>} : memref<2x64x512xf32, #tpu.memory_space<vmem>>, vector<16xf32>,
      tpu.vector_store %arg10[%parallel_loop3A_947, %parallel_loop3A_948, %parallel_loop3A_949], %parallel_loop3A_804 {add = true, strides = array<i32>} : memref<2x64x512xf32, #tpu.memory_space<vmem>>, vector<16xf32>,
      %parallel_loop3A_951 = arith.constant 1 : i32
      %parallel_loop3A_952 = arith.index_cast %parallel_loop3A_951 : i32 to index
      %parallel_loop3A_953 = arith.index_cast %parallel_loop3A_724 : i32 to index
      %parallel_loop3A_954 = arith.constant 288 : index
      %parallel_loop3A_955 = tpu.vector_load %arg10[%parallel_loop3A_952, %parallel_loop3A_953, %parallel_loop3A_954] {strides = array<i32>} : memref<2x64x512xf32, #tpu.memory_space<vmem>>, vector<16xf32>,
      tpu.vector_store %arg10[%parallel_loop3A_952, %parallel_loop3A_953, %parallel_loop3A_954], %parallel_loop3A_808 {add = true, strides = array<i32>} : memref<2x64x512xf32, #tpu.memory_space<vmem>>, vector<16xf32>,
      %parallel_loop3A_956 = arith.constant 1 : i32
      %parallel_loop3A_957 = arith.index_cast %parallel_loop3A_956 : i32 to index
      %parallel_loop3A_958 = arith.index_cast %parallel_loop3A_724 : i32 to index
      %parallel_loop3A_959 = arith.constant 304 : index
      %parallel_loop3A_960 = tpu.vector_load %arg10[%parallel_loop3A_957, %parallel_loop3A_958, %parallel_loop3A_959] {strides = array<i32>} : memref<2x64x512xf32, #tpu.memory_space<vmem>>, vector<16xf32>,
      tpu.vector_store %arg10[%parallel_loop3A_957, %parallel_loop3A_958, %parallel_loop3A_959], %parallel_loop3A_812 {add = true, strides = array<i32>} : memref<2x64x512xf32, #tpu.memory_space<vmem>>, vector<16xf32>,
      %parallel_loop3A_961 = arith.constant 1 : i32
      %parallel_loop3A_962 = arith.index_cast %parallel_loop3A_961 : i32 to index
      %parallel_loop3A_963 = arith.index_cast %parallel_loop3A_724 : i32 to index
      %parallel_loop3A_964 = arith.constant 320 : index
      %parallel_loop3A_965 = tpu.vector_load %arg10[%parallel_loop3A_962, %parallel_loop3A_963, %parallel_loop3A_964] {strides = array<i32>} : memref<2x64x512xf32, #tpu.memory_space<vmem>>, vector<16xf32>,
      tpu.vector_store %arg10[%parallel_loop3A_962, %parallel_loop3A_963, %parallel_loop3A_964], %parallel_loop3A_816 {add = true, strides = array<i32>} : memref<2x64x512xf32, #tpu.memory_space<vmem>>, vector<16xf32>,
      %parallel_loop3A_966 = arith.constant 1 : i32
      %parallel_loop3A_967 = arith.index_cast %parallel_loop3A_966 : i32 to index
      %parallel_loop3A_968 = arith.index_cast %parallel_loop3A_724 : i32 to index
      %parallel_loop3A_969 = arith.constant 336 : index
      %parallel_loop3A_970 = tpu.vector_load %arg10[%parallel_loop3A_967, %parallel_loop3A_968, %parallel_loop3A_969] {strides = array<i32>} : memref<2x64x512xf32, #tpu.memory_space<vmem>>, vector<16xf32>,
      tpu.vector_store %arg10[%parallel_loop3A_967, %parallel_loop3A_968, %parallel_loop3A_969], %parallel_loop3A_820 {add = true, strides = array<i32>} : memref<2x64x512xf32, #tpu.memory_space<vmem>>, vector<16xf32>,
      %parallel_loop3A_971 = arith.constant 1 : i32
      %parallel_loop3A_972 = arith.index_cast %parallel_loop3A_971 : i32 to index
      %parallel_loop3A_973 = arith.index_cast %parallel_loop3A_724 : i32 to index
      %parallel_loop3A_974 = arith.constant 352 : index
      %parallel_loop3A_975 = tpu.vector_load %arg10[%parallel_loop3A_972, %parallel_loop3A_973, %parallel_loop3A_974] {strides = array<i32>} : memref<2x64x512xf32, #tpu.memory_space<vmem>>, vector<16xf32>,
      tpu.vector_store %arg10[%parallel_loop3A_972, %parallel_loop3A_973, %parallel_loop3A_974], %parallel_loop3A_824 {add = true, strides = array<i32>} : memref<2x64x512xf32, #tpu.memory_space<vmem>>, vector<16xf32>,
      %parallel_loop3A_976 = arith.constant 1 : i32
      %parallel_loop3A_977 = arith.index_cast %parallel_loop3A_976 : i32 to index
      %parallel_loop3A_978 = arith.index_cast %parallel_loop3A_724 : i32 to index
      %parallel_loop3A_979 = arith.constant 368 : index
      %parallel_loop3A_980 = tpu.vector_load %arg10[%parallel_loop3A_977, %parallel_loop3A_978, %parallel_loop3A_979] {strides = array<i32>} : memref<2x64x512xf32, #tpu.memory_space<vmem>>, vector<16xf32>,
      tpu.vector_store %arg10[%parallel_loop3A_977, %parallel_loop3A_978, %parallel_loop3A_979], %parallel_loop3A_828 {add = true, strides = array<i32>} : memref<2x64x512xf32, #tpu.memory_space<vmem>>, vector<16xf32>,
      %parallel_loop3A_981 = arith.constant 1 : i32
      %parallel_loop3A_982 = arith.index_cast %parallel_loop3A_981 : i32 to index
      %parallel_loop3A_983 = arith.index_cast %parallel_loop3A_724 : i32 to index
      %parallel_loop3A_984 = arith.constant 384 : index
      %parallel_loop3A_985 = tpu.vector_load %arg10[%parallel_loop3A_982, %parallel_loop3A_983, %parallel_loop3A_984] {strides = array<i32>} : memref<2x64x512xf32, #tpu.memory_space<vmem>>, vector<16xf32>,
      tpu.vector_store %arg10[%parallel_loop3A_982, %parallel_loop3A_983, %parallel_loop3A_984], %parallel_loop3A_832 {add = true, strides = array<i32>} : memref<2x64x512xf32, #tpu.memory_space<vmem>>, vector<16xf32>,
      %parallel_loop3A_986 = arith.constant 1 : i32
      %parallel_loop3A_987 = arith.index_cast %parallel_loop3A_986 : i32 to index
      %parallel_loop3A_988 = arith.index_cast %parallel_loop3A_724 : i32 to index
      %parallel_loop3A_989 = arith.constant 400 : index
      %parallel_loop3A_990 = tpu.vector_load %arg10[%parallel_loop3A_987, %parallel_loop3A_988, %parallel_loop3A_989] {strides = array<i32>} : memref<2x64x512xf32, #tpu.memory_space<vmem>>, vector<16xf32>,
      tpu.vector_store %arg10[%parallel_loop3A_987, %parallel_loop3A_988, %parallel_loop3A_989], %parallel_loop3A_836 {add = true, strides = array<i32>} : memref<2x64x512xf32, #tpu.memory_space<vmem>>, vector<16xf32>,
      %parallel_loop3A_991 = arith.constant 1 : i32
      %parallel_loop3A_992 = arith.index_cast %parallel_loop3A_991 : i32 to index
      %parallel_loop3A_993 = arith.index_cast %parallel_loop3A_724 : i32 to index
      %parallel_loop3A_994 = arith.constant 416 : index
      %parallel_loop3A_995 = tpu.vector_load %arg10[%parallel_loop3A_992, %parallel_loop3A_993, %parallel_loop3A_994] {strides = array<i32>} : memref<2x64x512xf32, #tpu.memory_space<vmem>>, vector<16xf32>,
      tpu.vector_store %arg10[%parallel_loop3A_992, %parallel_loop3A_993, %parallel_loop3A_994], %parallel_loop3A_840 {add = true, strides = array<i32>} : memref<2x64x512xf32, #tpu.memory_space<vmem>>, vector<16xf32>,
      %parallel_loop3A_996 = arith.constant 1 : i32
      %parallel_loop3A_997 = arith.index_cast %parallel_loop3A_996 : i32 to index
      %parallel_loop3A_998 = arith.index_cast %parallel_loop3A_724 : i32 to index
      %parallel_loop3A_999 = arith.constant 432 : index
      %parallel_loop3A_1000 = tpu.vector_load %arg10[%parallel_loop3A_997, %parallel_loop3A_998, %parallel_loop3A_999] {strides = array<i32>} : memref<2x64x512xf32, #tpu.memory_space<vmem>>, vector<16xf32>,
      tpu.vector_store %arg10[%parallel_loop3A_997, %parallel_loop3A_998, %parallel_loop3A_999], %parallel_loop3A_844 {add = true, strides = array<i32>} : memref<2x64x512xf32, #tpu.memory_space<vmem>>, vector<16xf32>,
      %parallel_loop3A_1001 = arith.constant 1 : i32
      %parallel_loop3A_1002 = arith.index_cast %parallel_loop3A_1001 : i32 to index
      %parallel_loop3A_1003 = arith.index_cast %parallel_loop3A_724 : i32 to index
      %parallel_loop3A_1004 = arith.constant 448 : index
      %parallel_loop3A_1005 = tpu.vector_load %arg10[%parallel_loop3A_1002, %parallel_loop3A_1003, %parallel_loop3A_1004] {strides = array<i32>} : memref<2x64x512xf32, #tpu.memory_space<vmem>>, vector<16xf32>,
      tpu.vector_store %arg10[%parallel_loop3A_1002, %parallel_loop3A_1003, %parallel_loop3A_1004], %parallel_loop3A_848 {add = true, strides = array<i32>} : memref<2x64x512xf32, #tpu.memory_space<vmem>>, vector<16xf32>,
      %parallel_loop3A_1006 = arith.constant 1 : i32
      %parallel_loop3A_1007 = arith.index_cast %parallel_loop3A_1006 : i32 to index
      %parallel_loop3A_1008 = arith.index_cast %parallel_loop3A_724 : i32 to index
      %parallel_loop3A_1009 = arith.constant 464 : index
      %parallel_loop3A_1010 = tpu.vector_load %arg10[%parallel_loop3A_1007, %parallel_loop3A_1008, %parallel_loop3A_1009] {strides = array<i32>} : memref<2x64x512xf32, #tpu.memory_space<vmem>>, vector<16xf32>,
      tpu.vector_store %arg10[%parallel_loop3A_1007, %parallel_loop3A_1008, %parallel_loop3A_1009], %parallel_loop3A_852 {add = true, strides = array<i32>} : memref<2x64x512xf32, #tpu.memory_space<vmem>>, vector<16xf32>,
      %parallel_loop3A_1011 = arith.constant 1 : i32
      %parallel_loop3A_1012 = arith.index_cast %parallel_loop3A_1011 : i32 to index
      %parallel_loop3A_1013 = arith.index_cast %parallel_loop3A_724 : i32 to index
      %parallel_loop3A_1014 = arith.constant 480 : index
      %parallel_loop3A_1015 = tpu.vector_load %arg10[%parallel_loop3A_1012, %parallel_loop3A_1013, %parallel_loop3A_1014] {strides = array<i32>} : memref<2x64x512xf32, #tpu.memory_space<vmem>>, vector<16xf32>,
      tpu.vector_store %arg10[%parallel_loop3A_1012, %parallel_loop3A_1013, %parallel_loop3A_1014], %parallel_loop3A_856 {add = true, strides = array<i32>} : memref<2x64x512xf32, #tpu.memory_space<vmem>>, vector<16xf32>,
      %parallel_loop3A_1016 = arith.constant 1 : i32
      %parallel_loop3A_1017 = arith.index_cast %parallel_loop3A_1016 : i32 to index
      %parallel_loop3A_1018 = arith.index_cast %parallel_loop3A_724 : i32 to index
      %parallel_loop3A_1019 = arith.constant 496 : index
      %parallel_loop3A_1020 = tpu.vector_load %arg10[%parallel_loop3A_1017, %parallel_loop3A_1018, %parallel_loop3A_1019] {strides = array<i32>} : memref<2x64x512xf32, #tpu.memory_space<vmem>>, vector<16xf32>,
      tpu.vector_store %arg10[%parallel_loop3A_1017, %parallel_loop3A_1018, %parallel_loop3A_1019], %parallel_loop3A_860 {add = true, strides = array<i32>} : memref<2x64x512xf32, #tpu.memory_space<vmem>>, vector<16xf32>,
    } {sc.loop_unroll_factor = 1 : i64, sc.parallel_access}
    %add3A_674 = arith.constant 64 : i32
    %add3A_675 = arith.addi %mul3A_2, %add3A_674 : i32
    %dma_start3A_676 = arith.constant 1 : i32
    %dma_start3A_677 = arith.constant 0 : i32
    %dma_start3A_678 = arith.constant 0 : i32
    %dma_start3A_679 = arith.constant 0 : i32
    %dma_start3A_680 = tpu.memref_slice %arg10[%dma_start3A_676, %dma_start3A_678, %dma_start3A_679] : memref<2x64x512xf32, #tpu.memory_space<vmem>> -> memref<1x64x512xf32, #tpu.memory_space<vmem>>
    %dma_start3A_681 = tpu.memref_squeeze %dma_start3A_680 : memref<1x64x512xf32, #tpu.memory_space<vmem>> -> memref<64x512xf32, #tpu.memory_space<vmem>>
    %dma_start3A_682 = arith.constant 0 : i32
    %dma_start3A_683 = tpu.memref_slice %arg5[%add3A_675, %dma_start3A_677, %dma_start3A_682] : memref<4096x1x512xf32, #tpu.memory_space<hbm>> -> memref<64x1x512xf32, #tpu.memory_space<hbm>>
    %dma_start3A_684 = tpu.memref_squeeze %dma_start3A_683 : memref<64x1x512xf32, #tpu.memory_space<hbm>> -> memref<64x512xf32, #tpu.memory_space<hbm>>
    %dma_start3A_685 = arith.constant 0 : i32
    %dma_start3A_686 = tpu.memref_slice %arg5[%add3A_675, %dma_start3A_677, %dma_start3A_685] : memref<4096x1x512xf32, #tpu.memory_space<hbm>> -> memref<64x1x512xf32, #tpu.memory_space<hbm>>
    %dma_start3A_687 = tpu.memref_squeeze %dma_start3A_686 : memref<64x1x512xf32, #tpu.memory_space<hbm>> -> memref<64x512xf32, #tpu.memory_space<hbm>>
    %dma_start3A_688 = arith.constant 0 : i32
    %dma_start3A_689 = arith.constant 0 : i32
    %dma_start3A_690 = tpu.memref_slice %arg10[%dma_start3A_676, %dma_start3A_688, %dma_start3A_689] : memref<2x64x512xf32, #tpu.memory_space<vmem>> -> memref<1x64x512xf32, #tpu.memory_space<vmem>>
    %dma_start3A_691 = tpu.memref_squeeze %dma_start3A_690 : memref<1x64x512xf32, #tpu.memory_space<vmem>> -> memref<64x512xf32, #tpu.memory_space<vmem>>
    tpu.enqueue_dma source(%dma_start3A_691 : memref<64x512xf32, #tpu.memory_space<vmem>>) target(%dma_start3A_687 : memref<64x512xf32, #tpu.memory_space<hbm>>) target_semaphore(%arg16 : memref<!tpu.dma_semaphore, #tpu.memory_space<semaphore_mem>>)
    %dma_wait3A_692 = arith.constant 0 : i32
    %dma_wait3A_693 = arith.constant 0 : i32
    %dma_wait3A_694 = arith.constant 0 : i32
    %dma_wait3A_695 = arith.constant 0 : i32
    %dma_wait3A_696 = tpu.memref_slice %arg10[%dma_wait3A_692, %dma_wait3A_694, %dma_wait3A_695] : memref<2x64x512xf32, #tpu.memory_space<vmem>> -> memref<1x64x512xf32, #tpu.memory_space<vmem>>
    %dma_wait3A_697 = tpu.memref_squeeze %dma_wait3A_696 : memref<1x64x512xf32, #tpu.memory_space<vmem>> -> memref<64x512xf32, #tpu.memory_space<vmem>>
    %dma_wait3A_698 = arith.constant 0 : i32
    %dma_wait3A_699 = tpu.memref_slice %arg5[%add3A_638, %dma_wait3A_693, %dma_wait3A_698] : memref<4096x1x512xf32, #tpu.memory_space<hbm>> -> memref<64x1x512xf32, #tpu.memory_space<hbm>>
    %dma_wait3A_700 = tpu.memref_squeeze %dma_wait3A_699 : memref<64x1x512xf32, #tpu.memory_space<hbm>> -> memref<64x512xf32, #tpu.memory_space<hbm>>
    %dma_wait3A_701 = arith.constant 0 : i32
    %dma_wait3A_702 = tpu.memref_slice %arg5[%add3A_638, %dma_wait3A_693, %dma_wait3A_701] : memref<4096x1x512xf32, #tpu.memory_space<hbm>> -> memref<64x1x512xf32, #tpu.memory_space<hbm>>
    %dma_wait3A_703 = tpu.memref_squeeze %dma_wait3A_702 : memref<64x1x512xf32, #tpu.memory_space<hbm>> -> memref<64x512xf32, #tpu.memory_space<hbm>>
    %dma_wait3A_704 = arith.constant 0 : i32
    %dma_wait3A_705 = arith.constant 0 : i32
    %dma_wait3A_706 = tpu.memref_slice %arg10[%dma_wait3A_692, %dma_wait3A_704, %dma_wait3A_705] : memref<2x64x512xf32, #tpu.memory_space<vmem>> -> memref<1x64x512xf32, #tpu.memory_space<vmem>>
    %dma_wait3A_707 = tpu.memref_squeeze %dma_wait3A_706 : memref<1x64x512xf32, #tpu.memory_space<vmem>> -> memref<64x512xf32, #tpu.memory_space<vmem>>
    tpu.wait_dma2 semaphore(%arg15 : memref<!tpu.dma_semaphore, #tpu.memory_space<semaphore_mem>>) src(%dma_wait3A_707 : memref<64x512xf32, #tpu.memory_space<vmem>>) dst(%dma_wait3A_703 : memref<64x512xf32, #tpu.memory_space<hbm>>)
    %dma_wait3A_708 = arith.constant 1 : i32
    %dma_wait3A_709 = arith.constant 0 : i32
    %dma_wait3A_710 = arith.constant 0 : i32
    %dma_wait3A_711 = arith.constant 0 : i32
    %dma_wait3A_712 = tpu.memref_slice %arg10[%dma_wait3A_708, %dma_wait3A_710, %dma_wait3A_711] : memref<2x64x512xf32, #tpu.memory_space<vmem>> -> memref<1x64x512xf32, #tpu.memory_space<vmem>>
    %dma_wait3A_713 = tpu.memref_squeeze %dma_wait3A_712 : memref<1x64x512xf32, #tpu.memory_space<vmem>> -> memref<64x512xf32, #tpu.memory_space<vmem>>
    %dma_wait3A_714 = arith.constant 0 : i32
    %dma_wait3A_715 = tpu.memref_slice %arg5[%add3A_675, %dma_wait3A_709, %dma_wait3A_714] : memref<4096x1x512xf32, #tpu.memory_space<hbm>> -> memref<64x1x512xf32, #tpu.memory_space<hbm>>
    %dma_wait3A_716 = tpu.memref_squeeze %dma_wait3A_715 : memref<64x1x512xf32, #tpu.memory_space<hbm>> -> memref<64x512xf32, #tpu.memory_space<hbm>>
    %dma_wait3A_717 = arith.constant 0 : i32
    %dma_wait3A_718 = tpu.memref_slice %arg5[%add3A_675, %dma_wait3A_709, %dma_wait3A_717] : memref<4096x1x512xf32, #tpu.memory_space<hbm>> -> memref<64x1x512xf32, #tpu.memory_space<hbm>>
    %dma_wait3A_719 = tpu.memref_squeeze %dma_wait3A_718 : memref<64x1x512xf32, #tpu.memory_space<hbm>> -> memref<64x512xf32, #tpu.memory_space<hbm>>
    %dma_wait3A_720 = arith.constant 0 : i32
    %dma_wait3A_721 = arith.constant 0 : i32
    %dma_wait3A_722 = tpu.memref_slice %arg10[%dma_wait3A_708, %dma_wait3A_720, %dma_wait3A_721] : memref<2x64x512xf32, #tpu.memory_space<vmem>> -> memref<1x64x512xf32, #tpu.memory_space<vmem>>
    %dma_wait3A_723 = tpu.memref_squeeze %dma_wait3A_722 : memref<1x64x512xf32, #tpu.memory_space<vmem>> -> memref<64x512xf32, #tpu.memory_space<vmem>>
    tpu.wait_dma2 semaphore(%arg16 : memref<!tpu.dma_semaphore, #tpu.memory_space<semaphore_mem>>) src(%dma_wait3A_723 : memref<64x512xf32, #tpu.memory_space<vmem>>) dst(%dma_wait3A_719 : memref<64x512xf32, #tpu.memory_space<hbm>>)
    return
  }
}

</mosaic_0001>

<sc_bundles>
// kernel: kernel.3.cloned.1.call-start
scs
__scs_entry_jumppad:
0x0: {  	(pc) =	sbr.rel $0x88, $3  }
0x1: {  	(tag) =	ssettag $0x0;
	lr =	simm.s32 $0x1  }
0x2: {  	[smem:$0x3F9E] =	sst lr;
	_ =	strace $0xD0000000  }
0x3: {  	_ = 	snop  }
0x4: {  	_ = 	snop  }
0x5: {  	_ = 	snop  }
0x6: {  	_ = 	snop  }
0x7: {  	_ = 	snop  }
__scs_overlays_trampoline_lowered:
0x8: {  	[smem:$0x3FAD] =	sst s0  }
0x9: {  	[smem:$0x3FAE] =	sst s1  }
0xa: {  	[smem:$0x3FAF] =	sst s2  }
0xb: {  	[smem:$0x3FB0] =	sst s3  }
0xc: {  	[smem:$0x3FB1] =	sst s4  }
0xd: {  	[smem:$0x3FB2] =	sst s5  }
0xe: {  	[smem:$0x3FB3] =	sst s6  }
0xf: {  	[smem:$0x3FB4] =	sst s7  }
0x10: {  	[smem:$0x3FB5] =	sst s8  }
0x11: {  	[smem:$0x3FB6] =	sst s9;
	s0 =	simm.s32 @!p0 $0x0  }
0x12: {  	s1 =	sld [smem:$0x3F9C];
	s0 =	simm.s32 @p0 $0x1  }
0x13: {  	[smem:$0x3FB7] =	sst s0;
	s0 =	simm.s32 @!p1 $0x0  }
0x14: {  	s2 =	sld [smem:$0x3F9B];
	s0 =	simm.s32 @p1 $0x1  }
0x15: {  	[smem:$0x3FB8] =	sst s0;
	s0 =	simm.s32 @!p2 $0x0  }
0x16: {  	s3 =	sld [smem:$0x3FDB];
	s0 =	simm.s32 @p2 $0x1  }
0x17: {  	s4 =	simm.s32 $0x1BF5;
	[smem:$0x3FBA] =	sst s0  }
0x18: {  	s0 =	sld [smem:$0x3F9D];
	_ =	swait.ge [sflag:s4], $0x0  }
0x19: {  	s7 =	sld [smem:$0x3F9E]  }
0x1a: {  	s8 =	sadd.s32 $0xFFFFE003, lr  }
0x1b: {  	s9 =	sadd.s32 $0xFFFFFEF7, lr;
	s5 =	simm.s32 $0xFFFFFFFF;
	p2 =	slt.u32 s8, $0xFFFFF086  }
0x1c: {  	p1 =	slt.u32 s9, $0xF7A;
	s5 =	simm.s32 @!p2 $0x0  }
0x1d: {  	s5 =	simm.s32 @p1 $0x1;
	p0 =	seq.s32 s7, s2  }
0x1e: {  	s7 =	smul.u32 @!p0 $0xF7A, s2;
	p2 =	seq.s32 @!p0 s5, $0x0  }
0x1f: {  	s9 =	smul.u32 $0xF7A, s1;
	s8 =	simm.s32 @!p0 $0x1BF5;
	p2 =	por !p2, p0  }
0x20: {  	[sflag:s8] =	ssyncset.s32 @!p0 $0xFFFFF086;
	s6 =	sadd.s32 @!p0 s3, s7;
	s7 =	simm.s32 @!p0 $0x108  }
0x21: {  	s3 =	sadd.s32 s3, s9;
	s6 =	sadd.s32 @!p0 $0x88, s6;
	s7 =	simm.s32 @p2 $0x1082  }
0x22: {  	[simem:s7], [sflag:s8] =	dma.local @!p0 [hbm:s6], $0xF7A  }
0x23: {  	s9 =	sor.u32 $0xD0000000, s2;
	s6 =	simm.s32 $0x108;
	_ =	swait.ge @!p0 [sflag:s8], $0x0  }
0x24: {  	s3 =	sadd.s32 $0x88, s3;
	s6 =	simm.s32 @!p1 $0x1082;
	[sflag:s4] =	ssyncset.s32 $0xFFFFF086  }
0x25: {  	[simem:s6], [sflag:s4] =	dma.local [hbm:s3], $0xF7A  }
0x26: {  	[smem:$0x3F9E] =	sst s1;
	(tag) =	ssettag s2;
	_ =	strace s9  }
0x27: {  	s1 =	sld [smem:$0x3FAE]  }
0x28: {  	s2 =	sld [smem:$0x3FAF]  }
0x29: {  	s4 =	sld [smem:$0x3FB1]  }
0x2a: {  	p0 =	seq.s32 s5, $0x0;
	s5 =	sld [smem:$0x3FB2]  }
0x2b: {  	s6 =	sld [smem:$0x3FB3]  }
0x2c: {  	s7 =	sld [smem:$0x3FB4]  }
0x2d: {  	s3 =	simm.s32 $0x108;
	s8 =	sld [smem:$0x3FB5]  }
0x2e: {  	s3 =	simm.s32 @!p0 $0x1082;
	s9 =	sld [smem:$0x3FB6]  }
0x2f: {  	lr =	sadd.s32 s0, s3;
	s0 =	sld [smem:$0x3FAD]  }
0x30: {  	s3 =	sld [smem:$0x3FB0]  }
0x31: {  	[smem:$0x3FB9] =	sst s10  }
0x32: {  	s10 =	sld [smem:$0x3FB7];
	_ =	sdelay $0x3  }
0x33: {  	p0 =	seq.s32 s10, $0x1;
	s10 =	sld [smem:$0x3FB9];
	_ =	sdelay $0x3  }
0x34: {  	[smem:$0x3FB9] =	sst s10  }
0x35: {  	s10 =	sld [smem:$0x3FB8];
	_ =	sdelay $0x3  }
0x36: {  	p1 =	seq.s32 s10, $0x1;
	s10 =	sld [smem:$0x3FB9];
	_ =	sdelay $0x3  }
0x37: {  	[smem:$0x3FB9] =	sst s10  }
0x38: {  	s10 =	sld [smem:$0x3FBA]  }
0x39: {  	_ = 	snop;
	(pc) =	sbr.ind lr, $3  }
0x3a: {  	_ = 	snop  }
0x3b: {  	_ = 	snop  }
0x3c: {  	p2 =	seq.s32 s10, $0x1;
	s10 =	sld [smem:$0x3FB9]  }
0x3d: {  	_ =	shalt  }
0x3e: {  	_ =	shalt  }
0x3f: {  	_ =	shalt  }
0x40: {  	_ =	shalt  }
0x41: {  	_ =	shalt  }
0x42: {  	_ =	shalt  }
0x43: {  	_ =	shalt  }
0x44: {  	_ =	shalt  }
0x45: {  	_ =	shalt  }
0x46: {  	_ =	shalt  }
0x47: {  	_ =	shalt  }
0x48: {  	_ =	shalt  }
0x49: {  	_ =	shalt  }
0x4a: {  	_ =	shalt  }
0x4b: {  	_ =	shalt  }
0x4c: {  	_ =	shalt  }
0x4d: {  	_ =	shalt  }
0x4e: {  	_ =	shalt  }
0x4f: {  	_ =	shalt  }
0x50: {  	_ =	shalt  }
0x51: {  	_ =	shalt  }
0x52: {  	_ =	shalt  }
0x53: {  	_ =	shalt  }
0x54: {  	_ =	shalt  }
0x55: {  	_ =	shalt  }
0x56: {  	_ =	shalt  }
0x57: {  	_ =	shalt  }
0x58: {  	_ =	shalt  }
0x59: {  	_ =	shalt  }
0x5a: {  	_ =	shalt  }
0x5b: {  	_ =	shalt  }
0x5c: {  	_ =	shalt  }
0x5d: {  	_ =	shalt  }
0x5e: {  	_ =	shalt  }
0x5f: {  	_ =	shalt  }
0x60: {  	_ =	shalt  }
0x61: {  	_ =	shalt  }
0x62: {  	_ =	shalt  }
0x63: {  	_ =	shalt  }
0x64: {  	_ =	shalt  }
0x65: {  	_ =	shalt  }
0x66: {  	_ =	shalt  }
0x67: {  	_ =	shalt  }
0x68: {  	_ =	shalt  }
0x69: {  	_ =	shalt  }
0x6a: {  	_ =	shalt  }
0x6b: {  	_ =	shalt  }
0x6c: {  	_ =	shalt  }
0x6d: {  	_ =	shalt  }
0x6e: {  	_ =	shalt  }
0x6f: {  	_ =	shalt  }
0x70: {  	_ =	shalt  }
0x71: {  	_ =	shalt  }
0x72: {  	_ =	shalt  }
0x73: {  	_ =	shalt  }
0x74: {  	_ =	shalt  }
0x75: {  	_ =	shalt  }
0x76: {  	_ =	shalt  }
0x77: {  	_ =	shalt  }
0x78: {  	_ =	shalt  }
0x79: {  	_ =	shalt  }
0x7a: {  	_ =	shalt  }
0x7b: {  	_ =	shalt  }
0x7c: {  	_ =	shalt  }
0x7d: {  	_ =	shalt  }
0x7e: {  	_ =	shalt  }
0x7f: {  	_ =	shalt  }
0x80: {  	_ =	shalt  }
0x81: {  	_ =	shalt  }
0x82: {  	_ =	shalt  }
0x83: {  	_ =	shalt  }
0x84: {  	_ =	shalt  }
0x85: {  	_ =	shalt  }
0x86: {  	_ =	shalt  }
0x87: {  	_ =	shalt  }
.Lfunc_end0:
.L_simem_size_0:
called_computation_lowered:
.L_overlay_start_0:
0x88: {  	s2 =	sld [smem:$0x3FD9]  }
0x89: {  	s3 =	sld [smem:$0x3FFE];
	_ =	sdelay $0x1  }
0x8a: {  	s1 =	srdreg.scid  }
0x8b: {  	s0 =	sand.u32 $0x1, s1  }
0x8c: {  	s17 =	sshll.u32 s0, $0xA;
	s2 =	sadd.s32 s3, s2  }
0x8d: {  	s2 =	sadd.s32 s2, s17  }
0x8e: {  	[smem:$0x3FC5] =	sst s2  }
0x8f: {  	_ = 	snop  }
0x90: {  	s2 =	sld [smem:$0x3FC9]  }
0x91: {  	s18 =	sld [smem:$0x3FC8]  }
0x92: {  	s4 =	sld [smem:$0x3FD0];
	(tm) =	ssettm $0x1  }
0x93: {  	s5 =	sld [smem:$0x3FFB];
	_ =	sdelay $0x3  }
0x94: {  	_ =	strace s5  }
0x95: {  	s5 =	sld [smem:$0x3FFC];
	_ =	sdelay $0x3  }
0x96: {  	_ =	strace s5  }
0x97: {  	s5 =	sld [smem:$0x3FFD];
	_ =	sdelay $0x3  }
0x98: {  	_ =	strace s5  }
0x99: {  	_ =	strace $0x8FFFFFFF  }
0x9a: {  	s19 =	sld [smem:$0x3FDB];
	_ =	sdelay $0x1  }
0x9b: {  	s6 =	simm.s32 $_scs_section_size  }
0x9c: {  	s7 =	simm.s32 $_size__tile_overlayer_lowered;
	s8 =	simm.s32 $_tile_overlayer_lowered  }
0x9d: {  	s22 =	simm.s32 $0x1BFF;
	s21 =	sshll.u32 s8, $0x1;
	s5 =	sadd.s32 s6, s19  }
0x9e: {  	s9 =	simm.s32 $0x0;
	s20 =	sshll.u32 s7, $0x1;
	s7 =	sadd.s32 s21, s5  }
0x9f: {  	[timem:s9], [sflag:s22] =	dma.local [hbm:s7], s20  }
0xa0: {  	_ =	swait.ge [sflag:s22], s20  }
0xa1: {  	s6 =	ssub.s32 $0x0, s20;
	[sflag:s22] =	ssyncset.done $0x0  }
0xa2: {  	[sflag:s22] =	ssyncadd.s32 s6;
	_ =	sdelay $0x1  }
0xa3: {  	s23 =	simm.s32 $0x1B8B  }
0xa4: {  	_ =	swait.ge [sflag:s23], $0x1  }
0xa5: {  	[sflag:s23] =	ssyncset.done $0x0  }
0xa6: {  	s25 =	simm.s32 $0x1B8E;
	s24 =	sld [smem:$0x3FFE];
	[sflag:s23] =	ssyncadd.s32 $0xFFFFFFFF  }
0xa7: {  	s26 =	simm.s32 $execute0_lowered;
	[smem:$0x3FD2] =	sst s25  }
0xa8: {  	s7 =	sshll.u32 s26, $0x1;
	_ =	strace $0x80000046;
	[dreg:$0x1] =	wrdreg $0xFFFFFFFF  }
0xa9: {  	s28 =	simm.s32 $_size_execute0_lowered;
	s5 =	sadd.s32 s5, s7;
	[dreg:$0x0] =	wrdreg $0x0  }
0xaa: {  	s7 =	sshll.u32 s28, $0x1;
	[dreg:$0x2] =	wrdreg s5  }
0xab: {  	[dreg:$0x3] =	wrdreg s7  }
0xac: {  	[dreg:$0x4] =	wrdreg $0xC0  }
0xad: {  	_ =	task [dreg:s9], $0x5FFFF  }
0xae: {  	[dreg:$0x1] =	wrdreg $0xFFFFFFFF  }
0xaf: {  	[dreg:$0x0] =	wrdreg $0x60  }
0xb0: {  	[dreg:$0x2] =	wrdreg s2  }
0xb1: {  	[dreg:$0x3] =	wrdreg s18  }
0xb2: {  	[dreg:$0x4] =	wrdreg s24  }
0xb3: {  	[dreg:$0x5] =	wrdreg s4  }
0xb4: {  	[dreg:$0x6] =	wrdreg $0x13000  }
0xb5: {  	[dreg:$0x7] =	wrdreg $0x9  }
0xb6: {  	_ =	task.clear_ibuf [dreg:s9], $0x8FFFF;
	_ =	strace $0x90000046  }
0xb7: {  	s29 =	simm.s32 $0x9;
	_ =	strace $0x80000048  }
0xb8: {  	_ =	swait.ge [sflag:s29], $0x1  }
0xb9: {  	[sflag:s29] =	ssyncadd.s32 $0xFFFFFFFF  }
0xba: {  	_ =	strace $0x90000048  }
0xbb: {  	_ =	sfence  }
0xbc: {  	s30 =	sld [smem:$0x0];
	_ =	sdelay $0x2  }
0xbd: {  	s31 =	sshll.u32 s1, $0xD;
	s1 =	sshrl.u32 s1, $0x2  }
0xbe: {  	s3 =	sand.u32 $0x4000, s31;
	s1 =	sadd.s32 s1, s30  }
0xbf: {  	s0 =	sor.u32 s3, s0;
	s1 =	sshll.u32 s1, $0x11  }
0xc0: {  	s0 =	sor.u32 s1, s0  }
0xc1: {  	s0 =	sadd.s32 $0x8F2B, s0  }
0xc2: {  	[sflag:s0] =	ssyncadd.remote.s32 $0x1  }
0xc3: {  	_ =	sfence.sel $0xFFFF  }
0xc4: {  	[dreg:$0x0] =	wrdreg $0xFFFFFFFF;
	(pc) =	sbr.abs _section_cstart, $3  }
0xc5: {  	[dreg:$0x1] =	wrdreg $0xFFFFFFFF  }
0xc6: {  	_ =	task.clear_ibuf [dreg:s9], $0x2FFFF;
	_ =	strace $0x9FFFFFFF  }
0xc7: {  	(tm) =	ssettm $0x7FFFFFFF  }
tec
execute0_lowered:
.L_overlay_start_1:
0x0: {  	(tag) =	ssettag $0x1  }
0x1: {  	s0 =	rddreg [dreg:$0x0]  }
0x2: {  	s1 =	rddreg [dreg:$0x1]  }
0x3: {  	s2 =	rddreg [dreg:$0x2]  }
0x4: {  	s4 =	rddreg [dreg:$0x3]  }
0x5: {  	s11 =	rddreg [dreg:$0x4]  }
0x6: {  	s3 =	simm.s32 $0x0;
	s5 =	srdreg.scid;
	s10 =	stileid.u32  }
0x7: {  	[smem:$0x7FF] =	sst s3;
	s8 =	smul.u32 $0xC0, s10  }
0x8: {  	s5 =	sand.u32 $0x1, s5;
	s6 =	sshll.u32 s10, $0x8;
	s10 =	smul.u32 $0x300, s10  }
0x9: {  	_ =	strace $0x80000047;
	s7 =	sshll.u32 s5, $0x7;
	s5 =	ssub.s32 $0x2, s5  }
0xa: {  	s6 =	sor.u32 s7, s6;
	s26 =	sshrl.u32 s5, $0x1;
	s2 =	sadd.s32 s8, s2  }
0xb: {  	s14 =	sshrl.u32 s10, $0x2;
	s9 =	sshrl.u32 s6, $0x3;
	s12 =	sadd.s32 $0x400, s2  }
0xc: {  	s5 =	ssub.s32 s5, s26;
	s2 =	sadd.s32 s14, s11;
	[dreg:$0x7] =	wrdreg s12  }
0xd: {  	s13 =	sshll.u32 s6, $0x6;
	s1 =	sadd.s32 s1, s9;
	[dreg:$0x8] =	wrdreg s2  }
0xe: {  	v0 =	vlaneseq.u32;
	s6 =	sadd.s32 s0, s13;
	s16 =	smax.u32 s5, $0x1;
	[dreg:$0x6] =	wrdreg s1  }
0xf: {  	v0 =	vmul.u32 $0x8, v0;
	[dreg:$0x9] =	wrdreg s16;
	s17 =	sadd.s32 $0x10, s6  }
0x10: {  	s18 =	sadd.s32 $0x20, s6;
	[dreg:$0xa] =	wrdreg s17  }
0x11: {  	v1 =	vor.u32 $0x1, v0;
	s19 =	sadd.s32 $0x30, s6;
	[dreg:$0xb] =	wrdreg s18  }
0x12: {  	[tilespmem:$0x1FE00] =	vst v1;
	v1 =	vor.u32 $0x2, v0;
	s20 =	sadd.s32 $0x200, s6;
	[dreg:$0xc] =	wrdreg s19  }
0x13: {  	[tilespmem:$0x1FE10] =	vst v1;
	v1 =	vor.u32 $0x3, v0;
	s21 =	sadd.s32 $0x210, s6;
	[dreg:$0xd] =	wrdreg s20  }
0x14: {  	s22 =	sadd.s32 $0x220, s6;
	[tilespmem:$0x1FE20] =	vst v1;
	v1 =	vor.u32 $0x4, v0;
	[dreg:$0xe] =	wrdreg s21  }
0x15: {  	s23 =	sadd.s32 $0x230, s6;
	[dreg:$0xf] =	wrdreg s22;
	[tilespmem:$0x1FE30] =	vst v1;
	v1 =	vor.u32 $0x5, v0  }
0x16: {  	s24 =	sadd.s32 $0x400, s6;
	[dreg:$0x10] =	wrdreg s23;
	[tilespmem:$0x1FE40] =	vst v1;
	v1 =	vor.u32 $0x6, v0  }
0x17: {  	s25 =	sadd.s32 $0x410, s6;
	[dreg:$0x11] =	wrdreg s24;
	[tilespmem:$0x1FE50] =	vst v1;
	v1 =	vor.u32 $0x7, v0  }
0x18: {  	s26 =	sadd.s32 $0x420, s6;
	[dreg:$0x12] =	wrdreg s25;
	[tilespmem:$0x1FE60] =	vst v1;
	v1 =	vor.u32 $0x80, v0  }
0x19: {  	s15 =	sor.u32 $0x1000, s13;
	s1 =	sadd.s32 $0x430, s6;
	[dreg:$0x13] =	wrdreg s26;
	[tilespmem:$0x1FE70] =	vst v1;
	v1 =	vor.u32 $0x81, v0  }
0x1a: {  	s9 =	sadd.s32 s4, s13;
	s2 =	sadd.s32 $0x600, s6;
	[dreg:$0x14] =	wrdreg s1;
	[tilespmem:$0x1FE80] =	vst v1;
	v1 =	vor.u32 $0x82, v0  }
0x1b: {  	s10 =	sadd.s32 s4, s15;
	s4 =	sadd.s32 $0x610, s6;
	[dreg:$0x15] =	wrdreg s2;
	[tilespmem:$0x1FE90] =	vst v1;
	v1 =	vor.u32 $0x83, v0  }
0x1c: {  	s5 =	sadd.s32 $0x620, s6;
	[dreg:$0x16] =	wrdreg s4;
	[tilespmem:$0x1FEA0] =	vst v1;
	v1 =	vor.u32 $0x84, v0  }
0x1d: {  	s7 =	sadd.s32 $0x630, s6;
	[dreg:$0x17] =	wrdreg s5;
	[tilespmem:$0x1FEB0] =	vst v1;
	v1 =	vor.u32 $0x85, v0  }
0x1e: {  	s11 =	sadd.s32 $0x800, s6;
	[dreg:$0x18] =	wrdreg s7;
	[tilespmem:$0x1FEC0] =	vst v1;
	v1 =	vor.u32 $0x86, v0  }
0x1f: {  	v33 =	vor.u32 $0x201, v0;
	s12 =	sadd.s32 $0x810, s6;
	[dreg:$0x19] =	wrdreg s11;
	[tilespmem:$0x1FED0] =	vst v1;
	v1 =	vor.u32 $0x87, v0  }
0x20: {  	v34 =	vor.u32 $0x202, v0;
	v35 =	vor.u32 $0x203, v0;
	s13 =	sadd.s32 $0x820, s6;
	[dreg:$0x1a] =	wrdreg s12;
	[tilespmem:$0x1FEE0] =	vst v1;
	v1 =	vor.u32 $0x100, v0  }
0x21: {  	s31 =	simm.s32 $0x1;
	v36 =	vor.u32 $0x204, v0;
	v37 =	vor.u32 $0x205, v0;
	s14 =	sadd.s32 $0x830, s6;
	[dreg:$0x1b] =	wrdreg s13;
	[tilespmem:$0x1FEF0] =	vst v1;
	v1 =	vor.u32 $0x101, v0  }
0x22: {  	v38 =	vor.u32 $0x206, v0;
	v39 =	vor.u32 $0x207, v0;
	s8 =	sadd.s32 s0, s15;
	s15 =	sadd.s32 $0xA00, s6;
	[dreg:$0x1c] =	wrdreg s14;
	[tilespmem:$0x1FF00] =	vst v1;
	v1 =	vor.u32 $0x102, v0  }
0x23: {  	s30 =	simm.s32 $0xA3C0;
	v40 =	vor.u32 $0x280, v0;
	v41 =	vor.u32 $0x281, v0;
	s16 =	sadd.s32 $0xA10, s6;
	[dreg:$0x1d] =	wrdreg s15;
	[tilespmem:$0x1FF10] =	vst v1;
	v1 =	vor.u32 $0x103, v0  }
0x24: {  	s28 =	simm.s32 $0x10FC0;
	v42 =	vor.u32 $0x282, v0;
	v43 =	vor.u32 $0x283, v0;
	[dreg:$0x1e] =	wrdreg s16;
	s17 =	sadd.s32 $0xA20, s6;
	[tilespmem:$0x1FF20] =	vst v1;
	v1 =	vor.u32 $0x104, v0  }
0x25: {  	s29 =	simm.s32 $0x6;
	v44 =	vor.u32 $0x284, v0;
	v45 =	vor.u32 $0x285, v0;
	s18 =	sadd.s32 $0xA30, s6;
	[dreg:$0x1f] =	wrdreg s17;
	[tilespmem:$0x1FF30] =	vst v1;
	v1 =	vor.u32 $0x105, v0  }
0x26: {  	v46 =	vor.u32 $0x286, v0;
	s19 =	sadd.s32 $0xC00, s6;
	s20 =	sadd.s32 $0xC10, s6;
	[smem:$0x7F5] =	sst s18;
	[tilespmem:$0x1FF40] =	vst v1;
	v1 =	vor.u32 $0x106, v0  }
0x27: {  	v47 =	vor.u32 $0x287, v0;
	s21 =	sadd.s32 $0xC20, s6;
	s22 =	sadd.s32 $0xC30, s6;
	[smem:$0x7F6] =	sst s19;
	[tilespmem:$0x1FF50] =	vst v1;
	v1 =	vor.u32 $0x107, v0  }
0x28: {  	v48 =	vor.u32 $0x300, v0;
	s23 =	sadd.s32 $0xE00, s6;
	s24 =	sadd.s32 $0xE10, s6;
	[smem:$0x7F7] =	sst s20;
	[tilespmem:$0x1FF60] =	vst v1;
	v1 =	vor.u32 $0x180, v0  }
0x29: {  	v49 =	vor.u32 $0x301, v0;
	s25 =	sadd.s32 $0xE20, s6;
	s26 =	sadd.s32 $0xE30, s6;
	[smem:$0x7F8] =	sst s21;
	[tilespmem:$0x1FF70] =	vst v1;
	v1 =	vor.u32 $0x181, v0  }
0x2a: {  	v50 =	vor.u32 $0x302, v0;
	v51 =	vor.u32 $0x303, v0;
	s16 =	simm.s32 $0x2;
	s14 =	simm.s32 $0x93C0;
	[smem:$0x7F9] =	sst s22;
	[tilespmem:$0x1FF80] =	vst v1;
	v1 =	vor.u32 $0x182, v0  }
0x2b: {  	v52 =	vor.u32 $0x304, v0;
	s15 =	simm.s32 $0x97C0;
	s4 =	simm.s32 $0xFBC0;
	[smem:$0x7FA] =	sst s23;
	[tilespmem:$0x1FF90] =	vst v1;
	v1 =	vor.u32 $0x183, v0  }
0x2c: {  	v53 =	vor.u32 $0x305, v0;
	s5 =	simm.s32 $0x103C0;
	s7 =	simm.s32 $0x10BC0;
	[smem:$0x7FB] =	sst s24;
	[tilespmem:$0x1FFA0] =	vst v1;
	v1 =	vor.u32 $0x184, v0  }
0x2d: {  	v54 =	vor.u32 $0x306, v0;
	v55 =	vor.u32 $0x307, v0;
	s11 =	simm.s32 $0x3;
	s12 =	simm.s32 $0x5;
	[smem:$0x7FC] =	sst s25;
	[tilespmem:$0x1FFB0] =	vst v1;
	v1 =	vor.u32 $0x185, v0  }
0x2e: {  	v56 =	vor.u32 $0x380, v0;
	v57 =	vor.u32 $0x381, v0;
	s13 =	simm.s32 $0x0;
	[smem:$0x7FD] =	sst s26;
	s17 =	simm.s32 $0x100;
	[tilespmem:$0x1FFC0] =	vst v1;
	v1 =	vor.u32 $0x186, v0  }
0x2f: {  	v58 =	vor.u32 $0x382, v0;
	v59 =	vor.u32 $0x383, v0;
	s18 =	simm.s32 $0x80;
	s19 =	simm.s32 $0x200;
	s21 =	simm.s32 $0x7;
	[tilespmem:$0x1FFD0] =	vst v1;
	v1 =	vor.u32 $0x187, v0  }
0x30: {  	v60 =	vor.u32 $0x384, v0;
	s22 =	simm.s32 $0x9BC0;
	s23 =	simm.s32 $0x9FC0;
	s24 =	simm.s32 $0xF7C0;
	[tilespmem:$0x1FFE0] =	vst v1;
	v1 =	vor.u32 $0x200, v0  }
0x31: {  	v61 =	vor.u32 $0x385, v0;
	v62 =	vor.u32 $0x386, v0;
	v63 =	vor.u32 $0x387, v0;
	s25 =	simm.s32 $0xFFC0;
	s26 =	simm.s32 $0x107C0;
	s20 =	simm.s32 $0x4;
	[tilespmem:$0x1FFF0] =	vst v1  }
.LBB2_1:
0x32: {  	s0 =	rddreg [dreg:$0x6]  }
0x33: {  	[tilespmem:s3], [sflag:$0x1] =	stream.linear.gather [hbm4b:s0+s3], $0x80, $0x38;
	[tilespmem:$0x113C0] =	vst v63  }
0x34: {  	s1 =	rddreg [dreg:$0x7]  }
0x35: {  	[tilespmem:s17], [sflag:$0x2] =	stream.linear.gather [hbm4b:s1+s3], $0x600, $0x38;
	[tilespmem:$0x113C0] =	vst v63  }
0x36: {  	s2 =	simm.s32 $0x13C0  }
0x37: {  	[tilespmem:s2], [sflag:$0x3] =	stream.strided.gather [hbm4b:s6+s18], $0x400, s19, s18, $0x38;
	[tilespmem:$0x113C0] =	vst v63  }
0x38: {  	s0 =	rddreg [dreg:$0xa];
	s2 =	simm.s32 $0x17C0  }
0x39: {  	[tilespmem:s2], [sflag:$0x3] =	stream.strided.gather [hbm4b:s0+s18], $0x400, s19, s18, $0x38;
	[tilespmem:$0x113C0] =	vst v63  }
0x3a: {  	s0 =	rddreg [dreg:$0xb];
	s2 =	simm.s32 $0x1BC0  }
0x3b: {  	[tilespmem:s2], [sflag:$0x3] =	stream.strided.gather [hbm4b:s0+s18], $0x400, s19, s18, $0x38;
	[tilespmem:$0x113C0] =	vst v63  }
0x3c: {  	s0 =	rddreg [dreg:$0xc];
	s2 =	simm.s32 $0x1FC0  }
0x3d: {  	[tilespmem:s2], [sflag:$0x3] =	stream.strided.gather [hbm4b:s0+s18], $0x400, s19, s18, $0x38;
	[tilespmem:$0x113C0] =	vst v63  }
0x3e: {  	s0 =	rddreg [dreg:$0xd];
	s2 =	simm.s32 $0x23C0  }
0x3f: {  	[tilespmem:s2], [sflag:$0x3] =	stream.strided.gather [hbm4b:s0+s18], $0x400, s19, s18, $0x38;
	[tilespmem:$0x113C0] =	vst v63  }
0x40: {  	s0 =	rddreg [dreg:$0xe];
	s2 =	simm.s32 $0x27C0  }
0x41: {  	[tilespmem:s2], [sflag:$0x3] =	stream.strided.gather [hbm4b:s0+s18], $0x400, s19, s18, $0x38;
	[tilespmem:$0x113C0] =	vst v63  }
0x42: {  	s0 =	rddreg [dreg:$0xf];
	s2 =	simm.s32 $0x2BC0  }
0x43: {  	[tilespmem:s2], [sflag:$0x3] =	stream.strided.gather [hbm4b:s0+s18], $0x400, s19, s18, $0x38;
	[tilespmem:$0x113C0] =	vst v63  }
0x44: {  	s0 =	rddreg [dreg:$0x10];
	s2 =	simm.s32 $0x2FC0  }
0x45: {  	[tilespmem:s2], [sflag:$0x3] =	stream.strided.gather [hbm4b:s0+s18], $0x400, s19, s18, $0x38;
	[tilespmem:$0x113C0] =	vst v63  }
0x46: {  	s0 =	rddreg [dreg:$0x11];
	s2 =	simm.s32 $0x33C0  }
0x47: {  	[tilespmem:s2], [sflag:$0x3] =	stream.strided.gather [hbm4b:s0+s18], $0x400, s19, s18, $0x38;
	[tilespmem:$0x113C0] =	vst v63  }
0x48: {  	s0 =	rddreg [dreg:$0x12];
	s2 =	simm.s32 $0x37C0  }
0x49: {  	[tilespmem:s2], [sflag:$0x3] =	stream.strided.gather [hbm4b:s0+s18], $0x400, s19, s18, $0x38;
	[tilespmem:$0x113C0] =	vst v63  }
0x4a: {  	s0 =	rddreg [dreg:$0x13];
	s2 =	simm.s32 $0x3BC0  }
0x4b: {  	[tilespmem:s2], [sflag:$0x3] =	stream.strided.gather [hbm4b:s0+s18], $0x400, s19, s18, $0x38;
	[tilespmem:$0x113C0] =	vst v63  }
0x4c: {  	s0 =	rddreg [dreg:$0x14];
	s2 =	simm.s32 $0x3FC0  }
0x4d: {  	[tilespmem:s2], [sflag:$0x3] =	stream.strided.gather [hbm4b:s0+s18], $0x400, s19, s18, $0x38;
	[tilespmem:$0x113C0] =	vst v63  }
0x4e: {  	s0 =	rddreg [dreg:$0x15];
	s2 =	simm.s32 $0x43C0  }
0x4f: {  	[tilespmem:s2], [sflag:$0x3] =	stream.strided.gather [hbm4b:s0+s18], $0x400, s19, s18, $0x38;
	[tilespmem:$0x113C0] =	vst v63  }
0x50: {  	s0 =	rddreg [dreg:$0x16];
	s2 =	simm.s32 $0x47C0  }
0x51: {  	[tilespmem:s2], [sflag:$0x3] =	stream.strided.gather [hbm4b:s0+s18], $0x400, s19, s18, $0x38;
	[tilespmem:$0x113C0] =	vst v63  }
0x52: {  	s0 =	rddreg [dreg:$0x17];
	s2 =	simm.s32 $0x4BC0  }
0x53: {  	[tilespmem:s2], [sflag:$0x3] =	stream.strided.gather [hbm4b:s0+s18], $0x400, s19, s18, $0x38;
	[tilespmem:$0x113C0] =	vst v63  }
0x54: {  	s0 =	rddreg [dreg:$0x18];
	s2 =	simm.s32 $0x4FC0  }
0x55: {  	[tilespmem:s2], [sflag:$0x3] =	stream.strided.gather [hbm4b:s0+s18], $0x400, s19, s18, $0x38;
	[tilespmem:$0x113C0] =	vst v63  }
0x56: {  	s0 =	rddreg [dreg:$0x19];
	s2 =	simm.s32 $0x53C0  }
0x57: {  	[tilespmem:s2], [sflag:$0x3] =	stream.strided.gather [hbm4b:s0+s18], $0x400, s19, s18, $0x38;
	[tilespmem:$0x113C0] =	vst v63  }
0x58: {  	s0 =	rddreg [dreg:$0x1a];
	s2 =	simm.s32 $0x57C0  }
0x59: {  	[tilespmem:s2], [sflag:$0x3] =	stream.strided.gather [hbm4b:s0+s18], $0x400, s19, s18, $0x38;
	[tilespmem:$0x113C0] =	vst v63  }
0x5a: {  	s0 =	rddreg [dreg:$0x1b];
	s2 =	simm.s32 $0x5BC0  }
0x5b: {  	[tilespmem:s2], [sflag:$0x3] =	stream.strided.gather [hbm4b:s0+s18], $0x400, s19, s18, $0x38;
	[tilespmem:$0x113C0] =	vst v63  }
0x5c: {  	s0 =	rddreg [dreg:$0x1c];
	s2 =	simm.s32 $0x5FC0  }
0x5d: {  	[tilespmem:s2], [sflag:$0x3] =	stream.strided.gather [hbm4b:s0+s18], $0x400, s19, s18, $0x38;
	[tilespmem:$0x113C0] =	vst v63  }
0x5e: {  	s0 =	rddreg [dreg:$0x1d];
	s2 =	simm.s32 $0x63C0  }
0x5f: {  	[tilespmem:s2], [sflag:$0x3] =	stream.strided.gather [hbm4b:s0+s18], $0x400, s19, s18, $0x38;
	[tilespmem:$0x113C0] =	vst v63  }
0x60: {  	s0 =	rddreg [dreg:$0x1e];
	s2 =	simm.s32 $0x67C0  }
0x61: {  	[tilespmem:s2], [sflag:$0x3] =	stream.strided.gather [hbm4b:s0+s18], $0x400, s19, s18, $0x38;
	[tilespmem:$0x113C0] =	vst v63  }
0x62: {  	s0 =	rddreg [dreg:$0x1f];
	s2 =	simm.s32 $0x6BC0  }
0x63: {  	[tilespmem:s2], [sflag:$0x3] =	stream.strided.gather [hbm4b:s0+s18], $0x400, s19, s18, $0x38;
	[tilespmem:$0x113C0] =	vst v63  }
0x64: {  	s0 =	sld [smem:$0x7F5];
	_ =	sdelay $0x1  }
0x65: {  	s2 =	simm.s32 $0x6FC0  }
0x66: {  	[tilespmem:s2], [sflag:$0x3] =	stream.strided.gather [hbm4b:s0+s18], $0x400, s19, s18, $0x38;
	[tilespmem:$0x113C0] =	vst v63  }
0x67: {  	s0 =	sld [smem:$0x7F6];
	_ =	sdelay $0x1  }
0x68: {  	s2 =	simm.s32 $0x73C0  }
0x69: {  	[tilespmem:s2], [sflag:$0x3] =	stream.strided.gather [hbm4b:s0+s18], $0x400, s19, s18, $0x38;
	[tilespmem:$0x113C0] =	vst v63  }
0x6a: {  	s0 =	sld [smem:$0x7F7];
	_ =	sdelay $0x1  }
0x6b: {  	s2 =	simm.s32 $0x77C0  }
0x6c: {  	[tilespmem:s2], [sflag:$0x3] =	stream.strided.gather [hbm4b:s0+s18], $0x400, s19, s18, $0x38;
	[tilespmem:$0x113C0] =	vst v63  }
0x6d: {  	s0 =	sld [smem:$0x7F8];
	_ =	sdelay $0x1  }
0x6e: {  	s2 =	simm.s32 $0x7BC0  }
0x6f: {  	[tilespmem:s2], [sflag:$0x3] =	stream.strided.gather [hbm4b:s0+s18], $0x400, s19, s18, $0x38;
	[tilespmem:$0x113C0] =	vst v63  }
0x70: {  	s0 =	sld [smem:$0x7F9];
	_ =	sdelay $0x1  }
0x71: {  	s2 =	simm.s32 $0x7FC0  }
0x72: {  	[tilespmem:s2], [sflag:$0x3] =	stream.strided.gather [hbm4b:s0+s18], $0x400, s19, s18, $0x38;
	[tilespmem:$0x113C0] =	vst v63  }
0x73: {  	s0 =	sld [smem:$0x7FA];
	_ =	sdelay $0x1  }
0x74: {  	s2 =	simm.s32 $0x83C0  }
0x75: {  	[tilespmem:s2], [sflag:$0x3] =	stream.strided.gather [hbm4b:s0+s18], $0x400, s19, s18, $0x38;
	[tilespmem:$0x113C0] =	vst v63  }
0x76: {  	s0 =	sld [smem:$0x7FB];
	_ =	sdelay $0x1  }
0x77: {  	s2 =	simm.s32 $0x87C0  }
0x78: {  	[tilespmem:s2], [sflag:$0x3] =	stream.strided.gather [hbm4b:s0+s18], $0x400, s19, s18, $0x38;
	[tilespmem:$0x113C0] =	vst v63  }
0x79: {  	s0 =	sld [smem:$0x7FC];
	_ =	sdelay $0x1  }
0x7a: {  	s2 =	simm.s32 $0x8BC0  }
0x7b: {  	[tilespmem:s2], [sflag:$0x3] =	stream.strided.gather [hbm4b:s0+s18], $0x400, s19, s18, $0x38;
	[tilespmem:$0x113C0] =	vst v63  }
0x7c: {  	s0 =	sld [smem:$0x7FD];
	_ =	sdelay $0x1  }
0x7d: {  	s2 =	simm.s32 $0x8FC0  }
0x7e: {  	[tilespmem:s2], [sflag:$0x3] =	stream.strided.gather [hbm4b:s0+s18], $0x400, s19, s18, $0x38;
	[tilespmem:$0x113C0] =	vst v63  }
0x7f: {  	_ =	swait.ge [sflag:s16], $0x600  }
0x80: {  	v2 =	vld [tilespmem:$0x1FE00]  }
0x81: {  	v3 =	vld [tilespmem:$0x1FE10]  }
0x82: {  	v4 =	vld [tilespmem:$0x1FE20]  }
0x83: {  	v5 =	vld [tilespmem:$0x1FE30]  }
0x84: {  	v6 =	vld [tilespmem:$0x1FE40]  }
0x85: {  	[sflag:s16] =	ssyncset.done $0x0;
	v7 =	vld [tilespmem:$0x1FE50]  }
0x86: {  	v8 =	vld [tilespmem:$0x1FE60];
	[sflag:s16] =	ssyncadd.s32 $0xFFFFFA00  }
0x87: {  	v1 =	vld.idx.msk [tilespmem:v0+s17+$0x0], $0xffff  }
0x88: {  	v2 =	vld.idx.msk [tilespmem:v2+s17+$0x0], $0xffff  }
0x89: {  	v3 =	vld.idx.msk [tilespmem:v3+s17+$0x0], $0xffff  }
0x8a: {  	v4 =	vld.idx.msk [tilespmem:v4+s17+$0x0], $0xffff  }
0x8b: {  	v5 =	vld.idx.msk [tilespmem:v5+s17+$0x0], $0xffff  }
0x8c: {  	v6 =	vld.idx.msk [tilespmem:v6+s17+$0x0], $0xffff  }
0x8d: {  	v7 =	vld.idx.msk [tilespmem:v7+s17+$0x0], $0xffff  }
0x8e: {  	v8 =	vld.idx.msk [tilespmem:v8+s17+$0x0], $0xffff;
	_ =	sdelay $0x3  }
0x8f: {  	v1 =	vadd.f32 v2, v1;
	v2 =	vadd.f32 v4, v3  }
0x90: {  	v22 =	vld [tilespmem:$0x1FEE0];
	v3 =	vadd.f32 v6, v5;
	v4 =	vadd.f32 v8, v7  }
0x91: {  	v5 =	vld [tilespmem:$0x1FEB0]  }
0x92: {  	v6 =	vld [tilespmem:$0x1FEC0];
	v1 =	vadd.f32 v2, v1;
	v2 =	vadd.f32 v4, v3  }
0x93: {  	v3 =	vld [tilespmem:$0x1FE90]  }
0x94: {  	v4 =	vld [tilespmem:$0x1FEA0];
	v1 =	vadd.f32 v2, v1  }
0x95: {  	v2 =	vld [tilespmem:$0x1FE80]  }
0x96: {  	[tilespmem:$0x700] =	vst v1;
	v1 =	vld [tilespmem:$0x1FE70]  }
0x97: {  	v7 =	vld [tilespmem:$0x1FED0]  }
0x98: {  	v8 =	vld.idx.msk [tilespmem:v22+s17+$0x0], $0xffff  }
0x99: {  	v5 =	vld.idx.msk [tilespmem:v5+s17+$0x0], $0xffff  }
0x9a: {  	v6 =	vld.idx.msk [tilespmem:v6+s17+$0x0], $0xffff  }
0x9b: {  	v3 =	vld.idx.msk [tilespmem:v3+s17+$0x0], $0xffff  }
0x9c: {  	v4 =	vld.idx.msk [tilespmem:v4+s17+$0x0], $0xffff  }
0x9d: {  	v2 =	vld.idx.msk [tilespmem:v2+s17+$0x0], $0xffff  }
0x9e: {  	v1 =	vld.idx.msk [tilespmem:v1+s17+$0x0], $0xffff  }
0x9f: {  	v7 =	vld.idx.msk [tilespmem:v7+s17+$0x0], $0xffff;
	_ =	sdelay $0x3  }
0xa0: {  	v1 =	vadd.f32 v2, v1;
	v2 =	vadd.f32 v4, v3  }
0xa1: {  	v23 =	vld [tilespmem:$0x1FF60];
	v3 =	vadd.f32 v6, v5;
	v4 =	vadd.f32 v8, v7  }
0xa2: {  	v5 =	vld [tilespmem:$0x1FF30]  }
0xa3: {  	v6 =	vld [tilespmem:$0x1FF40];
	v1 =	vadd.f32 v2, v1;
	v2 =	vadd.f32 v4, v3  }
0xa4: {  	v3 =	vld [tilespmem:$0x1FF10]  }
0xa5: {  	v4 =	vld [tilespmem:$0x1FF20];
	v1 =	vadd.f32 v2, v1  }
0xa6: {  	v2 =	vld [tilespmem:$0x1FF00]  }
0xa7: {  	[tilespmem:$0x710] =	vst v1;
	v1 =	vld [tilespmem:$0x1FEF0]  }
0xa8: {  	v7 =	vld [tilespmem:$0x1FF50]  }
0xa9: {  	v8 =	vld.idx.msk [tilespmem:v23+s17+$0x0], $0xffff  }
0xaa: {  	v5 =	vld.idx.msk [tilespmem:v5+s17+$0x0], $0xffff  }
0xab: {  	v6 =	vld.idx.msk [tilespmem:v6+s17+$0x0], $0xffff  }
0xac: {  	v3 =	vld.idx.msk [tilespmem:v3+s17+$0x0], $0xffff  }
0xad: {  	v4 =	vld.idx.msk [tilespmem:v4+s17+$0x0], $0xffff  }
0xae: {  	v2 =	vld.idx.msk [tilespmem:v2+s17+$0x0], $0xffff  }
0xaf: {  	v1 =	vld.idx.msk [tilespmem:v1+s17+$0x0], $0xffff  }
0xb0: {  	v7 =	vld.idx.msk [tilespmem:v7+s17+$0x0], $0xffff;
	_ =	sdelay $0x3  }
0xb1: {  	v1 =	vadd.f32 v2, v1;
	v2 =	vadd.f32 v4, v3  }
0xb2: {  	v24 =	vld [tilespmem:$0x1FFE0];
	v3 =	vadd.f32 v6, v5;
	v4 =	vadd.f32 v8, v7  }
0xb3: {  	v5 =	vld [tilespmem:$0x1FFB0]  }
0xb4: {  	v6 =	vld [tilespmem:$0x1FFC0];
	v1 =	vadd.f32 v2, v1;
	v2 =	vadd.f32 v4, v3  }
0xb5: {  	v3 =	vld [tilespmem:$0x1FF90]  }
0xb6: {  	v4 =	vld [tilespmem:$0x1FFA0];
	v1 =	vadd.f32 v2, v1  }
0xb7: {  	v2 =	vld [tilespmem:$0x1FF80]  }
0xb8: {  	[tilespmem:$0x720] =	vst v1;
	v1 =	vld [tilespmem:$0x1FF70]  }
0xb9: {  	v7 =	vld [tilespmem:$0x1FFD0]  }
0xba: {  	v8 =	vld.idx.msk [tilespmem:v24+s17+$0x0], $0xffff  }
0xbb: {  	v5 =	vld.idx.msk [tilespmem:v5+s17+$0x0], $0xffff  }
0xbc: {  	v6 =	vld.idx.msk [tilespmem:v6+s17+$0x0], $0xffff  }
0xbd: {  	v3 =	vld.idx.msk [tilespmem:v3+s17+$0x0], $0xffff  }
0xbe: {  	v4 =	vld.idx.msk [tilespmem:v4+s17+$0x0], $0xffff  }
0xbf: {  	v2 =	vld.idx.msk [tilespmem:v2+s17+$0x0], $0xffff  }
0xc0: {  	v1 =	vld.idx.msk [tilespmem:v1+s17+$0x0], $0xffff  }
0xc1: {  	v7 =	vld.idx.msk [tilespmem:v7+s17+$0x0], $0xffff;
	_ =	sdelay $0x3  }
0xc2: {  	v1 =	vadd.f32 v2, v1;
	v2 =	vadd.f32 v4, v3  }
0xc3: {  	v3 =	vadd.f32 v6, v5;
	v4 =	vadd.f32 v8, v7;
	_ =	sdelay $0x1  }
0xc4: {  	v1 =	vadd.f32 v2, v1;
	v2 =	vadd.f32 v4, v3;
	_ =	sdelay $0x1  }
0xc5: {  	v1 =	vadd.f32 v2, v1;
	_ =	sdelay $0x1  }
0xc6: {  	[tilespmem:$0x730] =	vst v1;
	v1 =	vld [tilespmem:$0x1FFF0];
	_ =	sdelay $0x1  }
0xc7: {  	v2 =	vld.idx.msk [tilespmem:v33+s17+$0x0], $0xffff  }
0xc8: {  	v3 =	vld.idx.msk [tilespmem:v34+s17+$0x0], $0xffff  }
0xc9: {  	v4 =	vld.idx.msk [tilespmem:v35+s17+$0x0], $0xffff  }
0xca: {  	v5 =	vld.idx.msk [tilespmem:v36+s17+$0x0], $0xffff  }
0xcb: {  	v6 =	vld.idx.msk [tilespmem:v37+s17+$0x0], $0xffff  }
0xcc: {  	v7 =	vld.idx.msk [tilespmem:v38+s17+$0x0], $0xffff  }
0xcd: {  	v1 =	vld.idx.msk [tilespmem:v1+s17+$0x0], $0xffff  }
0xce: {  	v25 =	vld.idx.msk [tilespmem:v39+s17+$0x0], $0xffff;
	_ =	sdelay $0x3  }
0xcf: {  	v1 =	vadd.f32 v2, v1;
	v2 =	vadd.f32 v4, v3  }
0xd0: {  	v3 =	vadd.f32 v6, v5;
	v4 =	vadd.f32 v25, v7;
	_ =	sdelay $0x1  }
0xd1: {  	v1 =	vadd.f32 v2, v1;
	v2 =	vadd.f32 v4, v3;
	_ =	sdelay $0x1  }
0xd2: {  	v1 =	vadd.f32 v2, v1;
	_ =	sdelay $0x1  }
0xd3: {  	[tilespmem:$0x740] =	vst v1  }
0xd4: {  	v1 =	vld.idx.msk [tilespmem:v40+s17+$0x0], $0xffff  }
0xd5: {  	v2 =	vld.idx.msk [tilespmem:v41+s17+$0x0], $0xffff  }
0xd6: {  	v3 =	vld.idx.msk [tilespmem:v42+s17+$0x0], $0xffff  }
0xd7: {  	v4 =	vld.idx.msk [tilespmem:v43+s17+$0x0], $0xffff  }
0xd8: {  	v5 =	vld.idx.msk [tilespmem:v44+s17+$0x0], $0xffff  }
0xd9: {  	v6 =	vld.idx.msk [tilespmem:v45+s17+$0x0], $0xffff  }
0xda: {  	v7 =	vld.idx.msk [tilespmem:v46+s17+$0x0], $0xffff  }
0xdb: {  	v26 =	vld.idx.msk [tilespmem:v47+s17+$0x0], $0xffff;
	_ =	sdelay $0x3  }
0xdc: {  	v1 =	vadd.f32 v2, v1;
	v2 =	vadd.f32 v4, v3  }
0xdd: {  	v3 =	vadd.f32 v6, v5;
	v4 =	vadd.f32 v26, v7;
	_ =	sdelay $0x1  }
0xde: {  	v1 =	vadd.f32 v2, v1;
	v2 =	vadd.f32 v4, v3;
	_ =	sdelay $0x1  }
0xdf: {  	v1 =	vadd.f32 v2, v1;
	_ =	sdelay $0x1  }
0xe0: {  	[tilespmem:$0x750] =	vst v1  }
0xe1: {  	v1 =	vld.idx.msk [tilespmem:v48+s17+$0x0], $0xffff  }
0xe2: {  	v2 =	vld.idx.msk [tilespmem:v49+s17+$0x0], $0xffff  }
0xe3: {  	v3 =	vld.idx.msk [tilespmem:v50+s17+$0x0], $0xffff  }
0xe4: {  	v4 =	vld.idx.msk [tilespmem:v51+s17+$0x0], $0xffff  }
0xe5: {  	v5 =	vld.idx.msk [tilespmem:v52+s17+$0x0], $0xffff  }
0xe6: {  	v6 =	vld.idx.msk [tilespmem:v53+s17+$0x0], $0xffff  }
0xe7: {  	v7 =	vld.idx.msk [tilespmem:v54+s17+$0x0], $0xffff  }
0xe8: {  	v27 =	vld.idx.msk [tilespmem:v55+s17+$0x0], $0xffff;
	_ =	sdelay $0x3  }
0xe9: {  	v1 =	vadd.f32 v2, v1;
	v2 =	vadd.f32 v4, v3  }
0xea: {  	v3 =	vadd.f32 v6, v5;
	v4 =	vadd.f32 v27, v7;
	_ =	sdelay $0x1  }
0xeb: {  	v1 =	vadd.f32 v2, v1;
	v2 =	vadd.f32 v4, v3;
	_ =	sdelay $0x1  }
0xec: {  	v1 =	vadd.f32 v2, v1;
	_ =	sdelay $0x1  }
0xed: {  	[tilespmem:$0x760] =	vst v1  }
0xee: {  	v1 =	vld.idx.msk [tilespmem:v56+s17+$0x0], $0xffff  }
0xef: {  	v2 =	vld.idx.msk [tilespmem:v57+s17+$0x0], $0xffff  }
0xf0: {  	v3 =	vld.idx.msk [tilespmem:v58+s17+$0x0], $0xffff  }
0xf1: {  	v4 =	vld.idx.msk [tilespmem:v59+s17+$0x0], $0xffff  }
0xf2: {  	v5 =	vld.idx.msk [tilespmem:v60+s17+$0x0], $0xffff  }
0xf3: {  	v6 =	vld.idx.msk [tilespmem:v61+s17+$0x0], $0xffff  }
0xf4: {  	v7 =	vld.idx.msk [tilespmem:v62+s17+$0x0], $0xffff  }
0xf5: {  	v28 =	vld.idx.msk [tilespmem:v63+s17+$0x0], $0xffff;
	_ =	sdelay $0x3  }
0xf6: {  	v1 =	vadd.f32 v2, v1;
	v2 =	vadd.f32 v4, v3  }
0xf7: {  	v3 =	vadd.f32 v6, v5;
	v4 =	vadd.f32 v28, v7;
	_ =	sdelay $0x1  }
0xf8: {  	v1 =	vadd.f32 v2, v1;
	v2 =	vadd.f32 v4, v3;
	v3 =	vor.u32 $0x400, v0  }
0xf9: {  	v4 =	vor.u32 $0x401, v0  }
0xfa: {  	v5 =	vor.u32 $0x403, v0;
	v1 =	vadd.f32 v2, v1  }
0xfb: {  	v6 =	vor.u32 $0x405, v0  }
0xfc: {  	v7 =	vor.u32 $0x406, v0;
	[tilespmem:$0x770] =	vst v1  }
0xfd: {  	v29 =	vor.u32 $0x407, v0;
	v3 =	vld.idx.msk [tilespmem:v3+s17+$0x0], $0xffff  }
0xfe: {  	v2 =	vor.u32 $0x402, v0;
	v4 =	vld.idx.msk [tilespmem:v4+s17+$0x0], $0xffff  }
0xff: {  	v1 =	vor.u32 $0x404, v0;
	v5 =	vld.idx.msk [tilespmem:v5+s17+$0x0], $0xffff  }
0x100: {  	v6 =	vld.idx.msk [tilespmem:v6+s17+$0x0], $0xffff  }
0x101: {  	v7 =	vld.idx.msk [tilespmem:v7+s17+$0x0], $0xffff  }
0x102: {  	v8 =	vld.idx.msk [tilespmem:v29+s17+$0x0], $0xffff  }
0x103: {  	v2 =	vld.idx.msk [tilespmem:v2+s17+$0x0], $0xffff  }
0x104: {  	v1 =	vld.idx.msk [tilespmem:v1+s17+$0x0], $0xffff;
	_ =	sdelay $0x3  }
0x105: {  	v3 =	vadd.f32 v4, v3;
	v4 =	vadd.f32 v8, v7  }
0x106: {  	v2 =	vadd.f32 v5, v2;
	v1 =	vadd.f32 v6, v1;
	_ =	sdelay $0x1  }
0x107: {  	v2 =	vadd.f32 v2, v3;
	v3 =	vor.u32 $0x480, v0;
	v1 =	vadd.f32 v4, v1  }
0x108: {  	v4 =	vor.u32 $0x481, v0  }
0x109: {  	v5 =	vor.u32 $0x483, v0;
	v1 =	vadd.f32 v1, v2  }
0x10a: {  	v6 =	vor.u32 $0x485, v0  }
0x10b: {  	v7 =	vor.u32 $0x486, v0;
	[tilespmem:$0x780] =	vst v1  }
0x10c: {  	v30 =	vor.u32 $0x487, v0;
	v3 =	vld.idx.msk [tilespmem:v3+s17+$0x0], $0xffff  }
0x10d: {  	v2 =	vor.u32 $0x482, v0;
	v4 =	vld.idx.msk [tilespmem:v4+s17+$0x0], $0xffff  }
0x10e: {  	v1 =	vor.u32 $0x484, v0;
	v5 =	vld.idx.msk [tilespmem:v5+s17+$0x0], $0xffff  }
0x10f: {  	v6 =	vld.idx.msk [tilespmem:v6+s17+$0x0], $0xffff  }
0x110: {  	v7 =	vld.idx.msk [tilespmem:v7+s17+$0x0], $0xffff  }
0x111: {  	v8 =	vld.idx.msk [tilespmem:v30+s17+$0x0], $0xffff  }
0x112: {  	v2 =	vld.idx.msk [tilespmem:v2+s17+$0x0], $0xffff  }
0x113: {  	v1 =	vld.idx.msk [tilespmem:v1+s17+$0x0], $0xffff;
	_ =	sdelay $0x3  }
0x114: {  	v3 =	vadd.f32 v4, v3;
	v4 =	vadd.f32 v8, v7  }
0x115: {  	v2 =	vadd.f32 v5, v2;
	v1 =	vadd.f32 v6, v1;
	_ =	sdelay $0x1  }
0x116: {  	v2 =	vadd.f32 v2, v3;
	v3 =	vor.u32 $0x500, v0;
	v1 =	vadd.f32 v4, v1  }
0x117: {  	v4 =	vor.u32 $0x501, v0  }
0x118: {  	v5 =	vor.u32 $0x503, v0;
	v1 =	vadd.f32 v1, v2  }
0x119: {  	v6 =	vor.u32 $0x505, v0  }
0x11a: {  	v7 =	vor.u32 $0x506, v0;
	[tilespmem:$0x790] =	vst v1  }
0x11b: {  	v31 =	vor.u32 $0x507, v0;
	v3 =	vld.idx.msk [tilespmem:v3+s17+$0x0], $0xffff  }
0x11c: {  	v2 =	vor.u32 $0x502, v0;
	v4 =	vld.idx.msk [tilespmem:v4+s17+$0x0], $0xffff  }
0x11d: {  	v1 =	vor.u32 $0x504, v0;
	v5 =	vld.idx.msk [tilespmem:v5+s17+$0x0], $0xffff  }
0x11e: {  	v6 =	vld.idx.msk [tilespmem:v6+s17+$0x0], $0xffff  }
0x11f: {  	v7 =	vld.idx.msk [tilespmem:v7+s17+$0x0], $0xffff  }
0x120: {  	v8 =	vld.idx.msk [tilespmem:v31+s17+$0x0], $0xffff  }
0x121: {  	v2 =	vld.idx.msk [tilespmem:v2+s17+$0x0], $0xffff  }
0x122: {  	v1 =	vld.idx.msk [tilespmem:v1+s17+$0x0], $0xffff;
	_ =	sdelay $0x3  }
0x123: {  	v3 =	vadd.f32 v4, v3;
	v4 =	vadd.f32 v8, v7  }
0x124: {  	v2 =	vadd.f32 v5, v2;
	v1 =	vadd.f32 v6, v1;
	_ =	sdelay $0x1  }
0x125: {  	v2 =	vadd.f32 v2, v3;
	v3 =	vor.u32 $0x580, v0;
	v1 =	vadd.f32 v4, v1  }
0x126: {  	v4 =	vor.u32 $0x581, v0  }
0x127: {  	v5 =	vor.u32 $0x583, v0;
	v1 =	vadd.f32 v1, v2  }
0x128: {  	v6 =	vor.u32 $0x585, v0  }
0x129: {  	v7 =	vor.u32 $0x586, v0;
	[tilespmem:$0x7A0] =	vst v1  }
0x12a: {  	v32 =	vor.u32 $0x587, v0;
	v3 =	vld.idx.msk [tilespmem:v3+s17+$0x0], $0xffff  }
0x12b: {  	v2 =	vor.u32 $0x582, v0;
	v4 =	vld.idx.msk [tilespmem:v4+s17+$0x0], $0xffff  }
0x12c: {  	v1 =	vor.u32 $0x584, v0;
	v5 =	vld.idx.msk [tilespmem:v5+s17+$0x0], $0xffff  }
0x12d: {  	v6 =	vld.idx.msk [tilespmem:v6+s17+$0x0], $0xffff  }
0x12e: {  	v7 =	vld.idx.msk [tilespmem:v7+s17+$0x0], $0xffff  }
0x12f: {  	v8 =	vld.idx.msk [tilespmem:v32+s17+$0x0], $0xffff  }
0x130: {  	v2 =	vld.idx.msk [tilespmem:v2+s17+$0x0], $0xffff  }
0x131: {  	v1 =	vld.idx.msk [tilespmem:v1+s17+$0x0], $0xffff;
	_ =	sdelay $0x3  }
0x132: {  	v3 =	vadd.f32 v4, v3;
	v4 =	vadd.f32 v8, v7  }
0x133: {  	v2 =	vadd.f32 v5, v2;
	v1 =	vadd.f32 v6, v1;
	_ =	sdelay $0x1  }
0x134: {  	v2 =	vadd.f32 v2, v3;
	v1 =	vadd.f32 v4, v1;
	_ =	sdelay $0x1  }
0x135: {  	v1 =	vadd.f32 v1, v2;
	_ =	sdelay $0x1  }
0x136: {  	s2 =	simm.s32 $0x700;
	s0 =	rddreg [dreg:$0x8];
	[tilespmem:$0x7B0] =	vst v1  }
0x137: {  	[spmem:s0] =	stream.linear.scatter [tilespmem:s2], [sflag:$0x7], $0xC0, $0x38;
	[tilespmem:$0x113C0] =	vst v63  }
0x138: {  	_ =	swait.ge [sflag:s21], $0xC0  }
0x139: {  	[sflag:s21] =	ssyncset.done $0x0  }
0x13a: {  	[sflag:s21] =	ssyncadd.s32 $0xFFFFFF40  }
0x13b: {  	[bflag:$0x0] =	sbarrier.arrive $0xFFFF  }
0x13c: {  	s0 =	rddreg [dreg:$0x4]  }
0x13d: {  	[tilespmem:s2], [sflag:$0x7] =	stream.linear.gather [spmem:s0], $0xC00, $0x38;
	[tilespmem:$0x113C0] =	vst v63  }
0x13e: {  	_ =	swait.ge [sflag:s21], $0xC00  }
0x13f: {  	[sflag:s21] =	ssyncset.done $0x0  }
0x140: {  	[sflag:s21] =	ssyncadd.s32 $0xFFFFF400  }
0x141: {  	_ =	swait.ge [sflag:s31], $0x80  }
0x142: {  	[sflag:s31] =	ssyncset.done $0x0  }
0x143: {  	[sflag:s31] =	ssyncadd.s32 $0xFFFFFF80  }
0x144: {  	[tilespmem:s14], [sflag:$0x4] =	stream.strided.gather [hbm4b:s8+s18], $0x400, s19, s18, $0x38;
	[tilespmem:$0x113C0] =	vst v63  }
0x145: {  	s14 =	sadd.s32 $0x10, s8  }
0x146: {  	[tilespmem:s15], [sflag:$0x4] =	stream.strided.gather [hbm4b:s14+s18], $0x400, s19, s18, $0x38;
	[tilespmem:$0x113C0] =	vst v63  }
0x147: {  	s15 =	sadd.s32 $0x20, s8  }
0x148: {  	[tilespmem:s22], [sflag:$0x4] =	stream.strided.gather [hbm4b:s15+s18], $0x400, s19, s18, $0x38;
	[tilespmem:$0x113C0] =	vst v63  }
0x149: {  	s2 =	sadd.s32 $0x30, s8  }
0x14a: {  	[tilespmem:s23], [sflag:$0x4] =	stream.strided.gather [hbm4b:s2+s18], $0x400, s19, s18, $0x38;
	[tilespmem:$0x113C0] =	vst v63  }
0x14b: {  	s14 =	sadd.s32 $0x200, s8  }
0x14c: {  	[tilespmem:s30], [sflag:$0x4] =	stream.strided.gather [hbm4b:s14+s18], $0x400, s19, s18, $0x38;
	[tilespmem:$0x113C0] =	vst v63  }
0x14d: {  	s1 =	simm.s32 $0xA7C0;
	s15 =	sadd.s32 $0x210, s8  }
0x14e: {  	[tilespmem:s1], [sflag:$0x4] =	stream.strided.gather [hbm4b:s15+s18], $0x400, s19, s18, $0x38;
	[tilespmem:$0x113C0] =	vst v63  }
0x14f: {  	s22 =	simm.s32 $0xABC0;
	s23 =	sadd.s32 $0x220, s8  }
0x150: {  	[tilespmem:s22], [sflag:$0x4] =	stream.strided.gather [hbm4b:s23+s18], $0x400, s19, s18, $0x38;
	[tilespmem:$0x113C0] =	vst v63  }
0x151: {  	s0 =	simm.s32 $0xAFC0;
	s2 =	sadd.s32 $0x230, s8  }
0x152: {  	[tilespmem:s0], [sflag:$0x4] =	stream.strided.gather [hbm4b:s2+s18], $0x400, s19, s18, $0x38;
	[tilespmem:$0x113C0] =	vst v63  }
0x153: {  	s14 =	simm.s32 $0xB3C0;
	s15 =	sadd.s32 $0x400, s8  }
0x154: {  	[tilespmem:s14], [sflag:$0x4] =	stream.strided.gather [hbm4b:s15+s18], $0x400, s19, s18, $0x38;
	[tilespmem:$0x113C0] =	vst v63  }
0x155: {  	s22 =	simm.s32 $0xB7C0;
	s23 =	sadd.s32 $0x410, s8  }
0x156: {  	[tilespmem:s22], [sflag:$0x4] =	stream.strided.gather [hbm4b:s23+s18], $0x400, s19, s18, $0x38;
	[tilespmem:$0x113C0] =	vst v63  }
0x157: {  	s0 =	simm.s32 $0xBBC0;
	s2 =	sadd.s32 $0x420, s8  }
0x158: {  	[tilespmem:s0], [sflag:$0x4] =	stream.strided.gather [hbm4b:s2+s18], $0x400, s19, s18, $0x38;
	[tilespmem:$0x113C0] =	vst v63  }
0x159: {  	s14 =	simm.s32 $0xBFC0;
	s15 =	sadd.s32 $0x430, s8  }
0x15a: {  	[tilespmem:s14], [sflag:$0x4] =	stream.strided.gather [hbm4b:s15+s18], $0x400, s19, s18, $0x38;
	[tilespmem:$0x113C0] =	vst v63  }
0x15b: {  	s22 =	simm.s32 $0xC3C0;
	s23 =	sadd.s32 $0x600, s8  }
0x15c: {  	[tilespmem:s22], [sflag:$0x4] =	stream.strided.gather [hbm4b:s23+s18], $0x400, s19, s18, $0x38;
	[tilespmem:$0x113C0] =	vst v63  }
0x15d: {  	s0 =	simm.s32 $0xC7C0;
	s2 =	sadd.s32 $0x610, s8  }
0x15e: {  	[tilespmem:s0], [sflag:$0x4] =	stream.strided.gather [hbm4b:s2+s18], $0x400, s19, s18, $0x38;
	[tilespmem:$0x113C0] =	vst v63  }
0x15f: {  	s14 =	simm.s32 $0xCBC0;
	s15 =	sadd.s32 $0x620, s8  }
0x160: {  	[tilespmem:s14], [sflag:$0x4] =	stream.strided.gather [hbm4b:s15+s18], $0x400, s19, s18, $0x38;
	[tilespmem:$0x113C0] =	vst v63  }
0x161: {  	s22 =	simm.s32 $0xCFC0;
	s23 =	sadd.s32 $0x630, s8  }
0x162: {  	[tilespmem:s22], [sflag:$0x4] =	stream.strided.gather [hbm4b:s23+s18], $0x400, s19, s18, $0x38;
	[tilespmem:$0x113C0] =	vst v63  }
0x163: {  	s0 =	simm.s32 $0xD3C0;
	s2 =	sadd.s32 $0x800, s8  }
0x164: {  	[tilespmem:s0], [sflag:$0x4] =	stream.strided.gather [hbm4b:s2+s18], $0x400, s19, s18, $0x38;
	[tilespmem:$0x113C0] =	vst v63  }
0x165: {  	s14 =	simm.s32 $0xD7C0;
	s15 =	sadd.s32 $0x810, s8  }
0x166: {  	[tilespmem:s14], [sflag:$0x4] =	stream.strided.gather [hbm4b:s15+s18], $0x400, s19, s18, $0x38;
	[tilespmem:$0x113C0] =	vst v63  }
0x167: {  	s22 =	simm.s32 $0xDBC0;
	s23 =	sadd.s32 $0x820, s8  }
0x168: {  	[tilespmem:s22], [sflag:$0x4] =	stream.strided.gather [hbm4b:s23+s18], $0x400, s19, s18, $0x38;
	[tilespmem:$0x113C0] =	vst v63  }
0x169: {  	s0 =	simm.s32 $0xDFC0;
	s2 =	sadd.s32 $0x830, s8  }
0x16a: {  	[tilespmem:s0], [sflag:$0x4] =	stream.strided.gather [hbm4b:s2+s18], $0x400, s19, s18, $0x38;
	[tilespmem:$0x113C0] =	vst v63  }
0x16b: {  	s14 =	simm.s32 $0xE3C0;
	s15 =	sadd.s32 $0xA00, s8  }
0x16c: {  	[tilespmem:s14], [sflag:$0x4] =	stream.strided.gather [hbm4b:s15+s18], $0x400, s19, s18, $0x38;
	[tilespmem:$0x113C0] =	vst v63  }
0x16d: {  	s22 =	simm.s32 $0xE7C0;
	s23 =	sadd.s32 $0xA10, s8  }
0x16e: {  	[tilespmem:s22], [sflag:$0x4] =	stream.strided.gather [hbm4b:s23+s18], $0x400, s19, s18, $0x38;
	[tilespmem:$0x113C0] =	vst v63  }
0x16f: {  	s0 =	simm.s32 $0xEBC0;
	s2 =	sadd.s32 $0xA20, s8  }
0x170: {  	[tilespmem:s0], [sflag:$0x4] =	stream.strided.gather [hbm4b:s2+s18], $0x400, s19, s18, $0x38;
	[tilespmem:$0x113C0] =	vst v63  }
0x171: {  	s14 =	simm.s32 $0xEFC0;
	s15 =	sadd.s32 $0xA30, s8  }
0x172: {  	[tilespmem:s14], [sflag:$0x4] =	stream.strided.gather [hbm4b:s15+s18], $0x400, s19, s18, $0x38;
	[tilespmem:$0x113C0] =	vst v63  }
0x173: {  	s22 =	simm.s32 $0xF3C0;
	s23 =	sadd.s32 $0xC00, s8  }
0x174: {  	[tilespmem:s22], [sflag:$0x4] =	stream.strided.gather [hbm4b:s23+s18], $0x400, s19, s18, $0x38;
	[tilespmem:$0x113C0] =	vst v63  }
0x175: {  	s2 =	sadd.s32 $0xC10, s8  }
0x176: {  	[tilespmem:s24], [sflag:$0x4] =	stream.strided.gather [hbm4b:s2+s18], $0x400, s19, s18, $0x38;
	[tilespmem:$0x113C0] =	vst v63  }
0x177: {  	s14 =	sadd.s32 $0xC20, s8  }
0x178: {  	[tilespmem:s4], [sflag:$0x4] =	stream.strided.gather [hbm4b:s14+s18], $0x400, s19, s18, $0x38;
	[tilespmem:$0x113C0] =	vst v63  }
0x179: {  	s15 =	sadd.s32 $0xC30, s8  }
0x17a: {  	[tilespmem:s25], [sflag:$0x4] =	stream.strided.gather [hbm4b:s15+s18], $0x400, s19, s18, $0x38;
	[tilespmem:$0x113C0] =	vst v63  }
0x17b: {  	s22 =	sadd.s32 $0xE00, s8  }
0x17c: {  	[tilespmem:s5], [sflag:$0x4] =	stream.strided.gather [hbm4b:s22+s18], $0x400, s19, s18, $0x38;
	[tilespmem:$0x113C0] =	vst v63  }
0x17d: {  	s23 =	sadd.s32 $0xE10, s8  }
0x17e: {  	[tilespmem:s26], [sflag:$0x4] =	stream.strided.gather [hbm4b:s23+s18], $0x400, s19, s18, $0x38;
	[tilespmem:$0x113C0] =	vst v63  }
0x17f: {  	s1 =	sadd.s32 $0xE20, s8  }
0x180: {  	[tilespmem:s7], [sflag:$0x4] =	stream.strided.gather [hbm4b:s1+s18], $0x400, s19, s18, $0x38;
	[tilespmem:$0x113C0] =	vst v63  }
0x181: {  	s2 =	sadd.s32 $0xE30, s8  }
0x182: {  	[tilespmem:s28], [sflag:$0x4] =	stream.strided.gather [hbm4b:s2+s18], $0x400, s19, s18, $0x38;
	[tilespmem:$0x113C0] =	vst v63  }
0x183: {  	_ =	swait.ge [sflag:s11], $0x8000  }
0x184: {  	[sflag:s11] =	ssyncset.done $0x0  }
0x185: {  	[sflag:s11] =	ssyncadd.s32 $0xFFFF8000  }
0x186: {  	v1 =	vld [tilespmem:s3+$0x0];
	_ =	sdelay $0x4  }
0x187: {  	(v2sf) =	vpush v1, $0x0;
	_ =	sdelay $0xe  }
0x188: {  	s14 =	spop (v2sf)  }
0x189: {  	s0 =	sshll.u32 s14, $0xB  }
0x18a: {  	s0 =	sshra.s32 s0, $0x2  }
0x18b: {  	v1 =	vld [tilespmem:s0+$0x700]  }
0x18c: {  	v2 =	vld [tilespmem:s0+$0x710]  }
0x18d: {  	v3 =	vld [tilespmem:s0+$0x720]  }
0x18e: {  	v4 =	vld [tilespmem:s0+$0x730]  }
0x18f: {  	v5 =	vld [tilespmem:s0+$0x740]  }
0x190: {  	v6 =	vld [tilespmem:s0+$0x750]  }
0x191: {  	v7 =	vld [tilespmem:s0+$0x760]  }
0x192: {  	v8 =	vld [tilespmem:s0+$0x770]  }
0x193: {  	v9 =	vld [tilespmem:s0+$0x780]  }
0x194: {  	v10 =	vld [tilespmem:s0+$0x790]  }
0x195: {  	v11 =	vld [tilespmem:s0+$0x7A0]  }
0x196: {  	v12 =	vld [tilespmem:s0+$0x7B0]  }
0x197: {  	v13 =	vld [tilespmem:s0+$0x7C0]  }
0x198: {  	v14 =	vld [tilespmem:s0+$0x7D0]  }
0x199: {  	v15 =	vld [tilespmem:s0+$0x7E0]  }
0x19a: {  	v16 =	vld [tilespmem:s0+$0x7F0]  }
0x19b: {  	v17 =	vld [tilespmem:s0+$0x800]  }
0x19c: {  	v18 =	vld [tilespmem:s0+$0x810]  }
0x19d: {  	v19 =	vld [tilespmem:s0+$0x820]  }
0x19e: {  	v20 =	vld [tilespmem:s0+$0x830]  }
0x19f: {  	v21 =	vld [tilespmem:s0+$0x840]  }
0x1a0: {  	v22 =	vld [tilespmem:s0+$0x850]  }
0x1a1: {  	v23 =	vld [tilespmem:s0+$0x860]  }
0x1a2: {  	v24 =	vld [tilespmem:s0+$0x870]  }
0x1a3: {  	v25 =	vld [tilespmem:s0+$0x880]  }
0x1a4: {  	v26 =	vld [tilespmem:s0+$0x890]  }
0x1a5: {  	v27 =	vld [tilespmem:s0+$0x8A0]  }
0x1a6: {  	v28 =	vld [tilespmem:s0+$0x8F0]  }
0x1a7: {  	v29 =	vld [tilespmem:s0+$0x8B0]  }
0x1a8: {  	v30 =	vld [tilespmem:s0+$0x8C0]  }
0x1a9: {  	s15 =	sand.u32 $0x7000, s3;
	s22 =	sand.u32 $0x380, s3;
	v31 =	vld [tilespmem:s0+$0x8D0]  }
0x1aa: {  	s15 =	sor.u32 s22, s15;
	v32 =	vld [tilespmem:s0+$0x8E0]  }
0x1ab: {  	[tilespmem:s15+$0x2030] =	vst.add.f32.msk $0xffff, v28  }
0x1ac: {  	[tilespmem:s15+$0x13C0] =	vst.add.f32.msk $0xffff, v1  }
0x1ad: {  	[tilespmem:s15+$0x13D0] =	vst.add.f32.msk $0xffff, v2  }
0x1ae: {  	[tilespmem:s15+$0x13E0] =	vst.add.f32.msk $0xffff, v3  }
0x1af: {  	[tilespmem:s15+$0x13F0] =	vst.add.f32.msk $0xffff, v4  }
0x1b0: {  	[tilespmem:s15+$0x1400] =	vst.add.f32.msk $0xffff, v5  }
0x1b1: {  	[tilespmem:s15+$0x1410] =	vst.add.f32.msk $0xffff, v6  }
0x1b2: {  	[tilespmem:s15+$0x1420] =	vst.add.f32.msk $0xffff, v7  }
0x1b3: {  	[tilespmem:s15+$0x1430] =	vst.add.f32.msk $0xffff, v8  }
0x1b4: {  	s14 =	simm.s32 $0x1;
	[tilespmem:s15+$0x17C0] =	vst.add.f32.msk $0xffff, v9  }
0x1b5: {  	v1 =	vld [tilespmem:s14+$0x0]  }
0x1b6: {  	[tilespmem:s15+$0x17D0] =	vst.add.f32.msk $0xffff, v10  }
0x1b7: {  	[tilespmem:s15+$0x17E0] =	vst.add.f32.msk $0xffff, v11  }
0x1b8: {  	[tilespmem:s15+$0x17F0] =	vst.add.f32.msk $0xffff, v12  }
0x1b9: {  	[tilespmem:s15+$0x1800] =	vst.add.f32.msk $0xffff, v13  }
0x1ba: {  	[tilespmem:s15+$0x1810] =	vst.add.f32.msk $0xffff, v14;
	(v2sf) =	vpush v1, $0x0  }
0x1bb: {  	[tilespmem:s15+$0x1820] =	vst.add.f32.msk $0xffff, v15  }
0x1bc: {  	[tilespmem:s15+$0x1830] =	vst.add.f32.msk $0xffff, v16  }
0x1bd: {  	[tilespmem:s15+$0x1BC0] =	vst.add.f32.msk $0xffff, v17  }
0x1be: {  	[tilespmem:s15+$0x1BD0] =	vst.add.f32.msk $0xffff, v18  }
0x1bf: {  	[tilespmem:s15+$0x1BE0] =	vst.add.f32.msk $0xffff, v19  }
0x1c0: {  	[tilespmem:s15+$0x1BF0] =	vst.add.f32.msk $0xffff, v20  }
0x1c1: {  	[tilespmem:s15+$0x1C00] =	vst.add.f32.msk $0xffff, v21  }
0x1c2: {  	[tilespmem:s15+$0x1C10] =	vst.add.f32.msk $0xffff, v22  }
0x1c3: {  	[tilespmem:s15+$0x1C20] =	vst.add.f32.msk $0xffff, v23  }
0x1c4: {  	[tilespmem:s15+$0x1C30] =	vst.add.f32.msk $0xffff, v24  }
0x1c5: {  	[tilespmem:s15+$0x1FC0] =	vst.add.f32.msk $0xffff, v25  }
0x1c6: {  	[tilespmem:s15+$0x1FD0] =	vst.add.f32.msk $0xffff, v26  }
0x1c7: {  	[tilespmem:s15+$0x1FE0] =	vst.add.f32.msk $0xffff, v27  }
0x1c8: {  	[tilespmem:s15+$0x1FF0] =	vst.add.f32.msk $0xffff, v29  }
0x1c9: {  	[tilespmem:s15+$0x2000] =	vst.add.f32.msk $0xffff, v30;
	s23 =	spop (v2sf)  }
0x1ca: {  	[tilespmem:s15+$0x2010] =	vst.add.f32.msk $0xffff, v31;
	s0 =	sshll.u32 s23, $0xB  }
0x1cb: {  	[tilespmem:s15+$0x2020] =	vst.add.f32.msk $0xffff, v32;
	s0 =	sshra.s32 s0, $0x2  }
0x1cc: {  	v1 =	vld [tilespmem:s0+$0x700]  }
0x1cd: {  	v2 =	vld [tilespmem:s0+$0x710]  }
0x1ce: {  	v3 =	vld [tilespmem:s0+$0x720]  }
0x1cf: {  	v4 =	vld [tilespmem:s0+$0x730]  }
0x1d0: {  	s30 =	simm.s32 $0x0;
	s22 =	simm.s32 $0x400;
	s15 =	simm.s32 $0x200;
	v5 =	vld [tilespmem:s0+$0x740]  }
.LBB2_2:
0x1d1: {  	p0 =	sne.s32 s22, $0x7E00;
	v6 =	vld [tilespmem:s0+$0x750]  }
0x1d2: {  	v7 =	vld [tilespmem:s0+$0x760]  }
0x1d3: {  	v8 =	vld [tilespmem:s0+$0x770]  }
0x1d4: {  	v9 =	vld [tilespmem:s0+$0x780]  }
0x1d5: {  	v10 =	vld [tilespmem:s0+$0x790]  }
0x1d6: {  	v11 =	vld [tilespmem:s0+$0x7A0]  }
0x1d7: {  	v12 =	vld [tilespmem:s0+$0x7B0]  }
0x1d8: {  	v13 =	vld [tilespmem:s0+$0x7C0]  }
0x1d9: {  	v14 =	vld [tilespmem:s0+$0x7D0]  }
0x1da: {  	v15 =	vld [tilespmem:s0+$0x7E0]  }
0x1db: {  	v16 =	vld [tilespmem:s0+$0x7F0]  }
0x1dc: {  	v17 =	vld [tilespmem:s0+$0x800]  }
0x1dd: {  	v18 =	vld [tilespmem:s0+$0x810]  }
0x1de: {  	v19 =	vld [tilespmem:s0+$0x820]  }
0x1df: {  	v20 =	vld [tilespmem:s0+$0x830]  }
0x1e0: {  	v21 =	vld [tilespmem:s0+$0x840]  }
0x1e1: {  	v22 =	vld [tilespmem:s0+$0x850]  }
0x1e2: {  	v23 =	vld [tilespmem:s0+$0x860]  }
0x1e3: {  	v24 =	vld [tilespmem:s0+$0x870]  }
0x1e4: {  	v25 =	vld [tilespmem:s0+$0x880]  }
0x1e5: {  	v26 =	vld [tilespmem:s0+$0x890]  }
0x1e6: {  	v27 =	vld [tilespmem:s0+$0x8A0]  }
0x1e7: {  	v28 =	vld [tilespmem:s0+$0x8F0]  }
0x1e8: {  	v29 =	vld [tilespmem:s0+$0x8B0]  }
0x1e9: {  	s30 =	sadd.s32 $0x80, s30;
	v30 =	vld [tilespmem:s0+$0x8C0]  }
0x1ea: {  	s23 =	sand.u32 $0x7000, s15;
	s15 =	smov.u32 s22;
	s2 =	sand.u32 $0x380, s30;
	v31 =	vld [tilespmem:s0+$0x8D0]  }
0x1eb: {  	s23 =	sor.u32 s2, s23;
	v32 =	vld [tilespmem:s0+$0x8E0]  }
0x1ec: {  	[tilespmem:s23+$0x2030] =	vst.add.f32.msk $0xffff, v28  }
0x1ed: {  	[tilespmem:s23+$0x13C0] =	vst.add.f32.msk $0xffff, v1  }
0x1ee: {  	[tilespmem:s23+$0x13D0] =	vst.add.f32.msk $0xffff, v2  }
0x1ef: {  	[tilespmem:s23+$0x13E0] =	vst.add.f32.msk $0xffff, v3  }
0x1f0: {  	[tilespmem:s23+$0x13F0] =	vst.add.f32.msk $0xffff, v4  }
0x1f1: {  	[tilespmem:s23+$0x1400] =	vst.add.f32.msk $0xffff, v5  }
0x1f2: {  	[tilespmem:s23+$0x1410] =	vst.add.f32.msk $0xffff, v6  }
0x1f3: {  	[tilespmem:s23+$0x1420] =	vst.add.f32.msk $0xffff, v7  }
0x1f4: {  	[tilespmem:s23+$0x1430] =	vst.add.f32.msk $0xffff, v8  }
0x1f5: {  	s14 =	sadd.s32 $0x1, s14;
	[tilespmem:s23+$0x17C0] =	vst.add.f32.msk $0xffff, v9  }
0x1f6: {  	v1 =	vld [tilespmem:s14+$0x0]  }
0x1f7: {  	[tilespmem:s23+$0x17D0] =	vst.add.f32.msk $0xffff, v10  }
0x1f8: {  	[tilespmem:s23+$0x17E0] =	vst.add.f32.msk $0xffff, v11  }
0x1f9: {  	[tilespmem:s23+$0x17F0] =	vst.add.f32.msk $0xffff, v12  }
0x1fa: {  	[tilespmem:s23+$0x1800] =	vst.add.f32.msk $0xffff, v13  }
0x1fb: {  	(v2sf) =	vpush v1, $0x0;
	[tilespmem:s23+$0x1810] =	vst.add.f32.msk $0xffff, v14  }
0x1fc: {  	[tilespmem:s23+$0x1820] =	vst.add.f32.msk $0xffff, v15  }
0x1fd: {  	[tilespmem:s23+$0x1830] =	vst.add.f32.msk $0xffff, v16  }
0x1fe: {  	[tilespmem:s23+$0x1BC0] =	vst.add.f32.msk $0xffff, v17  }
0x1ff: {  	[tilespmem:s23+$0x1BD0] =	vst.add.f32.msk $0xffff, v18  }
0x200: {  	[tilespmem:s23+$0x1BE0] =	vst.add.f32.msk $0xffff, v19  }
0x201: {  	[tilespmem:s23+$0x1BF0] =	vst.add.f32.msk $0xffff, v20  }
0x202: {  	[tilespmem:s23+$0x1C00] =	vst.add.f32.msk $0xffff, v21  }
0x203: {  	[tilespmem:s23+$0x1C10] =	vst.add.f32.msk $0xffff, v22  }
0x204: {  	[tilespmem:s23+$0x1C20] =	vst.add.f32.msk $0xffff, v23  }
0x205: {  	[tilespmem:s23+$0x1C30] =	vst.add.f32.msk $0xffff, v24  }
0x206: {  	[tilespmem:s23+$0x1FC0] =	vst.add.f32.msk $0xffff, v25  }
0x207: {  	[tilespmem:s23+$0x1FD0] =	vst.add.f32.msk $0xffff, v26  }
0x208: {  	[tilespmem:s23+$0x1FE0] =	vst.add.f32.msk $0xffff, v27  }
0x209: {  	[tilespmem:s23+$0x1FF0] =	vst.add.f32.msk $0xffff, v29  }
0x20a: {  	s0 =	spop (v2sf);
	[tilespmem:s23+$0x2000] =	vst.add.f32.msk $0xffff, v30  }
0x20b: {  	s0 =	sshll.u32 s0, $0xB;
	[tilespmem:s23+$0x2010] =	vst.add.f32.msk $0xffff, v31  }
0x20c: {  	s0 =	sshra.s32 s0, $0x2;
	[tilespmem:s23+$0x2020] =	vst.add.f32.msk $0xffff, v32  }
.Ltmp0:
0x20d: {  	v1 =	vld [tilespmem:s0+$0x700];
	(pc) =	sbr.rel @p0 .LBB2_2-.Ltmp0, $4  }
0x20e: {  	v2 =	vld [tilespmem:s0+$0x710]  }
0x20f: {  	v3 =	vld [tilespmem:s0+$0x720]  }
0x210: {  	v4 =	vld [tilespmem:s0+$0x730]  }
0x211: {  	s22 =	sadd.s32 $0x200, s22;
	v5 =	vld [tilespmem:s0+$0x740]  }
0x212: {  	v6 =	vld [tilespmem:s0+$0x750]  }
0x213: {  	v7 =	vld [tilespmem:s0+$0x760]  }
0x214: {  	v8 =	vld [tilespmem:s0+$0x770]  }
0x215: {  	v9 =	vld [tilespmem:s0+$0x780]  }
0x216: {  	v10 =	vld [tilespmem:s0+$0x790]  }
0x217: {  	v11 =	vld [tilespmem:s0+$0x7A0]  }
0x218: {  	v12 =	vld [tilespmem:s0+$0x7B0]  }
0x219: {  	v13 =	vld [tilespmem:s0+$0x7C0]  }
0x21a: {  	v14 =	vld [tilespmem:s0+$0x7D0]  }
0x21b: {  	v15 =	vld [tilespmem:s0+$0x7E0]  }
0x21c: {  	v16 =	vld [tilespmem:s0+$0x7F0]  }
0x21d: {  	v17 =	vld [tilespmem:s0+$0x800]  }
0x21e: {  	v18 =	vld [tilespmem:s0+$0x810]  }
0x21f: {  	v19 =	vld [tilespmem:s0+$0x820]  }
0x220: {  	v20 =	vld [tilespmem:s0+$0x830]  }
0x221: {  	v21 =	vld [tilespmem:s0+$0x840]  }
0x222: {  	v22 =	vld [tilespmem:s0+$0x850]  }
0x223: {  	v23 =	vld [tilespmem:s0+$0x860]  }
0x224: {  	v24 =	vld [tilespmem:s0+$0x870]  }
0x225: {  	v25 =	vld [tilespmem:s0+$0x880]  }
0x226: {  	v26 =	vld [tilespmem:s0+$0x890]  }
0x227: {  	v27 =	vld [tilespmem:s0+$0x8A0]  }
0x228: {  	v28 =	vld [tilespmem:s0+$0x8F0]  }
0x229: {  	v29 =	vld [tilespmem:s0+$0x8B0]  }
0x22a: {  	v30 =	vld [tilespmem:s0+$0x8C0];
	s2 =	sadd.s32 $0x80, s30  }
0x22b: {  	v31 =	vld [tilespmem:s0+$0x8D0];
	s14 =	sand.u32 $0x7000, s15;
	s2 =	sand.u32 $0x380, s2  }
0x22c: {  	v32 =	vld [tilespmem:s0+$0x8E0];
	s15 =	sor.u32 s2, s14  }
0x22d: {  	[tilespmem:s15+$0x13C0] =	vst.add.f32.msk $0xffff, v1  }
0x22e: {  	[tilespmem:s15+$0x13D0] =	vst.add.f32.msk $0xffff, v2  }
0x22f: {  	[tilespmem:s15+$0x13E0] =	vst.add.f32.msk $0xffff, v3  }
0x230: {  	[tilespmem:s15+$0x13F0] =	vst.add.f32.msk $0xffff, v4  }
0x231: {  	[tilespmem:s15+$0x1400] =	vst.add.f32.msk $0xffff, v5  }
0x232: {  	[tilespmem:s15+$0x2030] =	vst.add.f32.msk $0xffff, v28  }
0x233: {  	[tilespmem:s15+$0x1410] =	vst.add.f32.msk $0xffff, v6  }
0x234: {  	[tilespmem:s15+$0x1420] =	vst.add.f32.msk $0xffff, v7  }
0x235: {  	[tilespmem:s15+$0x1430] =	vst.add.f32.msk $0xffff, v8  }
0x236: {  	[tilespmem:s15+$0x17C0] =	vst.add.f32.msk $0xffff, v9  }
0x237: {  	[tilespmem:s15+$0x17D0] =	vst.add.f32.msk $0xffff, v10  }
0x238: {  	[tilespmem:s15+$0x17E0] =	vst.add.f32.msk $0xffff, v11  }
0x239: {  	[tilespmem:s15+$0x17F0] =	vst.add.f32.msk $0xffff, v12  }
0x23a: {  	[tilespmem:s15+$0x1800] =	vst.add.f32.msk $0xffff, v13  }
0x23b: {  	[tilespmem:s15+$0x1810] =	vst.add.f32.msk $0xffff, v14  }
0x23c: {  	[tilespmem:s15+$0x1820] =	vst.add.f32.msk $0xffff, v15  }
0x23d: {  	[tilespmem:s15+$0x1830] =	vst.add.f32.msk $0xffff, v16  }
0x23e: {  	[tilespmem:s15+$0x1BC0] =	vst.add.f32.msk $0xffff, v17  }
0x23f: {  	[tilespmem:s15+$0x1BD0] =	vst.add.f32.msk $0xffff, v18  }
0x240: {  	[tilespmem:s15+$0x1BE0] =	vst.add.f32.msk $0xffff, v19  }
0x241: {  	[tilespmem:s15+$0x1BF0] =	vst.add.f32.msk $0xffff, v20  }
0x242: {  	[tilespmem:s15+$0x1C00] =	vst.add.f32.msk $0xffff, v21  }
0x243: {  	[tilespmem:s15+$0x1C10] =	vst.add.f32.msk $0xffff, v22  }
0x244: {  	[tilespmem:s15+$0x1C20] =	vst.add.f32.msk $0xffff, v23  }
0x245: {  	[tilespmem:s15+$0x1C30] =	vst.add.f32.msk $0xffff, v24  }
0x246: {  	[tilespmem:s15+$0x1FC0] =	vst.add.f32.msk $0xffff, v25  }
0x247: {  	[tilespmem:s15+$0x1FD0] =	vst.add.f32.msk $0xffff, v26  }
0x248: {  	[tilespmem:s15+$0x1FE0] =	vst.add.f32.msk $0xffff, v27  }
0x249: {  	[tilespmem:s15+$0x1FF0] =	vst.add.f32.msk $0xffff, v29  }
0x24a: {  	[tilespmem:s15+$0x2000] =	vst.add.f32.msk $0xffff, v30  }
0x24b: {  	[tilespmem:s15+$0x2010] =	vst.add.f32.msk $0xffff, v31  }
0x24c: {  	s22 =	simm.s32 $0x13C0;
	[tilespmem:s15+$0x2020] =	vst.add.f32.msk $0xffff, v32  }
0x24d: {  	[hbm4b:s9+s18] =	stream.strided.scatter [tilespmem:s22], [sflag:$0x5], $0x400, s19, s18, $0x38;
	[tilespmem:$0x113C0] =	vst v63  }
0x24e: {  	s23 =	sadd.s32 $0x10, s9;
	s1 =	simm.s32 $0x17C0  }
0x24f: {  	[hbm4b:s23+s18] =	stream.strided.scatter [tilespmem:s1], [sflag:$0x5], $0x400, s19, s18, $0x38;
	[tilespmem:$0x113C0] =	vst v63  }
0x250: {  	s2 =	sadd.s32 $0x20, s9;
	s14 =	simm.s32 $0x1BC0  }
0x251: {  	[hbm4b:s2+s18] =	stream.strided.scatter [tilespmem:s14], [sflag:$0x5], $0x400, s19, s18, $0x38;
	[tilespmem:$0x113C0] =	vst v63  }
0x252: {  	s15 =	sadd.s32 $0x30, s9;
	s22 =	simm.s32 $0x1FC0  }
0x253: {  	[hbm4b:s15+s18] =	stream.strided.scatter [tilespmem:s22], [sflag:$0x5], $0x400, s19, s18, $0x38;
	[tilespmem:$0x113C0] =	vst v63  }
0x254: {  	s23 =	sadd.s32 $0x200, s9;
	s1 =	simm.s32 $0x23C0  }
0x255: {  	[hbm4b:s23+s18] =	stream.strided.scatter [tilespmem:s1], [sflag:$0x5], $0x400, s19, s18, $0x38;
	[tilespmem:$0x113C0] =	vst v63  }
0x256: {  	s2 =	sadd.s32 $0x210, s9;
	s14 =	simm.s32 $0x27C0  }
0x257: {  	[hbm4b:s2+s18] =	stream.strided.scatter [tilespmem:s14], [sflag:$0x5], $0x400, s19, s18, $0x38;
	[tilespmem:$0x113C0] =	vst v63  }
0x258: {  	s15 =	sadd.s32 $0x220, s9;
	s22 =	simm.s32 $0x2BC0  }
0x259: {  	[hbm4b:s15+s18] =	stream.strided.scatter [tilespmem:s22], [sflag:$0x5], $0x400, s19, s18, $0x38;
	[tilespmem:$0x113C0] =	vst v63  }
0x25a: {  	s23 =	sadd.s32 $0x230, s9;
	s1 =	simm.s32 $0x2FC0  }
0x25b: {  	[hbm4b:s23+s18] =	stream.strided.scatter [tilespmem:s1], [sflag:$0x5], $0x400, s19, s18, $0x38;
	[tilespmem:$0x113C0] =	vst v63  }
0x25c: {  	s2 =	sadd.s32 $0x400, s9;
	s14 =	simm.s32 $0x33C0  }
0x25d: {  	[hbm4b:s2+s18] =	stream.strided.scatter [tilespmem:s14], [sflag:$0x5], $0x400, s19, s18, $0x38;
	[tilespmem:$0x113C0] =	vst v63  }
0x25e: {  	s15 =	sadd.s32 $0x410, s9;
	s22 =	simm.s32 $0x37C0  }
0x25f: {  	[hbm4b:s15+s18] =	stream.strided.scatter [tilespmem:s22], [sflag:$0x5], $0x400, s19, s18, $0x38;
	[tilespmem:$0x113C0] =	vst v63  }
0x260: {  	s23 =	sadd.s32 $0x420, s9;
	s1 =	simm.s32 $0x3BC0  }
0x261: {  	[hbm4b:s23+s18] =	stream.strided.scatter [tilespmem:s1], [sflag:$0x5], $0x400, s19, s18, $0x38;
	[tilespmem:$0x113C0] =	vst v63  }
0x262: {  	s2 =	sadd.s32 $0x430, s9;
	s14 =	simm.s32 $0x3FC0  }
0x263: {  	[hbm4b:s2+s18] =	stream.strided.scatter [tilespmem:s14], [sflag:$0x5], $0x400, s19, s18, $0x38;
	[tilespmem:$0x113C0] =	vst v63  }
0x264: {  	s15 =	sadd.s32 $0x600, s9;
	s22 =	simm.s32 $0x43C0  }
0x265: {  	[hbm4b:s15+s18] =	stream.strided.scatter [tilespmem:s22], [sflag:$0x5], $0x400, s19, s18, $0x38;
	[tilespmem:$0x113C0] =	vst v63  }
0x266: {  	s23 =	sadd.s32 $0x610, s9;
	s1 =	simm.s32 $0x47C0  }
0x267: {  	[hbm4b:s23+s18] =	stream.strided.scatter [tilespmem:s1], [sflag:$0x5], $0x400, s19, s18, $0x38;
	[tilespmem:$0x113C0] =	vst v63  }
0x268: {  	s2 =	sadd.s32 $0x620, s9;
	s14 =	simm.s32 $0x4BC0  }
0x269: {  	[hbm4b:s2+s18] =	stream.strided.scatter [tilespmem:s14], [sflag:$0x5], $0x400, s19, s18, $0x38;
	[tilespmem:$0x113C0] =	vst v63  }
0x26a: {  	s15 =	sadd.s32 $0x630, s9;
	s22 =	simm.s32 $0x4FC0  }
0x26b: {  	[hbm4b:s15+s18] =	stream.strided.scatter [tilespmem:s22], [sflag:$0x5], $0x400, s19, s18, $0x38;
	[tilespmem:$0x113C0] =	vst v63  }
0x26c: {  	s23 =	sadd.s32 $0x800, s9;
	s1 =	simm.s32 $0x53C0  }
0x26d: {  	[hbm4b:s23+s18] =	stream.strided.scatter [tilespmem:s1], [sflag:$0x5], $0x400, s19, s18, $0x38;
	[tilespmem:$0x113C0] =	vst v63  }
0x26e: {  	s2 =	sadd.s32 $0x810, s9;
	s14 =	simm.s32 $0x57C0  }
0x26f: {  	[hbm4b:s2+s18] =	stream.strided.scatter [tilespmem:s14], [sflag:$0x5], $0x400, s19, s18, $0x38;
	[tilespmem:$0x113C0] =	vst v63  }
0x270: {  	s15 =	sadd.s32 $0x820, s9;
	s22 =	simm.s32 $0x5BC0  }
0x271: {  	[hbm4b:s15+s18] =	stream.strided.scatter [tilespmem:s22], [sflag:$0x5], $0x400, s19, s18, $0x38;
	[tilespmem:$0x113C0] =	vst v63  }
0x272: {  	s23 =	sadd.s32 $0x830, s9;
	s1 =	simm.s32 $0x5FC0  }
0x273: {  	[hbm4b:s23+s18] =	stream.strided.scatter [tilespmem:s1], [sflag:$0x5], $0x400, s19, s18, $0x38;
	[tilespmem:$0x113C0] =	vst v63  }
0x274: {  	s2 =	sadd.s32 $0xA00, s9;
	s14 =	simm.s32 $0x63C0  }
0x275: {  	[hbm4b:s2+s18] =	stream.strided.scatter [tilespmem:s14], [sflag:$0x5], $0x400, s19, s18, $0x38;
	[tilespmem:$0x113C0] =	vst v63  }
0x276: {  	s15 =	sadd.s32 $0xA10, s9;
	s22 =	simm.s32 $0x67C0  }
0x277: {  	[hbm4b:s15+s18] =	stream.strided.scatter [tilespmem:s22], [sflag:$0x5], $0x400, s19, s18, $0x38;
	[tilespmem:$0x113C0] =	vst v63  }
0x278: {  	s23 =	sadd.s32 $0xA20, s9;
	s1 =	simm.s32 $0x6BC0  }
0x279: {  	[hbm4b:s23+s18] =	stream.strided.scatter [tilespmem:s1], [sflag:$0x5], $0x400, s19, s18, $0x38;
	[tilespmem:$0x113C0] =	vst v63  }
0x27a: {  	s2 =	sadd.s32 $0xA30, s9;
	s14 =	simm.s32 $0x6FC0  }
0x27b: {  	[hbm4b:s2+s18] =	stream.strided.scatter [tilespmem:s14], [sflag:$0x5], $0x400, s19, s18, $0x38;
	[tilespmem:$0x113C0] =	vst v63  }
0x27c: {  	s15 =	sadd.s32 $0xC00, s9;
	s22 =	simm.s32 $0x73C0  }
0x27d: {  	[hbm4b:s15+s18] =	stream.strided.scatter [tilespmem:s22], [sflag:$0x5], $0x400, s19, s18, $0x38;
	[tilespmem:$0x113C0] =	vst v63  }
0x27e: {  	s23 =	sadd.s32 $0xC10, s9;
	s1 =	simm.s32 $0x77C0  }
0x27f: {  	[hbm4b:s23+s18] =	stream.strided.scatter [tilespmem:s1], [sflag:$0x5], $0x400, s19, s18, $0x38;
	[tilespmem:$0x113C0] =	vst v63  }
0x280: {  	s2 =	sadd.s32 $0xC20, s9;
	s14 =	simm.s32 $0x7BC0  }
0x281: {  	[hbm4b:s2+s18] =	stream.strided.scatter [tilespmem:s14], [sflag:$0x5], $0x400, s19, s18, $0x38;
	[tilespmem:$0x113C0] =	vst v63  }
0x282: {  	s15 =	sadd.s32 $0xC30, s9;
	s22 =	simm.s32 $0x7FC0  }
0x283: {  	[hbm4b:s15+s18] =	stream.strided.scatter [tilespmem:s22], [sflag:$0x5], $0x400, s19, s18, $0x38;
	[tilespmem:$0x113C0] =	vst v63  }
0x284: {  	s23 =	sadd.s32 $0xE00, s9;
	s1 =	simm.s32 $0x83C0  }
0x285: {  	[hbm4b:s23+s18] =	stream.strided.scatter [tilespmem:s1], [sflag:$0x5], $0x400, s19, s18, $0x38;
	[tilespmem:$0x113C0] =	vst v63  }
0x286: {  	s2 =	sadd.s32 $0xE10, s9;
	s14 =	simm.s32 $0x87C0  }
0x287: {  	[hbm4b:s2+s18] =	stream.strided.scatter [tilespmem:s14], [sflag:$0x5], $0x400, s19, s18, $0x38;
	[tilespmem:$0x113C0] =	vst v63  }
0x288: {  	s15 =	sadd.s32 $0xE20, s9;
	s22 =	simm.s32 $0x8BC0  }
0x289: {  	[hbm4b:s15+s18] =	stream.strided.scatter [tilespmem:s22], [sflag:$0x5], $0x400, s19, s18, $0x38;
	[tilespmem:$0x113C0] =	vst v63  }
0x28a: {  	s23 =	sadd.s32 $0xE30, s9;
	s1 =	simm.s32 $0x8FC0  }
0x28b: {  	[hbm4b:s23+s18] =	stream.strided.scatter [tilespmem:s1], [sflag:$0x5], $0x400, s19, s18, $0x38;
	[tilespmem:$0x113C0] =	vst v63  }
0x28c: {  	_ =	swait.ge [sflag:s20], $0x8000  }
0x28d: {  	[sflag:s20] =	ssyncset.done $0x0  }
0x28e: {  	s2 =	simm.s32 $0x40;
	[sflag:s20] =	ssyncadd.s32 $0xFFFF8000  }
0x28f: {  	v1 =	vld [tilespmem:s2+$0x0];
	_ =	sdelay $0x4  }
0x290: {  	(v2sf) =	vpush v1, $0x0;
	_ =	sdelay $0xe  }
0x291: {  	s14 =	spop (v2sf)  }
0x292: {  	s0 =	sshll.u32 s14, $0xB  }
0x293: {  	s0 =	sshra.s32 s0, $0x2  }
0x294: {  	v1 =	vld [tilespmem:s0+$0x700]  }
0x295: {  	v2 =	vld [tilespmem:s0+$0x710]  }
0x296: {  	v3 =	vld [tilespmem:s0+$0x720]  }
0x297: {  	v4 =	vld [tilespmem:s0+$0x730]  }
0x298: {  	v5 =	vld [tilespmem:s0+$0x740]  }
0x299: {  	v6 =	vld [tilespmem:s0+$0x750]  }
0x29a: {  	v7 =	vld [tilespmem:s0+$0x760]  }
0x29b: {  	v8 =	vld [tilespmem:s0+$0x770]  }
0x29c: {  	v9 =	vld [tilespmem:s0+$0x780]  }
0x29d: {  	v10 =	vld [tilespmem:s0+$0x790]  }
0x29e: {  	v11 =	vld [tilespmem:s0+$0x7A0]  }
0x29f: {  	v12 =	vld [tilespmem:s0+$0x7B0]  }
0x2a0: {  	v13 =	vld [tilespmem:s0+$0x7C0]  }
0x2a1: {  	v14 =	vld [tilespmem:s0+$0x7D0]  }
0x2a2: {  	v15 =	vld [tilespmem:s0+$0x7E0]  }
0x2a3: {  	v16 =	vld [tilespmem:s0+$0x7F0]  }
0x2a4: {  	v17 =	vld [tilespmem:s0+$0x800]  }
0x2a5: {  	v18 =	vld [tilespmem:s0+$0x810]  }
0x2a6: {  	v19 =	vld [tilespmem:s0+$0x820]  }
0x2a7: {  	v20 =	vld [tilespmem:s0+$0x830]  }
0x2a8: {  	v21 =	vld [tilespmem:s0+$0x840]  }
0x2a9: {  	v22 =	vld [tilespmem:s0+$0x850]  }
0x2aa: {  	v23 =	vld [tilespmem:s0+$0x860]  }
0x2ab: {  	v24 =	vld [tilespmem:s0+$0x870]  }
0x2ac: {  	v25 =	vld [tilespmem:s0+$0x880]  }
0x2ad: {  	v26 =	vld [tilespmem:s0+$0x890]  }
0x2ae: {  	v27 =	vld [tilespmem:s0+$0x8A0]  }
0x2af: {  	v28 =	vld [tilespmem:s0+$0x8F0]  }
0x2b0: {  	v29 =	vld [tilespmem:s0+$0x8B0]  }
0x2b1: {  	s14 =	simm.s32 $0x0;
	v30 =	vld [tilespmem:s0+$0x8C0]  }
0x2b2: {  	s15 =	sand.u32 $0x7000, s14;
	s22 =	sand.u32 $0x380, s14;
	v31 =	vld [tilespmem:s0+$0x8D0]  }
0x2b3: {  	v32 =	vld [tilespmem:s0+$0x8E0];
	s2 =	sor.u32 s22, s15  }
0x2b4: {  	[tilespmem:s2+$0xA030] =	vst.add.f32.msk $0xffff, v28  }
0x2b5: {  	[tilespmem:s2+$0x93C0] =	vst.add.f32.msk $0xffff, v1  }
0x2b6: {  	[tilespmem:s2+$0x93D0] =	vst.add.f32.msk $0xffff, v2  }
0x2b7: {  	[tilespmem:s2+$0x93E0] =	vst.add.f32.msk $0xffff, v3  }
0x2b8: {  	[tilespmem:s2+$0x93F0] =	vst.add.f32.msk $0xffff, v4  }
0x2b9: {  	[tilespmem:s2+$0x9400] =	vst.add.f32.msk $0xffff, v5  }
0x2ba: {  	[tilespmem:s2+$0x9410] =	vst.add.f32.msk $0xffff, v6  }
0x2bb: {  	[tilespmem:s2+$0x9420] =	vst.add.f32.msk $0xffff, v7  }
0x2bc: {  	[tilespmem:s2+$0x9430] =	vst.add.f32.msk $0xffff, v8  }
0x2bd: {  	s15 =	simm.s32 $0x41;
	[tilespmem:s2+$0x97C0] =	vst.add.f32.msk $0xffff, v9  }
0x2be: {  	v1 =	vld [tilespmem:s15+$0x0]  }
0x2bf: {  	[tilespmem:s2+$0x97D0] =	vst.add.f32.msk $0xffff, v10  }
0x2c0: {  	[tilespmem:s2+$0x97E0] =	vst.add.f32.msk $0xffff, v11  }
0x2c1: {  	[tilespmem:s2+$0x97F0] =	vst.add.f32.msk $0xffff, v12  }
0x2c2: {  	[tilespmem:s2+$0x9800] =	vst.add.f32.msk $0xffff, v13  }
0x2c3: {  	[tilespmem:s2+$0x9810] =	vst.add.f32.msk $0xffff, v14;
	(v2sf) =	vpush v1, $0x0  }
0x2c4: {  	[tilespmem:s2+$0x9820] =	vst.add.f32.msk $0xffff, v15  }
0x2c5: {  	[tilespmem:s2+$0x9830] =	vst.add.f32.msk $0xffff, v16  }
0x2c6: {  	[tilespmem:s2+$0x9BC0] =	vst.add.f32.msk $0xffff, v17  }
0x2c7: {  	[tilespmem:s2+$0x9BD0] =	vst.add.f32.msk $0xffff, v18  }
0x2c8: {  	[tilespmem:s2+$0x9BE0] =	vst.add.f32.msk $0xffff, v19  }
0x2c9: {  	[tilespmem:s2+$0x9BF0] =	vst.add.f32.msk $0xffff, v20  }
0x2ca: {  	[tilespmem:s2+$0x9C00] =	vst.add.f32.msk $0xffff, v21  }
0x2cb: {  	[tilespmem:s2+$0x9C10] =	vst.add.f32.msk $0xffff, v22  }
0x2cc: {  	[tilespmem:s2+$0x9C20] =	vst.add.f32.msk $0xffff, v23  }
0x2cd: {  	[tilespmem:s2+$0x9C30] =	vst.add.f32.msk $0xffff, v24  }
0x2ce: {  	[tilespmem:s2+$0x9FC0] =	vst.add.f32.msk $0xffff, v25  }
0x2cf: {  	[tilespmem:s2+$0x9FD0] =	vst.add.f32.msk $0xffff, v26  }
0x2d0: {  	[tilespmem:s2+$0x9FE0] =	vst.add.f32.msk $0xffff, v27  }
0x2d1: {  	[tilespmem:s2+$0x9FF0] =	vst.add.f32.msk $0xffff, v29  }
0x2d2: {  	[tilespmem:s2+$0xA000] =	vst.add.f32.msk $0xffff, v30;
	s23 =	spop (v2sf)  }
0x2d3: {  	[tilespmem:s2+$0xA010] =	vst.add.f32.msk $0xffff, v31;
	s0 =	sshll.u32 s23, $0xB  }
0x2d4: {  	[tilespmem:s2+$0xA020] =	vst.add.f32.msk $0xffff, v32;
	s0 =	sshra.s32 s0, $0x2  }
0x2d5: {  	v1 =	vld [tilespmem:s0+$0x700]  }
0x2d6: {  	v2 =	vld [tilespmem:s0+$0x710]  }
0x2d7: {  	v3 =	vld [tilespmem:s0+$0x720]  }
0x2d8: {  	v4 =	vld [tilespmem:s0+$0x730]  }
0x2d9: {  	s30 =	simm.s32 $0x200;
	s22 =	simm.s32 $0x400;
	v5 =	vld [tilespmem:s0+$0x740]  }
.LBB2_4:
0x2da: {  	p0 =	sne.s32 s22, $0x7E00;
	v6 =	vld [tilespmem:s0+$0x750]  }
0x2db: {  	v7 =	vld [tilespmem:s0+$0x760]  }
0x2dc: {  	v8 =	vld [tilespmem:s0+$0x770]  }
0x2dd: {  	v9 =	vld [tilespmem:s0+$0x780]  }
0x2de: {  	v10 =	vld [tilespmem:s0+$0x790]  }
0x2df: {  	v11 =	vld [tilespmem:s0+$0x7A0]  }
0x2e0: {  	v12 =	vld [tilespmem:s0+$0x7B0]  }
0x2e1: {  	v13 =	vld [tilespmem:s0+$0x7C0]  }
0x2e2: {  	v14 =	vld [tilespmem:s0+$0x7D0]  }
0x2e3: {  	v15 =	vld [tilespmem:s0+$0x7E0]  }
0x2e4: {  	v16 =	vld [tilespmem:s0+$0x7F0]  }
0x2e5: {  	v17 =	vld [tilespmem:s0+$0x800]  }
0x2e6: {  	v18 =	vld [tilespmem:s0+$0x810]  }
0x2e7: {  	v19 =	vld [tilespmem:s0+$0x820]  }
0x2e8: {  	v20 =	vld [tilespmem:s0+$0x830]  }
0x2e9: {  	v21 =	vld [tilespmem:s0+$0x840]  }
0x2ea: {  	v22 =	vld [tilespmem:s0+$0x850]  }
0x2eb: {  	v23 =	vld [tilespmem:s0+$0x860]  }
0x2ec: {  	v24 =	vld [tilespmem:s0+$0x870]  }
0x2ed: {  	v25 =	vld [tilespmem:s0+$0x880]  }
0x2ee: {  	v26 =	vld [tilespmem:s0+$0x890]  }
0x2ef: {  	v27 =	vld [tilespmem:s0+$0x8A0]  }
0x2f0: {  	v28 =	vld [tilespmem:s0+$0x8F0]  }
0x2f1: {  	v29 =	vld [tilespmem:s0+$0x8B0]  }
0x2f2: {  	s14 =	sadd.s32 $0x80, s14;
	v30 =	vld [tilespmem:s0+$0x8C0]  }
0x2f3: {  	s2 =	sand.u32 $0x7000, s30;
	s30 =	smov.u32 s22;
	s23 =	sand.u32 $0x380, s14;
	v31 =	vld [tilespmem:s0+$0x8D0]  }
0x2f4: {  	s23 =	sor.u32 s23, s2;
	v32 =	vld [tilespmem:s0+$0x8E0]  }
0x2f5: {  	[tilespmem:s23+$0xA030] =	vst.add.f32.msk $0xffff, v28  }
0x2f6: {  	[tilespmem:s23+$0x93C0] =	vst.add.f32.msk $0xffff, v1  }
0x2f7: {  	[tilespmem:s23+$0x93D0] =	vst.add.f32.msk $0xffff, v2  }
0x2f8: {  	[tilespmem:s23+$0x93E0] =	vst.add.f32.msk $0xffff, v3  }
0x2f9: {  	[tilespmem:s23+$0x93F0] =	vst.add.f32.msk $0xffff, v4  }
0x2fa: {  	[tilespmem:s23+$0x9400] =	vst.add.f32.msk $0xffff, v5  }
0x2fb: {  	[tilespmem:s23+$0x9410] =	vst.add.f32.msk $0xffff, v6  }
0x2fc: {  	[tilespmem:s23+$0x9420] =	vst.add.f32.msk $0xffff, v7  }
0x2fd: {  	[tilespmem:s23+$0x9430] =	vst.add.f32.msk $0xffff, v8  }
0x2fe: {  	s15 =	sadd.s32 $0x1, s15;
	[tilespmem:s23+$0x97C0] =	vst.add.f32.msk $0xffff, v9  }
0x2ff: {  	v1 =	vld [tilespmem:s15+$0x0]  }
0x300: {  	[tilespmem:s23+$0x97D0] =	vst.add.f32.msk $0xffff, v10  }
0x301: {  	[tilespmem:s23+$0x97E0] =	vst.add.f32.msk $0xffff, v11  }
0x302: {  	[tilespmem:s23+$0x97F0] =	vst.add.f32.msk $0xffff, v12  }
0x303: {  	[tilespmem:s23+$0x9800] =	vst.add.f32.msk $0xffff, v13  }
0x304: {  	(v2sf) =	vpush v1, $0x0;
	[tilespmem:s23+$0x9810] =	vst.add.f32.msk $0xffff, v14  }
0x305: {  	[tilespmem:s23+$0x9820] =	vst.add.f32.msk $0xffff, v15  }
0x306: {  	[tilespmem:s23+$0x9830] =	vst.add.f32.msk $0xffff, v16  }
0x307: {  	[tilespmem:s23+$0x9BC0] =	vst.add.f32.msk $0xffff, v17  }
0x308: {  	[tilespmem:s23+$0x9BD0] =	vst.add.f32.msk $0xffff, v18  }
0x309: {  	[tilespmem:s23+$0x9BE0] =	vst.add.f32.msk $0xffff, v19  }
0x30a: {  	[tilespmem:s23+$0x9BF0] =	vst.add.f32.msk $0xffff, v20  }
0x30b: {  	[tilespmem:s23+$0x9C00] =	vst.add.f32.msk $0xffff, v21  }
0x30c: {  	[tilespmem:s23+$0x9C10] =	vst.add.f32.msk $0xffff, v22  }
0x30d: {  	[tilespmem:s23+$0x9C20] =	vst.add.f32.msk $0xffff, v23  }
0x30e: {  	[tilespmem:s23+$0x9C30] =	vst.add.f32.msk $0xffff, v24  }
0x30f: {  	[tilespmem:s23+$0x9FC0] =	vst.add.f32.msk $0xffff, v25  }
0x310: {  	[tilespmem:s23+$0x9FD0] =	vst.add.f32.msk $0xffff, v26  }
0x311: {  	[tilespmem:s23+$0x9FE0] =	vst.add.f32.msk $0xffff, v27  }
0x312: {  	[tilespmem:s23+$0x9FF0] =	vst.add.f32.msk $0xffff, v29  }
0x313: {  	s0 =	spop (v2sf);
	[tilespmem:s23+$0xA000] =	vst.add.f32.msk $0xffff, v30  }
0x314: {  	s0 =	sshll.u32 s0, $0xB;
	[tilespmem:s23+$0xA010] =	vst.add.f32.msk $0xffff, v31  }
0x315: {  	s0 =	sshra.s32 s0, $0x2;
	[tilespmem:s23+$0xA020] =	vst.add.f32.msk $0xffff, v32  }
.Ltmp1:
0x316: {  	v1 =	vld [tilespmem:s0+$0x700];
	(pc) =	sbr.rel @p0 .LBB2_4-.Ltmp1, $4  }
0x317: {  	v2 =	vld [tilespmem:s0+$0x710]  }
0x318: {  	v3 =	vld [tilespmem:s0+$0x720]  }
0x319: {  	v4 =	vld [tilespmem:s0+$0x730]  }
0x31a: {  	s22 =	sadd.s32 $0x200, s22;
	v5 =	vld [tilespmem:s0+$0x740]  }
0x31b: {  	v6 =	vld [tilespmem:s0+$0x750]  }
0x31c: {  	v7 =	vld [tilespmem:s0+$0x760]  }
0x31d: {  	v8 =	vld [tilespmem:s0+$0x770]  }
0x31e: {  	v9 =	vld [tilespmem:s0+$0x780]  }
0x31f: {  	v10 =	vld [tilespmem:s0+$0x790]  }
0x320: {  	v11 =	vld [tilespmem:s0+$0x7A0]  }
0x321: {  	v12 =	vld [tilespmem:s0+$0x7B0]  }
0x322: {  	v13 =	vld [tilespmem:s0+$0x7C0]  }
0x323: {  	v14 =	vld [tilespmem:s0+$0x7D0]  }
0x324: {  	v15 =	vld [tilespmem:s0+$0x7E0]  }
0x325: {  	v16 =	vld [tilespmem:s0+$0x7F0]  }
0x326: {  	v17 =	vld [tilespmem:s0+$0x800]  }
0x327: {  	v18 =	vld [tilespmem:s0+$0x810]  }
0x328: {  	v19 =	vld [tilespmem:s0+$0x820]  }
0x329: {  	v20 =	vld [tilespmem:s0+$0x830]  }
0x32a: {  	v21 =	vld [tilespmem:s0+$0x840]  }
0x32b: {  	v22 =	vld [tilespmem:s0+$0x850]  }
0x32c: {  	v23 =	vld [tilespmem:s0+$0x860]  }
0x32d: {  	v24 =	vld [tilespmem:s0+$0x870]  }
0x32e: {  	v25 =	vld [tilespmem:s0+$0x880]  }
0x32f: {  	v26 =	vld [tilespmem:s0+$0x890]  }
0x330: {  	v27 =	vld [tilespmem:s0+$0x8A0]  }
0x331: {  	v28 =	vld [tilespmem:s0+$0x8F0]  }
0x332: {  	v29 =	vld [tilespmem:s0+$0x8B0]  }
0x333: {  	v30 =	vld [tilespmem:s0+$0x8C0];
	s2 =	sadd.s32 $0x80, s14  }
0x334: {  	v31 =	vld [tilespmem:s0+$0x8D0];
	s15 =	sand.u32 $0x7000, s30;
	s2 =	sand.u32 $0x380, s2  }
0x335: {  	v32 =	vld [tilespmem:s0+$0x8E0];
	s22 =	sor.u32 s2, s15  }
0x336: {  	[tilespmem:s22+$0x93C0] =	vst.add.f32.msk $0xffff, v1  }
0x337: {  	[tilespmem:s22+$0x93D0] =	vst.add.f32.msk $0xffff, v2  }
0x338: {  	[tilespmem:s22+$0x93E0] =	vst.add.f32.msk $0xffff, v3  }
0x339: {  	[tilespmem:s22+$0x93F0] =	vst.add.f32.msk $0xffff, v4  }
0x33a: {  	[tilespmem:s22+$0x9400] =	vst.add.f32.msk $0xffff, v5  }
0x33b: {  	[tilespmem:s22+$0xA030] =	vst.add.f32.msk $0xffff, v28  }
0x33c: {  	[tilespmem:s22+$0x9410] =	vst.add.f32.msk $0xffff, v6  }
0x33d: {  	[tilespmem:s22+$0x9420] =	vst.add.f32.msk $0xffff, v7  }
0x33e: {  	[tilespmem:s22+$0x9430] =	vst.add.f32.msk $0xffff, v8  }
0x33f: {  	[tilespmem:s22+$0x97C0] =	vst.add.f32.msk $0xffff, v9  }
0x340: {  	[tilespmem:s22+$0x97D0] =	vst.add.f32.msk $0xffff, v10  }
0x341: {  	[tilespmem:s22+$0x97E0] =	vst.add.f32.msk $0xffff, v11  }
0x342: {  	[tilespmem:s22+$0x97F0] =	vst.add.f32.msk $0xffff, v12  }
0x343: {  	[tilespmem:s22+$0x9800] =	vst.add.f32.msk $0xffff, v13  }
0x344: {  	[tilespmem:s22+$0x9810] =	vst.add.f32.msk $0xffff, v14  }
0x345: {  	[tilespmem:s22+$0x9820] =	vst.add.f32.msk $0xffff, v15  }
0x346: {  	[tilespmem:s22+$0x9830] =	vst.add.f32.msk $0xffff, v16  }
0x347: {  	[tilespmem:s22+$0x9BC0] =	vst.add.f32.msk $0xffff, v17  }
0x348: {  	[tilespmem:s22+$0x9BD0] =	vst.add.f32.msk $0xffff, v18  }
0x349: {  	[tilespmem:s22+$0x9BE0] =	vst.add.f32.msk $0xffff, v19  }
0x34a: {  	[tilespmem:s22+$0x9BF0] =	vst.add.f32.msk $0xffff, v20  }
0x34b: {  	[tilespmem:s22+$0x9C00] =	vst.add.f32.msk $0xffff, v21  }
0x34c: {  	[tilespmem:s22+$0x9C10] =	vst.add.f32.msk $0xffff, v22  }
0x34d: {  	[tilespmem:s22+$0x9C20] =	vst.add.f32.msk $0xffff, v23  }
0x34e: {  	[tilespmem:s22+$0x9C30] =	vst.add.f32.msk $0xffff, v24  }
0x34f: {  	[tilespmem:s22+$0x9FC0] =	vst.add.f32.msk $0xffff, v25  }
0x350: {  	[tilespmem:s22+$0x9FD0] =	vst.add.f32.msk $0xffff, v26  }
0x351: {  	[tilespmem:s22+$0x9FE0] =	vst.add.f32.msk $0xffff, v27  }
0x352: {  	[tilespmem:s22+$0x9FF0] =	vst.add.f32.msk $0xffff, v29  }
0x353: {  	[tilespmem:s22+$0xA000] =	vst.add.f32.msk $0xffff, v30  }
0x354: {  	[tilespmem:s22+$0xA010] =	vst.add.f32.msk $0xffff, v31  }
0x355: {  	s14 =	simm.s32 $0x93C0;
	[tilespmem:s22+$0xA020] =	vst.add.f32.msk $0xffff, v32  }
0x356: {  	[hbm4b:s10+s18] =	stream.strided.scatter [tilespmem:s14], [sflag:$0x6], $0x400, s19, s18, $0x38;
	[tilespmem:$0x113C0] =	vst v63  }
0x357: {  	s23 =	sadd.s32 $0x10, s10;
	s15 =	simm.s32 $0x97C0  }
0x358: {  	[hbm4b:s23+s18] =	stream.strided.scatter [tilespmem:s15], [sflag:$0x6], $0x400, s19, s18, $0x38;
	[tilespmem:$0x113C0] =	vst v63  }
0x359: {  	s1 =	sadd.s32 $0x20, s10;
	s22 =	simm.s32 $0x9BC0  }
0x35a: {  	[hbm4b:s1+s18] =	stream.strided.scatter [tilespmem:s22], [sflag:$0x6], $0x400, s19, s18, $0x38;
	[tilespmem:$0x113C0] =	vst v63  }
0x35b: {  	s2 =	sadd.s32 $0x30, s10;
	s23 =	simm.s32 $0x9FC0  }
0x35c: {  	[hbm4b:s2+s18] =	stream.strided.scatter [tilespmem:s23], [sflag:$0x6], $0x400, s19, s18, $0x38;
	[tilespmem:$0x113C0] =	vst v63  }
0x35d: {  	s30 =	simm.s32 $0xA3C0;
	s1 =	sadd.s32 $0x200, s10  }
0x35e: {  	[hbm4b:s1+s18] =	stream.strided.scatter [tilespmem:s30], [sflag:$0x6], $0x400, s19, s18, $0x38;
	[tilespmem:$0x113C0] =	vst v63  }
0x35f: {  	s2 =	sadd.s32 $0x210, s10;
	s1 =	simm.s32 $0xA7C0  }
0x360: {  	[hbm4b:s2+s18] =	stream.strided.scatter [tilespmem:s1], [sflag:$0x6], $0x400, s19, s18, $0x38;
	[tilespmem:$0x113C0] =	vst v63  }
0x361: {  	s1 =	sadd.s32 $0x220, s10;
	s2 =	simm.s32 $0xABC0  }
0x362: {  	[hbm4b:s1+s18] =	stream.strided.scatter [tilespmem:s2], [sflag:$0x6], $0x400, s19, s18, $0x38;
	[tilespmem:$0x113C0] =	vst v63  }
0x363: {  	s1 =	sadd.s32 $0x230, s10;
	s2 =	simm.s32 $0xAFC0  }
0x364: {  	[hbm4b:s1+s18] =	stream.strided.scatter [tilespmem:s2], [sflag:$0x6], $0x400, s19, s18, $0x38;
	[tilespmem:$0x113C0] =	vst v63  }
0x365: {  	s1 =	sadd.s32 $0x400, s10;
	s2 =	simm.s32 $0xB3C0  }
0x366: {  	[hbm4b:s1+s18] =	stream.strided.scatter [tilespmem:s2], [sflag:$0x6], $0x400, s19, s18, $0x38;
	[tilespmem:$0x113C0] =	vst v63  }
0x367: {  	s1 =	sadd.s32 $0x410, s10;
	s2 =	simm.s32 $0xB7C0  }
0x368: {  	[hbm4b:s1+s18] =	stream.strided.scatter [tilespmem:s2], [sflag:$0x6], $0x400, s19, s18, $0x38;
	[tilespmem:$0x113C0] =	vst v63  }
0x369: {  	s1 =	sadd.s32 $0x420, s10;
	s2 =	simm.s32 $0xBBC0  }
0x36a: {  	[hbm4b:s1+s18] =	stream.strided.scatter [tilespmem:s2], [sflag:$0x6], $0x400, s19, s18, $0x38;
	[tilespmem:$0x113C0] =	vst v63  }
0x36b: {  	s1 =	sadd.s32 $0x430, s10;
	s2 =	simm.s32 $0xBFC0  }
0x36c: {  	[hbm4b:s1+s18] =	stream.strided.scatter [tilespmem:s2], [sflag:$0x6], $0x400, s19, s18, $0x38;
	[tilespmem:$0x113C0] =	vst v63  }
0x36d: {  	s1 =	sadd.s32 $0x600, s10;
	s2 =	simm.s32 $0xC3C0  }
0x36e: {  	[hbm4b:s1+s18] =	stream.strided.scatter [tilespmem:s2], [sflag:$0x6], $0x400, s19, s18, $0x38;
	[tilespmem:$0x113C0] =	vst v63  }
0x36f: {  	s1 =	sadd.s32 $0x610, s10;
	s2 =	simm.s32 $0xC7C0  }
0x370: {  	[hbm4b:s1+s18] =	stream.strided.scatter [tilespmem:s2], [sflag:$0x6], $0x400, s19, s18, $0x38;
	[tilespmem:$0x113C0] =	vst v63  }
0x371: {  	s1 =	sadd.s32 $0x620, s10;
	s2 =	simm.s32 $0xCBC0  }
0x372: {  	[hbm4b:s1+s18] =	stream.strided.scatter [tilespmem:s2], [sflag:$0x6], $0x400, s19, s18, $0x38;
	[tilespmem:$0x113C0] =	vst v63  }
0x373: {  	s1 =	sadd.s32 $0x630, s10;
	s2 =	simm.s32 $0xCFC0  }
0x374: {  	[hbm4b:s1+s18] =	stream.strided.scatter [tilespmem:s2], [sflag:$0x6], $0x400, s19, s18, $0x38;
	[tilespmem:$0x113C0] =	vst v63  }
0x375: {  	s1 =	sadd.s32 $0x800, s10;
	s2 =	simm.s32 $0xD3C0  }
0x376: {  	[hbm4b:s1+s18] =	stream.strided.scatter [tilespmem:s2], [sflag:$0x6], $0x400, s19, s18, $0x38;
	[tilespmem:$0x113C0] =	vst v63  }
0x377: {  	s1 =	sadd.s32 $0x810, s10;
	s2 =	simm.s32 $0xD7C0  }
0x378: {  	[hbm4b:s1+s18] =	stream.strided.scatter [tilespmem:s2], [sflag:$0x6], $0x400, s19, s18, $0x38;
	[tilespmem:$0x113C0] =	vst v63  }
0x379: {  	s1 =	sadd.s32 $0x820, s10;
	s2 =	simm.s32 $0xDBC0  }
0x37a: {  	[hbm4b:s1+s18] =	stream.strided.scatter [tilespmem:s2], [sflag:$0x6], $0x400, s19, s18, $0x38;
	[tilespmem:$0x113C0] =	vst v63  }
0x37b: {  	s1 =	sadd.s32 $0x830, s10;
	s2 =	simm.s32 $0xDFC0  }
0x37c: {  	[hbm4b:s1+s18] =	stream.strided.scatter [tilespmem:s2], [sflag:$0x6], $0x400, s19, s18, $0x38;
	[tilespmem:$0x113C0] =	vst v63  }
0x37d: {  	s1 =	sadd.s32 $0xA00, s10;
	s2 =	simm.s32 $0xE3C0  }
0x37e: {  	[hbm4b:s1+s18] =	stream.strided.scatter [tilespmem:s2], [sflag:$0x6], $0x400, s19, s18, $0x38;
	[tilespmem:$0x113C0] =	vst v63  }
0x37f: {  	s1 =	sadd.s32 $0xA10, s10;
	s2 =	simm.s32 $0xE7C0  }
0x380: {  	[hbm4b:s1+s18] =	stream.strided.scatter [tilespmem:s2], [sflag:$0x6], $0x400, s19, s18, $0x38;
	[tilespmem:$0x113C0] =	vst v63  }
0x381: {  	s1 =	sadd.s32 $0xA20, s10;
	s2 =	simm.s32 $0xEBC0  }
0x382: {  	[hbm4b:s1+s18] =	stream.strided.scatter [tilespmem:s2], [sflag:$0x6], $0x400, s19, s18, $0x38;
	[tilespmem:$0x113C0] =	vst v63  }
0x383: {  	s1 =	sadd.s32 $0xA30, s10;
	s2 =	simm.s32 $0xEFC0  }
0x384: {  	[hbm4b:s1+s18] =	stream.strided.scatter [tilespmem:s2], [sflag:$0x6], $0x400, s19, s18, $0x38;
	[tilespmem:$0x113C0] =	vst v63  }
0x385: {  	s1 =	sadd.s32 $0xC00, s10;
	s2 =	simm.s32 $0xF3C0  }
0x386: {  	[hbm4b:s1+s18] =	stream.strided.scatter [tilespmem:s2], [sflag:$0x6], $0x400, s19, s18, $0x38;
	[tilespmem:$0x113C0] =	vst v63  }
0x387: {  	s1 =	sadd.s32 $0xC10, s10  }
0x388: {  	[hbm4b:s1+s18] =	stream.strided.scatter [tilespmem:s24], [sflag:$0x6], $0x400, s19, s18, $0x38;
	[tilespmem:$0x113C0] =	vst v63  }
0x389: {  	s2 =	sadd.s32 $0xC20, s10  }
0x38a: {  	[hbm4b:s2+s18] =	stream.strided.scatter [tilespmem:s4], [sflag:$0x6], $0x400, s19, s18, $0x38;
	[tilespmem:$0x113C0] =	vst v63  }
0x38b: {  	s1 =	sadd.s32 $0xC30, s10  }
0x38c: {  	[hbm4b:s1+s18] =	stream.strided.scatter [tilespmem:s25], [sflag:$0x6], $0x400, s19, s18, $0x38;
	[tilespmem:$0x113C0] =	vst v63  }
0x38d: {  	s2 =	sadd.s32 $0xE00, s10  }
0x38e: {  	[hbm4b:s2+s18] =	stream.strided.scatter [tilespmem:s5], [sflag:$0x6], $0x400, s19, s18, $0x38;
	[tilespmem:$0x113C0] =	vst v63  }
0x38f: {  	s1 =	sadd.s32 $0xE10, s10  }
0x390: {  	[hbm4b:s1+s18] =	stream.strided.scatter [tilespmem:s26], [sflag:$0x6], $0x400, s19, s18, $0x38;
	[tilespmem:$0x113C0] =	vst v63  }
0x391: {  	s2 =	sadd.s32 $0xE20, s10  }
0x392: {  	[hbm4b:s2+s18] =	stream.strided.scatter [tilespmem:s7], [sflag:$0x6], $0x400, s19, s18, $0x38;
	[tilespmem:$0x113C0] =	vst v63  }
0x393: {  	s1 =	sadd.s32 $0xE30, s10  }
0x394: {  	[hbm4b:s1+s18] =	stream.strided.scatter [tilespmem:s28], [sflag:$0x6], $0x400, s19, s18, $0x38;
	[tilespmem:$0x113C0] =	vst v63  }
0x395: {  	_ =	swait.ge [sflag:s12], $0x8000  }
0x396: {  	[sflag:s12] =	ssyncset.done $0x0  }
0x397: {  	[sflag:s12] =	ssyncadd.s32 $0xFFFF8000  }
0x398: {  	_ =	swait.ge [sflag:s29], $0x8000  }
0x399: {  	s13 =	sadd.s32 $0x1, s13;
	s2 =	rddreg [dreg:$0x9]  }
0x39a: {  	p0 =	sne.s32 s13, s2  }
.Ltmp2:
0x39b: {  	_ = 	snop;
	(pc) =	sbr.rel @p0 .LBB2_1-.Ltmp2, $3  }
0x39c: {  	_ =	sdelay $0x1  }
0x39d: {  	[sflag:s29] =	ssyncset.done $0x0  }
0x39e: {  	[sflag:s29] =	ssyncadd.s32 $0xFFFF8000  }
0x39f: {  	_ =	sfence.sel $0x180000  }
0x3a0: {  	[bflag:$0x0] =	sbarrier.arrive $0xFFFF  }
0x3a1: {  	_ =	strace $0x90000047  }
0x3a2: {  	s0 =	stileid.u32;
	[bflag:$0x2] =	sbarrier.arrive $0xFFFF  }
0x3a3: {  	p0 =	sne.s32 s0, $0x0;
	s0 =	rddreg [dreg:$0x5]  }
0x3a4: {  	s0 =	sadd.s32 @!p0 $0x100000, s0  }
0x3a5: {  	[sflag:s0] =	ssyncadd.tile.s32 @!p0 $0x1;
	_ =	shalt  }
.Lfunc_end2:
_tile_overlayer_lowered:
.L_overlay_start_2:
0x3a6: {  	(tag) =	ssettag $0x2  }
0x3a7: {  	s0 =	rddreg [dreg:$0x0];
	s2 =	stileid.u32  }
0x3a8: {  	s1 =	rddreg [dreg:$0x1];
	p0 =	sne.s32 s2, $0x0  }
0x3a9: {  	s3 =	rddreg [dreg:$0x2];
	[bflag:$0x3] =	sbarrier.arrive $0xFFFF;
	s2 =	simm.s32 @!p0 $0x1C07  }
0x3aa: {  	[timem:s3], [sflag:s2] =	dma.local @!p0 [hbm:s0], s1  }
0x3ab: {  	s0 =	simm.s32 @!p0 $0x7  }
0x3ac: {  	_ =	swait.ge @!p0 [sflag:s0], s1  }
0x3ad: {  	s1 =	ssub.s32 @!p0 $0x0, s1;
	[sflag:s0] =	ssyncset.done @!p0 $0x0  }
0x3ae: {  	[sflag:s0] =	ssyncadd.s32 @!p0 s1  }
0x3af: {  	[bflag:$0x3] =	sbarrier.arrive $0xFFFF  }
0x3b0: {  	_ =	shalt  }

</sc_bundles>
